<compile_context>
chip_gen: v7x
topology: tpu7x:2x2x1
jax: 0.10.2.dev20260603
libtpu: 0.0.44.dev20260713+nightly
codegen_flags: <defaults>
</compile_context>

<pallas_src>
import functools

import jax
import jax.numpy as jnp
from jax import lax
from jax.experimental import pallas as pl
from jax.experimental.pallas import tpu as pltpu
from jax.experimental.pallas import tpu_sc as plsc

B = 16384
D = 64

_NC = 2
_NS = 16
NW = _NC * _NS
BPW = B // NW
CH = 128
NCH = BPW // CH


def _take(x, idx):
    dnums = lax.GatherDimensionNumbers(
        offset_dims=(), collapsed_slice_dims=(0,), start_index_map=(0,))
    return lax.gather(x, idx[:, None], dnums, (1,),
                      mode=lax.GatherScatterMode.PROMISE_IN_BOUNDS)


def _attention(w1, b1p, w2, b2p, wv):
    pltpu.sync_copy(w1, wv.at[0])
    pltpu.sync_copy(b1p, wv.at[1])
    pltpu.sync_copy(w2, wv.at[2])
    pltpu.sync_copy(b2p, wv.at[3])
    lane = lax.iota(jnp.int32, 16)
    ridx = lax.convert_element_type(lax.shift_right_logical(lane, 2), jnp.float32)
    t = wv[0, :] * ridx
    u = t + _take(t, lane ^ 8)
    v = u + _take(u, lane ^ 4)
    h = jnp.maximum(v + wv[1, :], 0.0)
    h = jnp.where(lane < 4, h, 0.0)
    hb = _take(h, lax.shift_right_logical(lane, 2))
    t2 = hb * wv[2, :]
    u2 = t2 + _take(t2, lane ^ 8)
    v2 = u2 + _take(u2, lane ^ 4)
    lg = jnp.where(lane < 4, v2 + wv[3, :], -1e30)
    m = lg
    for sh in (8, 4, 2, 1):
        m = jnp.maximum(m, _take(m, lane ^ sh))
    e = jnp.exp(lg - m)
    s = e
    for sh in (8, 4, 2, 1):
        s = s + _take(s, lane ^ sh)
    att = e / s
    return [_take(att, jnp.full((16,), i, jnp.int32)) for i in range(4)]


def _prefetch_idx(ibufs, feats, base, sem):
    hs = []
    for ib, fb in zip(ibufs, feats):
        for c in range(NCH):
            hs.append(pltpu.async_copy(
                fb.at[pl.ds(base + c * CH, CH)], ib.at[c], sem))
    for h in hs:
        h.wait()


def _pipeline(fire, compute, out_write):
    hg = {0: fire(0)}
    ho = {}
    for c in range(NCH):
        if c + 1 < NCH:
            if c - 1 >= 0:
                ho[c - 1].wait()
            hg[c + 1] = fire(c + 1)
        for cp in hg[c]:
            cp.wait()
        compute(c)
        ho[c] = out_write(c)
    ho[NCH - 2].wait()
    ho[NCH - 1].wait()


def _sc_small(f1, f2, f3, e1, e2, e3, w1, b1p, w2, b2p,
              out, wv, i1, i2, i3,
              ga0, gb0, gc0, ga1, gb1, gc1,
              sem_i, sg0, sg1, so0, so1):
    wid = lax.axis_index("s") * _NC + lax.axis_index("c")
    base = wid * BPW
    _, a1, a2, a3 = _attention(w1, b1p, w2, b2p, wv)

    _prefetch_idx((i1, i2, i3), (f1, f2, f3), base, sem_i)
    gbs = ((ga0, gb0, gc0), (ga1, gb1, gc1))
    sgs = (sg0, sg1)
    sos = (so0, so1)

    def fire(c):
        p = c % 2
        gg = gbs[p]
        return [
            pltpu.async_copy(e1.at[i1.at[c]], gg[0], sgs[p]),
            pltpu.async_copy(e2.at[i2.at[c]], gg[1], sgs[p]),
            pltpu.async_copy(e3.at[i3.at[c]], gg[2], sgs[p]),
        ]

    def compute(c):
        gg = gbs[c % 2]

        def body(r, carry):
            for j in range(D // 16):
                sl = pl.ds(16 * j, 16)
                gg[0][r, sl] = (a1 * gg[0][r, sl] + a2 * gg[1][r, sl]
                                + a3 * gg[2][r, sl])
            return carry

        lax.fori_loop(0, CH, body, 0)

    def out_write(c):
        p = c % 2
        return pltpu.async_copy(
            gbs[p][0], out.at[pl.ds(base + c * CH, CH)], sos[p])

    _pipeline(fire, compute, out_write)


def _sc_big(f0, node, e0, partial, w1, b1p, w2, b2p,
            out, wv, i0,
            nb0, g0, pb0, nb1, g1, pb1,
            sem_i, sg0, sg1, so0, so1):
    wid = lax.axis_index("s") * _NC + lax.axis_index("c")
    base = wid * BPW
    a0 = _attention(w1, b1p, w2, b2p, wv)[0]

    _prefetch_idx((i0,), (f0,), base, sem_i)
    bufs = ((nb0, g0, pb0), (nb1, g1, pb1))
    sgs = (sg0, sg1)
    sos = (so0, so1)

    def fire(c):
        p = c % 2
        nb, gg, pb = bufs[p]
        return [
            pltpu.async_copy(node.at[i0.at[c]], nb, sgs[p]),
            pltpu.async_copy(e0.at[i0.at[c]], gg, sgs[p]),
            pltpu.async_copy(partial.at[pl.ds(base + c * CH, CH)], pb, sgs[p]),
        ]

    def compute(c):
        nb, gg, pb = bufs[c % 2]

        def body(r, carry):
            for j in range(D // 16):
                sl = pl.ds(16 * j, 16)
                nb[r, sl] = nb[r, sl] + a0 * gg[r, sl] + pb[r, sl]
            return carry

        lax.fori_loop(0, CH, body, 0)

    def out_write(c):
        p = c % 2
        return pltpu.async_copy(
            bufs[p][0], out.at[pl.ds(base + c * CH, CH)], sos[p])

    _pipeline(fire, compute, out_write)


_kernel_cache = []


def _build():
    if not _kernel_cache:
        mesh = plsc.VectorSubcoreMesh(core_axis_name="c", subcore_axis_name="s")
        params = pltpu.CompilerParams(use_tc_tiling_on_sc=False)
        k_small = functools.partial(
            pl.kernel, mesh=mesh, compiler_params=params,
            out_type=jax.ShapeDtypeStruct((B, D), jnp.float32),
            scratch_types=[
                pltpu.VMEM((4, 16), jnp.float32),
                pltpu.VMEM((NCH, CH), jnp.int32),
                pltpu.VMEM((NCH, CH), jnp.int32),
                pltpu.VMEM((NCH, CH), jnp.int32),
                pltpu.VMEM((CH, D), jnp.float32),
                pltpu.VMEM((CH, D), jnp.float32),
                pltpu.VMEM((CH, D), jnp.float32),
                pltpu.VMEM((CH, D), jnp.float32),
                pltpu.VMEM((CH, D), jnp.float32),
                pltpu.VMEM((CH, D), jnp.float32),
                pltpu.SemaphoreType.DMA,
                pltpu.SemaphoreType.DMA,
                pltpu.SemaphoreType.DMA,
                pltpu.SemaphoreType.DMA,
                pltpu.SemaphoreType.DMA,
            ],
        )(_sc_small)
        k_big = functools.partial(
            pl.kernel, mesh=mesh, compiler_params=params,
            out_type=jax.ShapeDtypeStruct((B, D), jnp.float32),
            scratch_types=[
                pltpu.VMEM((4, 16), jnp.float32),
                pltpu.VMEM((NCH, CH), jnp.int32),
                pltpu.VMEM((CH, D), jnp.float32),
                pltpu.VMEM((CH, D), jnp.float32),
                pltpu.VMEM((CH, D), jnp.float32),
                pltpu.VMEM((CH, D), jnp.float32),
                pltpu.VMEM((CH, D), jnp.float32),
                pltpu.VMEM((CH, D), jnp.float32),
                pltpu.SemaphoreType.DMA,
                pltpu.SemaphoreType.DMA,
                pltpu.SemaphoreType.DMA,
                pltpu.SemaphoreType.DMA,
                pltpu.SemaphoreType.DMA,
            ],
        )(_sc_big)
        _kernel_cache.append((k_small, k_big))
    return _kernel_cache[0]


@jax.jit
def kernel(feat_0, feat_1, feat_2, feat_3, node_table,
           emb_0, emb_1, emb_2, emb_3, W1, b1, W2, b2):
    w1f = W1.reshape(16)
    w2f = W2.reshape(16)
    b1p = jnp.pad(b1, (0, 12))
    b2p = jnp.pad(b2, (0, 12))
    k_small, k_big = _build()
    partial = k_small(feat_1, feat_2, feat_3, emb_1, emb_2, emb_3,
                      w1f, b1p, w2f, b2p)
    return k_big(feat_0, node_table, emb_0, partial, w1f, b1p, w2f, b2p)

# --- scband reference (transcript-rebuilt; emitter-appended) ---
"""Pipeline reference for scband-eges-8589934592059 (READ-ONLY COPY).

The authoritative reference and input builder live on the scoring server;
editing this copy changes nothing except your own understanding.
"""

import jax, jax.numpy as jnp
import numpy as np

B = 16384
D = 64
FEATURE_LENS = [100000, 50000, 10000, 1000]
F = len(FEATURE_LENS)
NUM_NODES = 100000


def setup_inputs(seed: int = 0):
    key = jax.random.key(seed)
    ks = jax.random.split(key, 14)
    inp = {}
    for i, L in enumerate(FEATURE_LENS):
        inp["feat_%d" % i] = jax.random.randint(ks[i], (B,), 0, L, dtype=jnp.int32)
    # node2vec embedding table (materialized directly; Node2Vec module is just an nn.Embedding over nodes)
    inp["node_table"] = jax.random.normal(ks[4], (NUM_NODES, D), dtype=jnp.float32) * 0.02
    # side-info embedding tables, xavier-uniform init like the torch code
    for i, L in enumerate(FEATURE_LENS):
        lim = float(np.sqrt(6.0 / (L + D)))
        inp["emb_%d" % i] = jax.random.uniform(ks[5 + i], (L, D), dtype=jnp.float32, minval=-lim, maxval=lim)
    # attention network: Linear(F,F) -> ReLU -> Linear(F,F) -> Softmax(dim=1)
    inp["W1"] = jax.random.normal(ks[9], (F, F), dtype=jnp.float32) * 0.5
    inp["b1"] = jnp.zeros((F,), dtype=jnp.float32)
    inp["W2"] = jax.random.normal(ks[10], (F, F), dtype=jnp.float32) * 0.5
    inp["b2"] = jnp.zeros((F,), dtype=jnp.float32)
    return inp


def _forward(feats, tables, node_table, W1, b1, W2, b2):
    batch = feats[0].shape[0]
    # per-feature embedding lookup with index clamping
    embeds = [jnp.take(tables[i], jnp.clip(feats[i], 0, FEATURE_LENS[i] - 1), axis=0) for i in range(F)]
    stacked = jnp.stack(embeds, axis=2)  # [B, D, F]
    # attention over features, driven by constant feature ids
    feature_ids = jnp.broadcast_to(jnp.arange(F, dtype=jnp.float32), (batch, F))
    h = jax.nn.relu(feature_ids @ W1 + b1)
    att = jax.nn.softmax(h @ W2 + b2, axis=1)  # [B, F]
    # torch: matmul([B,D,F], [B,F,1]) -> [B,D,1] -> squeeze
    weighted = jnp.matmul(stacked, att[:, :, None])
    feature_emb = weighted[:, :, 0]
    # node2vec embedding gather on first feature (node id)
    node_idx = jnp.clip(feats[0], 0, NUM_NODES - 1)
    node_emb = jnp.take(node_table, node_idx, axis=0)
    return node_emb + feature_emb


def reference(feat_0, feat_1, feat_2, feat_3, node_table, emb_0, emb_1, emb_2, emb_3, W1, b1, W2, b2):
    return _forward([feat_0, feat_1, feat_2, feat_3], [emb_0, emb_1, emb_2, emb_3], node_table, W1, b1, W2, b2)

if __name__ == "__main__":
    import jax
    _d = setup_inputs()
    print(jax.jit(kernel)(*tuple(_d.values())))

</pallas_src>

<mosaic_0001>
#map = affine_map<(d0, d1) -> (0)>
#map1 = affine_map<(d0, d1) -> (0, 0)>
module attributes {stable_mosaic.version = 14 : i64} {
  func.func @_sc_big(%arg0: i32, %arg1: i32, %arg2: memref<16384xi32, #tpu.memory_space<hbm>>, %arg3: memref<100000x64xf32, #tpu.memory_space<hbm>>, %arg4: memref<100000x64xf32, #tpu.memory_space<hbm>>, %arg5: memref<16384x64xf32, #tpu.memory_space<hbm>>, %arg6: memref<16xf32, #tpu.memory_space<hbm>>, %arg7: memref<16xf32, #tpu.memory_space<hbm>>, %arg8: memref<16xf32, #tpu.memory_space<hbm>>, %arg9: memref<16xf32, #tpu.memory_space<hbm>>, %arg10: memref<16384x64xf32, #tpu.memory_space<hbm>>, %arg11: memref<4x16xf32, #tpu.memory_space<vmem>>, %arg12: memref<4x128xi32, #tpu.memory_space<vmem>>, %arg13: memref<128x64xf32, #tpu.memory_space<vmem>>, %arg14: memref<128x64xf32, #tpu.memory_space<vmem>>, %arg15: memref<128x64xf32, #tpu.memory_space<vmem>>, %arg16: memref<128x64xf32, #tpu.memory_space<vmem>>, %arg17: memref<128x64xf32, #tpu.memory_space<vmem>>, %arg18: memref<128x64xf32, #tpu.memory_space<vmem>>, %arg19: memref<!tpu.dma_semaphore, #tpu.memory_space<semaphore_mem>>, %arg20: memref<!tpu.dma_semaphore, #tpu.memory_space<semaphore_mem>>, %arg21: memref<!tpu.dma_semaphore, #tpu.memory_space<semaphore_mem>>, %arg22: memref<!tpu.dma_semaphore, #tpu.memory_space<semaphore_mem>>, %arg23: memref<!tpu.dma_semaphore, #tpu.memory_space<semaphore_mem>>) attributes {dimension_semantics = [#tpu.dimension_semantics<core_parallel>, #tpu.dimension_semantics<subcore_parallel>], iteration_bounds = array<i64: 2, 16>, scalar_prefetch = 0 : i64, scratch_operands = 13 : i64, tpu.core_type = #tpu.core_type<sc_vector_subcore>, window_params = [{transform_indices = #map}, {transform_indices = #map1}, {transform_indices = #map1}, {transform_indices = #map1}, {transform_indices = #map}, {transform_indices = #map}, {transform_indices = #map}, {transform_indices = #map}, {transform_indices = #map1}]} {
    %mul3A = arith.constant 2 : i32
    %mul3A_0 = arith.muli %arg1, %mul3A : i32
    %add3A = arith.addi %mul3A_0, %arg0 : i32
    %mul3A_1 = arith.constant 512 : i32
    %mul3A_2 = arith.muli %add3A, %mul3A_1 : i32
    %run_scoped3A = arith.constant 0 : i32
    "tpu.region"() ({
      %run_scoped3A_442 = tpu.sem_alloc : memref<!tpu.dma_semaphore, #tpu.memory_space<semaphore_mem>>
      %dma_start3A_443 = arith.constant 0 : i32
      %dma_start3A_444 = tpu.memref_slice %arg11[%run_scoped3A, %dma_start3A_443] : memref<4x16xf32, #tpu.memory_space<vmem>> -> memref<1x16xf32, #tpu.memory_space<vmem>>
      %dma_start3A_445 = tpu.memref_squeeze %dma_start3A_444 : memref<1x16xf32, #tpu.memory_space<vmem>> -> memref<16xf32, #tpu.memory_space<vmem>>
      %dma_start3A_446 = arith.constant 0 : i32
      %dma_start3A_447 = tpu.memref_slice %arg11[%run_scoped3A, %dma_start3A_446] : memref<4x16xf32, #tpu.memory_space<vmem>> -> memref<1x16xf32, #tpu.memory_space<vmem>>
      %dma_start3A_448 = tpu.memref_squeeze %dma_start3A_447 : memref<1x16xf32, #tpu.memory_space<vmem>> -> memref<16xf32, #tpu.memory_space<vmem>>
      tpu.enqueue_dma source(%arg6 : memref<16xf32, #tpu.memory_space<hbm>>) target(%dma_start3A_448 : memref<16xf32, #tpu.memory_space<vmem>>) target_semaphore(%run_scoped3A_442 : memref<!tpu.dma_semaphore, #tpu.memory_space<semaphore_mem>>)
      %dma_wait3A_449 = arith.constant 0 : i32
      %dma_wait3A_450 = tpu.memref_slice %arg11[%run_scoped3A, %dma_wait3A_449] : memref<4x16xf32, #tpu.memory_space<vmem>> -> memref<1x16xf32, #tpu.memory_space<vmem>>
      %dma_wait3A_451 = tpu.memref_squeeze %dma_wait3A_450 : memref<1x16xf32, #tpu.memory_space<vmem>> -> memref<16xf32, #tpu.memory_space<vmem>>
      %dma_wait3A_452 = arith.constant 0 : i32
      %dma_wait3A_453 = tpu.memref_slice %arg11[%run_scoped3A, %dma_wait3A_452] : memref<4x16xf32, #tpu.memory_space<vmem>> -> memref<1x16xf32, #tpu.memory_space<vmem>>
      %dma_wait3A_454 = tpu.memref_squeeze %dma_wait3A_453 : memref<1x16xf32, #tpu.memory_space<vmem>> -> memref<16xf32, #tpu.memory_space<vmem>>
      tpu.wait_dma2 semaphore(%run_scoped3A_442 : memref<!tpu.dma_semaphore, #tpu.memory_space<semaphore_mem>>) src(%arg6 : memref<16xf32, #tpu.memory_space<hbm>>) dst(%dma_wait3A_454 : memref<16xf32, #tpu.memory_space<vmem>>)
      tpu.yield
    }) : () -> ()
    %run_scoped3A_3 = arith.constant 1 : i32
    "tpu.region"() ({
      %run_scoped3A_442 = tpu.sem_alloc : memref<!tpu.dma_semaphore, #tpu.memory_space<semaphore_mem>>
      %dma_start3A_443 = arith.constant 0 : i32
      %dma_start3A_444 = tpu.memref_slice %arg11[%run_scoped3A_3, %dma_start3A_443] : memref<4x16xf32, #tpu.memory_space<vmem>> -> memref<1x16xf32, #tpu.memory_space<vmem>>
      %dma_start3A_445 = tpu.memref_squeeze %dma_start3A_444 : memref<1x16xf32, #tpu.memory_space<vmem>> -> memref<16xf32, #tpu.memory_space<vmem>>
      %dma_start3A_446 = arith.constant 0 : i32
      %dma_start3A_447 = tpu.memref_slice %arg11[%run_scoped3A_3, %dma_start3A_446] : memref<4x16xf32, #tpu.memory_space<vmem>> -> memref<1x16xf32, #tpu.memory_space<vmem>>
      %dma_start3A_448 = tpu.memref_squeeze %dma_start3A_447 : memref<1x16xf32, #tpu.memory_space<vmem>> -> memref<16xf32, #tpu.memory_space<vmem>>
      tpu.enqueue_dma source(%arg7 : memref<16xf32, #tpu.memory_space<hbm>>) target(%dma_start3A_448 : memref<16xf32, #tpu.memory_space<vmem>>) target_semaphore(%run_scoped3A_442 : memref<!tpu.dma_semaphore, #tpu.memory_space<semaphore_mem>>)
      %dma_wait3A_449 = arith.constant 0 : i32
      %dma_wait3A_450 = tpu.memref_slice %arg11[%run_scoped3A_3, %dma_wait3A_449] : memref<4x16xf32, #tpu.memory_space<vmem>> -> memref<1x16xf32, #tpu.memory_space<vmem>>
      %dma_wait3A_451 = tpu.memref_squeeze %dma_wait3A_450 : memref<1x16xf32, #tpu.memory_space<vmem>> -> memref<16xf32, #tpu.memory_space<vmem>>
      %dma_wait3A_452 = arith.constant 0 : i32
      %dma_wait3A_453 = tpu.memref_slice %arg11[%run_scoped3A_3, %dma_wait3A_452] : memref<4x16xf32, #tpu.memory_space<vmem>> -> memref<1x16xf32, #tpu.memory_space<vmem>>
      %dma_wait3A_454 = tpu.memref_squeeze %dma_wait3A_453 : memref<1x16xf32, #tpu.memory_space<vmem>> -> memref<16xf32, #tpu.memory_space<vmem>>
      tpu.wait_dma2 semaphore(%run_scoped3A_442 : memref<!tpu.dma_semaphore, #tpu.memory_space<semaphore_mem>>) src(%arg7 : memref<16xf32, #tpu.memory_space<hbm>>) dst(%dma_wait3A_454 : memref<16xf32, #tpu.memory_space<vmem>>)
      tpu.yield
    }) : () -> ()
    %run_scoped3A_4 = arith.constant 2 : i32
    "tpu.region"() ({
      %run_scoped3A_442 = tpu.sem_alloc : memref<!tpu.dma_semaphore, #tpu.memory_space<semaphore_mem>>
      %dma_start3A_443 = arith.constant 0 : i32
      %dma_start3A_444 = tpu.memref_slice %arg11[%run_scoped3A_4, %dma_start3A_443] : memref<4x16xf32, #tpu.memory_space<vmem>> -> memref<1x16xf32, #tpu.memory_space<vmem>>
      %dma_start3A_445 = tpu.memref_squeeze %dma_start3A_444 : memref<1x16xf32, #tpu.memory_space<vmem>> -> memref<16xf32, #tpu.memory_space<vmem>>
      %dma_start3A_446 = arith.constant 0 : i32
      %dma_start3A_447 = tpu.memref_slice %arg11[%run_scoped3A_4, %dma_start3A_446] : memref<4x16xf32, #tpu.memory_space<vmem>> -> memref<1x16xf32, #tpu.memory_space<vmem>>
      %dma_start3A_448 = tpu.memref_squeeze %dma_start3A_447 : memref<1x16xf32, #tpu.memory_space<vmem>> -> memref<16xf32, #tpu.memory_space<vmem>>
      tpu.enqueue_dma source(%arg8 : memref<16xf32, #tpu.memory_space<hbm>>) target(%dma_start3A_448 : memref<16xf32, #tpu.memory_space<vmem>>) target_semaphore(%run_scoped3A_442 : memref<!tpu.dma_semaphore, #tpu.memory_space<semaphore_mem>>)
      %dma_wait3A_449 = arith.constant 0 : i32
      %dma_wait3A_450 = tpu.memref_slice %arg11[%run_scoped3A_4, %dma_wait3A_449] : memref<4x16xf32, #tpu.memory_space<vmem>> -> memref<1x16xf32, #tpu.memory_space<vmem>>
      %dma_wait3A_451 = tpu.memref_squeeze %dma_wait3A_450 : memref<1x16xf32, #tpu.memory_space<vmem>> -> memref<16xf32, #tpu.memory_space<vmem>>
      %dma_wait3A_452 = arith.constant 0 : i32
      %dma_wait3A_453 = tpu.memref_slice %arg11[%run_scoped3A_4, %dma_wait3A_452] : memref<4x16xf32, #tpu.memory_space<vmem>> -> memref<1x16xf32, #tpu.memory_space<vmem>>
      %dma_wait3A_454 = tpu.memref_squeeze %dma_wait3A_453 : memref<1x16xf32, #tpu.memory_space<vmem>> -> memref<16xf32, #tpu.memory_space<vmem>>
      tpu.wait_dma2 semaphore(%run_scoped3A_442 : memref<!tpu.dma_semaphore, #tpu.memory_space<semaphore_mem>>) src(%arg8 : memref<16xf32, #tpu.memory_space<hbm>>) dst(%dma_wait3A_454 : memref<16xf32, #tpu.memory_space<vmem>>)
      tpu.yield
    }) : () -> ()
    %run_scoped3A_5 = arith.constant 3 : i32
    "tpu.region"() ({
      %run_scoped3A_442 = tpu.sem_alloc : memref<!tpu.dma_semaphore, #tpu.memory_space<semaphore_mem>>
      %dma_start3A_443 = arith.constant 0 : i32
      %dma_start3A_444 = tpu.memref_slice %arg11[%run_scoped3A_5, %dma_start3A_443] : memref<4x16xf32, #tpu.memory_space<vmem>> -> memref<1x16xf32, #tpu.memory_space<vmem>>
      %dma_start3A_445 = tpu.memref_squeeze %dma_start3A_444 : memref<1x16xf32, #tpu.memory_space<vmem>> -> memref<16xf32, #tpu.memory_space<vmem>>
      %dma_start3A_446 = arith.constant 0 : i32
      %dma_start3A_447 = tpu.memref_slice %arg11[%run_scoped3A_5, %dma_start3A_446] : memref<4x16xf32, #tpu.memory_space<vmem>> -> memref<1x16xf32, #tpu.memory_space<vmem>>
      %dma_start3A_448 = tpu.memref_squeeze %dma_start3A_447 : memref<1x16xf32, #tpu.memory_space<vmem>> -> memref<16xf32, #tpu.memory_space<vmem>>
      tpu.enqueue_dma source(%arg9 : memref<16xf32, #tpu.memory_space<hbm>>) target(%dma_start3A_448 : memref<16xf32, #tpu.memory_space<vmem>>) target_semaphore(%run_scoped3A_442 : memref<!tpu.dma_semaphore, #tpu.memory_space<semaphore_mem>>)
      %dma_wait3A_449 = arith.constant 0 : i32
      %dma_wait3A_450 = tpu.memref_slice %arg11[%run_scoped3A_5, %dma_wait3A_449] : memref<4x16xf32, #tpu.memory_space<vmem>> -> memref<1x16xf32, #tpu.memory_space<vmem>>
      %dma_wait3A_451 = tpu.memref_squeeze %dma_wait3A_450 : memref<1x16xf32, #tpu.memory_space<vmem>> -> memref<16xf32, #tpu.memory_space<vmem>>
      %dma_wait3A_452 = arith.constant 0 : i32
      %dma_wait3A_453 = tpu.memref_slice %arg11[%run_scoped3A_5, %dma_wait3A_452] : memref<4x16xf32, #tpu.memory_space<vmem>> -> memref<1x16xf32, #tpu.memory_space<vmem>>
      %dma_wait3A_454 = tpu.memref_squeeze %dma_wait3A_453 : memref<1x16xf32, #tpu.memory_space<vmem>> -> memref<16xf32, #tpu.memory_space<vmem>>
      tpu.wait_dma2 semaphore(%run_scoped3A_442 : memref<!tpu.dma_semaphore, #tpu.memory_space<semaphore_mem>>) src(%arg9 : memref<16xf32, #tpu.memory_space<hbm>>) dst(%dma_wait3A_454 : memref<16xf32, #tpu.memory_space<vmem>>)
      tpu.yield
    }) : () -> ()
    %iota3A = tpu.iota {dimensions = array<i32: 0>} : vector<16xi32>
    %shift_right_logical3A = arith.constant 2 : i32
    %shift_right_logical3A_6 = vector.broadcast %shift_right_logical3A : i32 to vector<16xi32>
    %shift_right_logical3A_7 = arith.shrui %iota3A, %shift_right_logical3A_6 : vector<16xi32>
    %convert_element_type3A = arith.sitofp %shift_right_logical3A_7 : vector<16xi32> to vector<16xf32>
    %get3A = arith.constant 0 : i32
    %get3A_8 = arith.index_cast %get3A : i32 to index
    %get3A_9 = arith.constant 0 : index
    %get3A_10 = tpu.vector_load %arg11[%get3A_8, %get3A_9] {strides = array<i32>} : memref<4x16xf32, #tpu.memory_space<vmem>>, vector<1x16xf32>,
    %get3A_11 = vector.shape_cast %get3A_10 : vector<1x16xf32> to vector<16xf32>
    %mul3A_12 = arith.mulf %get3A_11, %convert_element_type3A : vector<16xf32>
    %xor3A = arith.constant 8 : i32
    %xor3A_13 = vector.broadcast %xor3A : i32 to vector<16xi32>
    %xor3A_14 = arith.xori %iota3A, %xor3A_13 : vector<16xi32>
    %broadcast_in_dim3A = vector.shape_cast %xor3A_14 : vector<16xi32> to vector<16x1xi32>
    %gather3A = vector.shape_cast %broadcast_in_dim3A : vector<16x1xi32> to vector<16xi32>
    %gather3A_15 = tpu.dynamic_gather %mul3A_12[%gather3A] in [0] : vector<16xf32>, vector<16xi32> -> vector<16xf32>
    %add3A_16 = arith.addf %mul3A_12, %gather3A_15 : vector<16xf32>
    %xor3A_17 = arith.constant 4 : i32
    %xor3A_18 = vector.broadcast %xor3A_17 : i32 to vector<16xi32>
    %xor3A_19 = arith.xori %iota3A, %xor3A_18 : vector<16xi32>
    %broadcast_in_dim3A_20 = vector.shape_cast %xor3A_19 : vector<16xi32> to vector<16x1xi32>
    %gather3A_21 = vector.shape_cast %broadcast_in_dim3A_20 : vector<16x1xi32> to vector<16xi32>
    %gather3A_22 = tpu.dynamic_gather %add3A_16[%gather3A_21] in [0] : vector<16xf32>, vector<16xi32> -> vector<16xf32>
    %add3A_23 = arith.addf %add3A_16, %gather3A_22 : vector<16xf32>
    %get3A_24 = arith.constant 1 : i32
    %get3A_25 = arith.index_cast %get3A_24 : i32 to index
    %get3A_26 = arith.constant 0 : index
    %get3A_27 = tpu.vector_load %arg11[%get3A_25, %get3A_26] {strides = array<i32>} : memref<4x16xf32, #tpu.memory_space<vmem>>, vector<1x16xf32>,
    %get3A_28 = vector.shape_cast %get3A_27 : vector<1x16xf32> to vector<16xf32>
    %add3A_29 = arith.addf %add3A_23, %get3A_28 : vector<16xf32>
    %max3A = arith.constant 0.000000e+00 : f32
    %max3A_30 = vector.broadcast %max3A : f32 to vector<16xf32>
    %max3A_31 = arith.maximumf %add3A_29, %max3A_30 : vector<16xf32>
    %lt3A = arith.constant 4 : i32
    %lt3A_32 = vector.broadcast %lt3A : i32 to vector<16xi32>
    %lt3A_33 = arith.cmpi slt, %iota3A, %lt3A_32 : vector<16xi32>
    %jit3A = arith.constant 0.000000e+00 : f32
    %broadcast_in_dim3A_34 = vector.broadcast %jit3A : f32 to vector<16xf32>
    %select_n3A = arith.select %lt3A_33, %max3A_31, %broadcast_in_dim3A_34 : vector<16xi1>, vector<16xf32>
    %shift_right_logical3A_35 = arith.constant 2 : i32
    %shift_right_logical3A_36 = vector.broadcast %shift_right_logical3A_35 : i32 to vector<16xi32>
    %shift_right_logical3A_37 = arith.shrui %iota3A, %shift_right_logical3A_36 : vector<16xi32>
    %broadcast_in_dim3A_38 = vector.shape_cast %shift_right_logical3A_37 : vector<16xi32> to vector<16x1xi32>
    %gather3A_39 = vector.shape_cast %broadcast_in_dim3A_38 : vector<16x1xi32> to vector<16xi32>
    %gather3A_40 = tpu.dynamic_gather %select_n3A[%gather3A_39] in [0] : vector<16xf32>, vector<16xi32> -> vector<16xf32>
    %get3A_41 = arith.constant 2 : i32
    %get3A_42 = arith.index_cast %get3A_41 : i32 to index
    %get3A_43 = arith.constant 0 : index
    %get3A_44 = tpu.vector_load %arg11[%get3A_42, %get3A_43] {strides = array<i32>} : memref<4x16xf32, #tpu.memory_space<vmem>>, vector<1x16xf32>,
    %get3A_45 = vector.shape_cast %get3A_44 : vector<1x16xf32> to vector<16xf32>
    %mul3A_46 = arith.mulf %gather3A_40, %get3A_45 : vector<16xf32>
    %xor3A_47 = arith.constant 8 : i32
    %xor3A_48 = vector.broadcast %xor3A_47 : i32 to vector<16xi32>
    %xor3A_49 = arith.xori %iota3A, %xor3A_48 : vector<16xi32>
    %broadcast_in_dim3A_50 = vector.shape_cast %xor3A_49 : vector<16xi32> to vector<16x1xi32>
    %gather3A_51 = vector.shape_cast %broadcast_in_dim3A_50 : vector<16x1xi32> to vector<16xi32>
    %gather3A_52 = tpu.dynamic_gather %mul3A_46[%gather3A_51] in [0] : vector<16xf32>, vector<16xi32> -> vector<16xf32>
    %add3A_53 = arith.addf %mul3A_46, %gather3A_52 : vector<16xf32>
    %xor3A_54 = arith.constant 4 : i32
    %xor3A_55 = vector.broadcast %xor3A_54 : i32 to vector<16xi32>
    %xor3A_56 = arith.xori %iota3A, %xor3A_55 : vector<16xi32>
    %broadcast_in_dim3A_57 = vector.shape_cast %xor3A_56 : vector<16xi32> to vector<16x1xi32>
    %gather3A_58 = vector.shape_cast %broadcast_in_dim3A_57 : vector<16x1xi32> to vector<16xi32>
    %gather3A_59 = tpu.dynamic_gather %add3A_53[%gather3A_58] in [0] : vector<16xf32>, vector<16xi32> -> vector<16xf32>
    %add3A_60 = arith.addf %add3A_53, %gather3A_59 : vector<16xf32>
    %lt3A_61 = arith.constant 4 : i32
    %lt3A_62 = vector.broadcast %lt3A_61 : i32 to vector<16xi32>
    %lt3A_63 = arith.cmpi slt, %iota3A, %lt3A_62 : vector<16xi32>
    %get3A_64 = arith.constant 3 : i32
    %get3A_65 = arith.index_cast %get3A_64 : i32 to index
    %get3A_66 = arith.constant 0 : index
    %get3A_67 = tpu.vector_load %arg11[%get3A_65, %get3A_66] {strides = array<i32>} : memref<4x16xf32, #tpu.memory_space<vmem>>, vector<1x16xf32>,
    %get3A_68 = vector.shape_cast %get3A_67 : vector<1x16xf32> to vector<16xf32>
    %add3A_69 = arith.addf %add3A_60, %get3A_68 : vector<16xf32>
    %jit3A_70 = arith.constant -1.000000e+30 : f32
    %broadcast_in_dim3A_71 = vector.broadcast %jit3A_70 : f32 to vector<16xf32>
    %select_n3A_72 = arith.select %lt3A_63, %add3A_69, %broadcast_in_dim3A_71 : vector<16xi1>, vector<16xf32>
    %xor3A_73 = arith.constant 8 : i32
    %xor3A_74 = vector.broadcast %xor3A_73 : i32 to vector<16xi32>
    %xor3A_75 = arith.xori %iota3A, %xor3A_74 : vector<16xi32>
    %broadcast_in_dim3A_76 = vector.shape_cast %xor3A_75 : vector<16xi32> to vector<16x1xi32>
    %gather3A_77 = vector.shape_cast %broadcast_in_dim3A_76 : vector<16x1xi32> to vector<16xi32>
    %gather3A_78 = tpu.dynamic_gather %select_n3A_72[%gather3A_77] in [0] : vector<16xf32>, vector<16xi32> -> vector<16xf32>
    %max3A_79 = arith.maximumf %select_n3A_72, %gather3A_78 : vector<16xf32>
    %xor3A_80 = arith.constant 4 : i32
    %xor3A_81 = vector.broadcast %xor3A_80 : i32 to vector<16xi32>
    %xor3A_82 = arith.xori %iota3A, %xor3A_81 : vector<16xi32>
    %broadcast_in_dim3A_83 = vector.shape_cast %xor3A_82 : vector<16xi32> to vector<16x1xi32>
    %gather3A_84 = vector.shape_cast %broadcast_in_dim3A_83 : vector<16x1xi32> to vector<16xi32>
    %gather3A_85 = tpu.dynamic_gather %max3A_79[%gather3A_84] in [0] : vector<16xf32>, vector<16xi32> -> vector<16xf32>
    %max3A_86 = arith.maximumf %max3A_79, %gather3A_85 : vector<16xf32>
    %xor3A_87 = arith.constant 2 : i32
    %xor3A_88 = vector.broadcast %xor3A_87 : i32 to vector<16xi32>
    %xor3A_89 = arith.xori %iota3A, %xor3A_88 : vector<16xi32>
    %broadcast_in_dim3A_90 = vector.shape_cast %xor3A_89 : vector<16xi32> to vector<16x1xi32>
    %gather3A_91 = vector.shape_cast %broadcast_in_dim3A_90 : vector<16x1xi32> to vector<16xi32>
    %gather3A_92 = tpu.dynamic_gather %max3A_86[%gather3A_91] in [0] : vector<16xf32>, vector<16xi32> -> vector<16xf32>
    %max3A_93 = arith.maximumf %max3A_86, %gather3A_92 : vector<16xf32>
    %xor3A_94 = arith.constant 1 : i32
    %xor3A_95 = vector.broadcast %xor3A_94 : i32 to vector<16xi32>
    %xor3A_96 = arith.xori %iota3A, %xor3A_95 : vector<16xi32>
    %broadcast_in_dim3A_97 = vector.shape_cast %xor3A_96 : vector<16xi32> to vector<16x1xi32>
    %gather3A_98 = vector.shape_cast %broadcast_in_dim3A_97 : vector<16x1xi32> to vector<16xi32>
    %gather3A_99 = tpu.dynamic_gather %max3A_93[%gather3A_98] in [0] : vector<16xf32>, vector<16xi32> -> vector<16xf32>
    %max3A_100 = arith.maximumf %max3A_93, %gather3A_99 : vector<16xf32>
    %sub3A = arith.subf %select_n3A_72, %max3A_100 : vector<16xf32>
    %exp3A = math.exp %sub3A : vector<16xf32>
    %xor3A_101 = arith.constant 8 : i32
    %xor3A_102 = vector.broadcast %xor3A_101 : i32 to vector<16xi32>
    %xor3A_103 = arith.xori %iota3A, %xor3A_102 : vector<16xi32>
    %broadcast_in_dim3A_104 = vector.shape_cast %xor3A_103 : vector<16xi32> to vector<16x1xi32>
    %gather3A_105 = vector.shape_cast %broadcast_in_dim3A_104 : vector<16x1xi32> to vector<16xi32>
    %gather3A_106 = tpu.dynamic_gather %exp3A[%gather3A_105] in [0] : vector<16xf32>, vector<16xi32> -> vector<16xf32>
    %add3A_107 = arith.addf %exp3A, %gather3A_106 : vector<16xf32>
    %xor3A_108 = arith.constant 4 : i32
    %xor3A_109 = vector.broadcast %xor3A_108 : i32 to vector<16xi32>
    %xor3A_110 = arith.xori %iota3A, %xor3A_109 : vector<16xi32>
    %broadcast_in_dim3A_111 = vector.shape_cast %xor3A_110 : vector<16xi32> to vector<16x1xi32>
    %gather3A_112 = vector.shape_cast %broadcast_in_dim3A_111 : vector<16x1xi32> to vector<16xi32>
    %gather3A_113 = tpu.dynamic_gather %add3A_107[%gather3A_112] in [0] : vector<16xf32>, vector<16xi32> -> vector<16xf32>
    %add3A_114 = arith.addf %add3A_107, %gather3A_113 : vector<16xf32>
    %xor3A_115 = arith.constant 2 : i32
    %xor3A_116 = vector.broadcast %xor3A_115 : i32 to vector<16xi32>
    %xor3A_117 = arith.xori %iota3A, %xor3A_116 : vector<16xi32>
    %broadcast_in_dim3A_118 = vector.shape_cast %xor3A_117 : vector<16xi32> to vector<16x1xi32>
    %gather3A_119 = vector.shape_cast %broadcast_in_dim3A_118 : vector<16x1xi32> to vector<16xi32>
    %gather3A_120 = tpu.dynamic_gather %add3A_114[%gather3A_119] in [0] : vector<16xf32>, vector<16xi32> -> vector<16xf32>
    %add3A_121 = arith.addf %add3A_114, %gather3A_120 : vector<16xf32>
    %xor3A_122 = arith.constant 1 : i32
    %xor3A_123 = vector.broadcast %xor3A_122 : i32 to vector<16xi32>
    %xor3A_124 = arith.xori %iota3A, %xor3A_123 : vector<16xi32>
    %broadcast_in_dim3A_125 = vector.shape_cast %xor3A_124 : vector<16xi32> to vector<16x1xi32>
    %gather3A_126 = vector.shape_cast %broadcast_in_dim3A_125 : vector<16x1xi32> to vector<16xi32>
    %gather3A_127 = tpu.dynamic_gather %add3A_121[%gather3A_126] in [0] : vector<16xf32>, vector<16xi32> -> vector<16xf32>
    %add3A_128 = arith.addf %add3A_121, %gather3A_127 : vector<16xf32>
    %div3A = arith.divf %exp3A, %add3A_128 : vector<16xf32>
    %broadcast_in_dim3A_129 = arith.constant 0 : i32
    %broadcast_in_dim3A_130 = vector.broadcast %broadcast_in_dim3A_129 : i32 to vector<16xi32>
    %broadcast_in_dim3A_131 = vector.shape_cast %broadcast_in_dim3A_130 : vector<16xi32> to vector<16x1xi32>
    %gather3A_132 = vector.shape_cast %broadcast_in_dim3A_131 : vector<16x1xi32> to vector<16xi32>
    %gather3A_133 = tpu.dynamic_gather %div3A[%gather3A_132] in [0] : vector<16xf32>, vector<16xi32> -> vector<16xf32>
    %broadcast_in_dim3A_134 = arith.constant 1 : i32
    %broadcast_in_dim3A_135 = vector.broadcast %broadcast_in_dim3A_134 : i32 to vector<16xi32>
    %broadcast_in_dim3A_136 = vector.shape_cast %broadcast_in_dim3A_135 : vector<16xi32> to vector<16x1xi32>
    %gather3A_137 = vector.shape_cast %broadcast_in_dim3A_136 : vector<16x1xi32> to vector<16xi32>
    %gather3A_138 = tpu.dynamic_gather %div3A[%gather3A_137] in [0] : vector<16xf32>, vector<16xi32> -> vector<16xf32>
    %broadcast_in_dim3A_139 = arith.constant 2 : i32
    %broadcast_in_dim3A_140 = vector.broadcast %broadcast_in_dim3A_139 : i32 to vector<16xi32>
    %broadcast_in_dim3A_141 = vector.shape_cast %broadcast_in_dim3A_140 : vector<16xi32> to vector<16x1xi32>
    %gather3A_142 = vector.shape_cast %broadcast_in_dim3A_141 : vector<16x1xi32> to vector<16xi32>
    %gather3A_143 = tpu.dynamic_gather %div3A[%gather3A_142] in [0] : vector<16xf32>, vector<16xi32> -> vector<16xf32>
    %broadcast_in_dim3A_144 = arith.constant 3 : i32
    %broadcast_in_dim3A_145 = vector.broadcast %broadcast_in_dim3A_144 : i32 to vector<16xi32>
    %broadcast_in_dim3A_146 = vector.shape_cast %broadcast_in_dim3A_145 : vector<16xi32> to vector<16x1xi32>
    %gather3A_147 = vector.shape_cast %broadcast_in_dim3A_146 : vector<16x1xi32> to vector<16xi32>
    %gather3A_148 = tpu.dynamic_gather %div3A[%gather3A_147] in [0] : vector<16xf32>, vector<16xi32> -> vector<16xf32>
    %add3A_149 = arith.constant 0 : i32
    %add3A_150 = arith.addi %mul3A_2, %add3A_149 : i32
    %dma_start3A = arith.constant 0 : i32
    %dma_start3A_151 = arith.constant 0 : i32
    %dma_start3A_152 = tpu.memref_slice %arg12[%dma_start3A, %dma_start3A_151] : memref<4x128xi32, #tpu.memory_space<vmem>> -> memref<1x128xi32, #tpu.memory_space<vmem>>
    %dma_start3A_153 = tpu.memref_squeeze %dma_start3A_152 : memref<1x128xi32, #tpu.memory_space<vmem>> -> memref<128xi32, #tpu.memory_space<vmem>>
    %dma_start3A_154 = tpu.memref_slice %arg2[%add3A_150] : memref<16384xi32, #tpu.memory_space<hbm>> -> memref<128xi32, #tpu.memory_space<hbm>>
    %dma_start3A_155 = arith.constant 0 : i32
    %dma_start3A_156 = tpu.memref_slice %arg12[%dma_start3A, %dma_start3A_155] : memref<4x128xi32, #tpu.memory_space<vmem>> -> memref<1x128xi32, #tpu.memory_space<vmem>>
    %dma_start3A_157 = tpu.memref_squeeze %dma_start3A_156 : memref<1x128xi32, #tpu.memory_space<vmem>> -> memref<128xi32, #tpu.memory_space<vmem>>
    %dma_start3A_158 = tpu.memref_slice %arg2[%add3A_150] : memref<16384xi32, #tpu.memory_space<hbm>> -> memref<128xi32, #tpu.memory_space<hbm>>
    tpu.enqueue_dma source(%dma_start3A_158 : memref<128xi32, #tpu.memory_space<hbm>>) target(%dma_start3A_157 : memref<128xi32, #tpu.memory_space<vmem>>) target_semaphore(%arg19 : memref<!tpu.dma_semaphore, #tpu.memory_space<semaphore_mem>>)
    %add3A_159 = arith.constant 128 : i32
    %add3A_160 = arith.addi %mul3A_2, %add3A_159 : i32
    %dma_start3A_161 = arith.constant 1 : i32
    %dma_start3A_162 = arith.constant 0 : i32
    %dma_start3A_163 = tpu.memref_slice %arg12[%dma_start3A_161, %dma_start3A_162] : memref<4x128xi32, #tpu.memory_space<vmem>> -> memref<1x128xi32, #tpu.memory_space<vmem>>
    %dma_start3A_164 = tpu.memref_squeeze %dma_start3A_163 : memref<1x128xi32, #tpu.memory_space<vmem>> -> memref<128xi32, #tpu.memory_space<vmem>>
    %dma_start3A_165 = tpu.memref_slice %arg2[%add3A_160] : memref<16384xi32, #tpu.memory_space<hbm>> -> memref<128xi32, #tpu.memory_space<hbm>>
    %dma_start3A_166 = arith.constant 0 : i32
    %dma_start3A_167 = tpu.memref_slice %arg12[%dma_start3A_161, %dma_start3A_166] : memref<4x128xi32, #tpu.memory_space<vmem>> -> memref<1x128xi32, #tpu.memory_space<vmem>>
    %dma_start3A_168 = tpu.memref_squeeze %dma_start3A_167 : memref<1x128xi32, #tpu.memory_space<vmem>> -> memref<128xi32, #tpu.memory_space<vmem>>
    %dma_start3A_169 = tpu.memref_slice %arg2[%add3A_160] : memref<16384xi32, #tpu.memory_space<hbm>> -> memref<128xi32, #tpu.memory_space<hbm>>
    tpu.enqueue_dma source(%dma_start3A_169 : memref<128xi32, #tpu.memory_space<hbm>>) target(%dma_start3A_168 : memref<128xi32, #tpu.memory_space<vmem>>) target_semaphore(%arg19 : memref<!tpu.dma_semaphore, #tpu.memory_space<semaphore_mem>>)
    %add3A_170 = arith.constant 256 : i32
    %add3A_171 = arith.addi %mul3A_2, %add3A_170 : i32
    %dma_start3A_172 = arith.constant 2 : i32
    %dma_start3A_173 = arith.constant 0 : i32
    %dma_start3A_174 = tpu.memref_slice %arg12[%dma_start3A_172, %dma_start3A_173] : memref<4x128xi32, #tpu.memory_space<vmem>> -> memref<1x128xi32, #tpu.memory_space<vmem>>
    %dma_start3A_175 = tpu.memref_squeeze %dma_start3A_174 : memref<1x128xi32, #tpu.memory_space<vmem>> -> memref<128xi32, #tpu.memory_space<vmem>>
    %dma_start3A_176 = tpu.memref_slice %arg2[%add3A_171] : memref<16384xi32, #tpu.memory_space<hbm>> -> memref<128xi32, #tpu.memory_space<hbm>>
    %dma_start3A_177 = arith.constant 0 : i32
    %dma_start3A_178 = tpu.memref_slice %arg12[%dma_start3A_172, %dma_start3A_177] : memref<4x128xi32, #tpu.memory_space<vmem>> -> memref<1x128xi32, #tpu.memory_space<vmem>>
    %dma_start3A_179 = tpu.memref_squeeze %dma_start3A_178 : memref<1x128xi32, #tpu.memory_space<vmem>> -> memref<128xi32, #tpu.memory_space<vmem>>
    %dma_start3A_180 = tpu.memref_slice %arg2[%add3A_171] : memref<16384xi32, #tpu.memory_space<hbm>> -> memref<128xi32, #tpu.memory_space<hbm>>
    tpu.enqueue_dma source(%dma_start3A_180 : memref<128xi32, #tpu.memory_space<hbm>>) target(%dma_start3A_179 : memref<128xi32, #tpu.memory_space<vmem>>) target_semaphore(%arg19 : memref<!tpu.dma_semaphore, #tpu.memory_space<semaphore_mem>>)
    %add3A_181 = arith.constant 384 : i32
    %add3A_182 = arith.addi %mul3A_2, %add3A_181 : i32
    %dma_start3A_183 = arith.constant 3 : i32
    %dma_start3A_184 = arith.constant 0 : i32
    %dma_start3A_185 = tpu.memref_slice %arg12[%dma_start3A_183, %dma_start3A_184] : memref<4x128xi32, #tpu.memory_space<vmem>> -> memref<1x128xi32, #tpu.memory_space<vmem>>
    %dma_start3A_186 = tpu.memref_squeeze %dma_start3A_185 : memref<1x128xi32, #tpu.memory_space<vmem>> -> memref<128xi32, #tpu.memory_space<vmem>>
    %dma_start3A_187 = tpu.memref_slice %arg2[%add3A_182] : memref<16384xi32, #tpu.memory_space<hbm>> -> memref<128xi32, #tpu.memory_space<hbm>>
    %dma_start3A_188 = arith.constant 0 : i32
    %dma_start3A_189 = tpu.memref_slice %arg12[%dma_start3A_183, %dma_start3A_188] : memref<4x128xi32, #tpu.memory_space<vmem>> -> memref<1x128xi32, #tpu.memory_space<vmem>>
    %dma_start3A_190 = tpu.memref_squeeze %dma_start3A_189 : memref<1x128xi32, #tpu.memory_space<vmem>> -> memref<128xi32, #tpu.memory_space<vmem>>
    %dma_start3A_191 = tpu.memref_slice %arg2[%add3A_182] : memref<16384xi32, #tpu.memory_space<hbm>> -> memref<128xi32, #tpu.memory_space<hbm>>
    tpu.enqueue_dma source(%dma_start3A_191 : memref<128xi32, #tpu.memory_space<hbm>>) target(%dma_start3A_190 : memref<128xi32, #tpu.memory_space<vmem>>) target_semaphore(%arg19 : memref<!tpu.dma_semaphore, #tpu.memory_space<semaphore_mem>>)
    %dma_wait3A = arith.constant 0 : i32
    %dma_wait3A_192 = arith.constant 0 : i32
    %dma_wait3A_193 = tpu.memref_slice %arg12[%dma_wait3A, %dma_wait3A_192] : memref<4x128xi32, #tpu.memory_space<vmem>> -> memref<1x128xi32, #tpu.memory_space<vmem>>
    %dma_wait3A_194 = tpu.memref_squeeze %dma_wait3A_193 : memref<1x128xi32, #tpu.memory_space<vmem>> -> memref<128xi32, #tpu.memory_space<vmem>>
    %dma_wait3A_195 = tpu.memref_slice %arg2[%add3A_150] : memref<16384xi32, #tpu.memory_space<hbm>> -> memref<128xi32, #tpu.memory_space<hbm>>
    %dma_wait3A_196 = arith.constant 0 : i32
    %dma_wait3A_197 = tpu.memref_slice %arg12[%dma_wait3A, %dma_wait3A_196] : memref<4x128xi32, #tpu.memory_space<vmem>> -> memref<1x128xi32, #tpu.memory_space<vmem>>
    %dma_wait3A_198 = tpu.memref_squeeze %dma_wait3A_197 : memref<1x128xi32, #tpu.memory_space<vmem>> -> memref<128xi32, #tpu.memory_space<vmem>>
    %dma_wait3A_199 = tpu.memref_slice %arg2[%add3A_150] : memref<16384xi32, #tpu.memory_space<hbm>> -> memref<128xi32, #tpu.memory_space<hbm>>
    tpu.wait_dma2 semaphore(%arg19 : memref<!tpu.dma_semaphore, #tpu.memory_space<semaphore_mem>>) src(%dma_wait3A_199 : memref<128xi32, #tpu.memory_space<hbm>>) dst(%dma_wait3A_198 : memref<128xi32, #tpu.memory_space<vmem>>)
    %dma_wait3A_200 = arith.constant 1 : i32
    %dma_wait3A_201 = arith.constant 0 : i32
    %dma_wait3A_202 = tpu.memref_slice %arg12[%dma_wait3A_200, %dma_wait3A_201] : memref<4x128xi32, #tpu.memory_space<vmem>> -> memref<1x128xi32, #tpu.memory_space<vmem>>
    %dma_wait3A_203 = tpu.memref_squeeze %dma_wait3A_202 : memref<1x128xi32, #tpu.memory_space<vmem>> -> memref<128xi32, #tpu.memory_space<vmem>>
    %dma_wait3A_204 = tpu.memref_slice %arg2[%add3A_160] : memref<16384xi32, #tpu.memory_space<hbm>> -> memref<128xi32, #tpu.memory_space<hbm>>
    %dma_wait3A_205 = arith.constant 0 : i32
    %dma_wait3A_206 = tpu.memref_slice %arg12[%dma_wait3A_200, %dma_wait3A_205] : memref<4x128xi32, #tpu.memory_space<vmem>> -> memref<1x128xi32, #tpu.memory_space<vmem>>
    %dma_wait3A_207 = tpu.memref_squeeze %dma_wait3A_206 : memref<1x128xi32, #tpu.memory_space<vmem>> -> memref<128xi32, #tpu.memory_space<vmem>>
    %dma_wait3A_208 = tpu.memref_slice %arg2[%add3A_160] : memref<16384xi32, #tpu.memory_space<hbm>> -> memref<128xi32, #tpu.memory_space<hbm>>
    tpu.wait_dma2 semaphore(%arg19 : memref<!tpu.dma_semaphore, #tpu.memory_space<semaphore_mem>>) src(%dma_wait3A_208 : memref<128xi32, #tpu.memory_space<hbm>>) dst(%dma_wait3A_207 : memref<128xi32, #tpu.memory_space<vmem>>)
    %dma_wait3A_209 = arith.constant 2 : i32
    %dma_wait3A_210 = arith.constant 0 : i32
    %dma_wait3A_211 = tpu.memref_slice %arg12[%dma_wait3A_209, %dma_wait3A_210] : memref<4x128xi32, #tpu.memory_space<vmem>> -> memref<1x128xi32, #tpu.memory_space<vmem>>
    %dma_wait3A_212 = tpu.memref_squeeze %dma_wait3A_211 : memref<1x128xi32, #tpu.memory_space<vmem>> -> memref<128xi32, #tpu.memory_space<vmem>>
    %dma_wait3A_213 = tpu.memref_slice %arg2[%add3A_171] : memref<16384xi32, #tpu.memory_space<hbm>> -> memref<128xi32, #tpu.memory_space<hbm>>
    %dma_wait3A_214 = arith.constant 0 : i32
    %dma_wait3A_215 = tpu.memref_slice %arg12[%dma_wait3A_209, %dma_wait3A_214] : memref<4x128xi32, #tpu.memory_space<vmem>> -> memref<1x128xi32, #tpu.memory_space<vmem>>
    %dma_wait3A_216 = tpu.memref_squeeze %dma_wait3A_215 : memref<1x128xi32, #tpu.memory_space<vmem>> -> memref<128xi32, #tpu.memory_space<vmem>>
    %dma_wait3A_217 = tpu.memref_slice %arg2[%add3A_171] : memref<16384xi32, #tpu.memory_space<hbm>> -> memref<128xi32, #tpu.memory_space<hbm>>
    tpu.wait_dma2 semaphore(%arg19 : memref<!tpu.dma_semaphore, #tpu.memory_space<semaphore_mem>>) src(%dma_wait3A_217 : memref<128xi32, #tpu.memory_space<hbm>>) dst(%dma_wait3A_216 : memref<128xi32, #tpu.memory_space<vmem>>)
    %dma_wait3A_218 = arith.constant 3 : i32
    %dma_wait3A_219 = arith.constant 0 : i32
    %dma_wait3A_220 = tpu.memref_slice %arg12[%dma_wait3A_218, %dma_wait3A_219] : memref<4x128xi32, #tpu.memory_space<vmem>> -> memref<1x128xi32, #tpu.memory_space<vmem>>
    %dma_wait3A_221 = tpu.memref_squeeze %dma_wait3A_220 : memref<1x128xi32, #tpu.memory_space<vmem>> -> memref<128xi32, #tpu.memory_space<vmem>>
    %dma_wait3A_222 = tpu.memref_slice %arg2[%add3A_182] : memref<16384xi32, #tpu.memory_space<hbm>> -> memref<128xi32, #tpu.memory_space<hbm>>
    %dma_wait3A_223 = arith.constant 0 : i32
    %dma_wait3A_224 = tpu.memref_slice %arg12[%dma_wait3A_218, %dma_wait3A_223] : memref<4x128xi32, #tpu.memory_space<vmem>> -> memref<1x128xi32, #tpu.memory_space<vmem>>
    %dma_wait3A_225 = tpu.memref_squeeze %dma_wait3A_224 : memref<1x128xi32, #tpu.memory_space<vmem>> -> memref<128xi32, #tpu.memory_space<vmem>>
    %dma_wait3A_226 = tpu.memref_slice %arg2[%add3A_182] : memref<16384xi32, #tpu.memory_space<hbm>> -> memref<128xi32, #tpu.memory_space<hbm>>
    tpu.wait_dma2 semaphore(%arg19 : memref<!tpu.dma_semaphore, #tpu.memory_space<semaphore_mem>>) src(%dma_wait3A_226 : memref<128xi32, #tpu.memory_space<hbm>>) dst(%dma_wait3A_225 : memref<128xi32, #tpu.memory_space<vmem>>)
    %dma_start3A_227 = arith.constant 0 : i32
    %dma_start3A_228 = arith.constant 0 : i32
    %dma_start3A_229 = tpu.memref_slice %arg12[%dma_start3A_227, %dma_start3A_228] : memref<4x128xi32, #tpu.memory_space<vmem>> -> memref<1x128xi32, #tpu.memory_space<vmem>>
    %dma_start3A_230 = tpu.memref_squeeze %dma_start3A_229 : memref<1x128xi32, #tpu.memory_space<vmem>> -> memref<128xi32, #tpu.memory_space<vmem>>
    %dma_start3A_231 = arith.constant 0 : i32
    %dma_start3A_232 = arith.constant 0 : i32
    %dma_start3A_233 = tpu.memref_slice %arg3[%dma_start3A_231, %dma_start3A_232] : memref<100000x64xf32, #tpu.memory_space<hbm>> -> memref<100000x64xf32, #tpu.memory_space<hbm>>
    tpu.enqueue_indirect_dma source(%dma_start3A_233 : memref<100000x64xf32, #tpu.memory_space<hbm>>) target(%arg13 : memref<128x64xf32, #tpu.memory_space<vmem>>) offsets(%dma_start3A_230 : memref<128xi32, #tpu.memory_space<vmem>>) semaphore(%arg20 : memref<!tpu.dma_semaphore, #tpu.memory_space<semaphore_mem>>)
    %dma_start3A_234 = arith.constant 0 : i32
    %dma_start3A_235 = arith.constant 0 : i32
    %dma_start3A_236 = tpu.memref_slice %arg12[%dma_start3A_234, %dma_start3A_235] : memref<4x128xi32, #tpu.memory_space<vmem>> -> memref<1x128xi32, #tpu.memory_space<vmem>>
    %dma_start3A_237 = tpu.memref_squeeze %dma_start3A_236 : memref<1x128xi32, #tpu.memory_space<vmem>> -> memref<128xi32, #tpu.memory_space<vmem>>
    %dma_start3A_238 = arith.constant 0 : i32
    %dma_start3A_239 = arith.constant 0 : i32
    %dma_start3A_240 = tpu.memref_slice %arg4[%dma_start3A_238, %dma_start3A_239] : memref<100000x64xf32, #tpu.memory_space<hbm>> -> memref<100000x64xf32, #tpu.memory_space<hbm>>
    tpu.enqueue_indirect_dma source(%dma_start3A_240 : memref<100000x64xf32, #tpu.memory_space<hbm>>) target(%arg14 : memref<128x64xf32, #tpu.memory_space<vmem>>) offsets(%dma_start3A_237 : memref<128xi32, #tpu.memory_space<vmem>>) semaphore(%arg20 : memref<!tpu.dma_semaphore, #tpu.memory_space<semaphore_mem>>)
    %add3A_241 = arith.constant 0 : i32
    %add3A_242 = arith.addi %mul3A_2, %add3A_241 : i32
    %dma_start3A_243 = arith.constant 0 : i32
    %dma_start3A_244 = tpu.memref_slice %arg5[%add3A_242, %dma_start3A_243] : memref<16384x64xf32, #tpu.memory_space<hbm>> -> memref<128x64xf32, #tpu.memory_space<hbm>>
    %dma_start3A_245 = arith.constant 0 : i32
    %dma_start3A_246 = tpu.memref_slice %arg5[%add3A_242, %dma_start3A_245] : memref<16384x64xf32, #tpu.memory_space<hbm>> -> memref<128x64xf32, #tpu.memory_space<hbm>>
    tpu.enqueue_dma source(%dma_start3A_246 : memref<128x64xf32, #tpu.memory_space<hbm>>) target(%arg15 : memref<128x64xf32, #tpu.memory_space<vmem>>) target_semaphore(%arg20 : memref<!tpu.dma_semaphore, #tpu.memory_space<semaphore_mem>>)
    %dma_start3A_247 = arith.constant 1 : i32
    %dma_start3A_248 = arith.constant 0 : i32
    %dma_start3A_249 = tpu.memref_slice %arg12[%dma_start3A_247, %dma_start3A_248] : memref<4x128xi32, #tpu.memory_space<vmem>> -> memref<1x128xi32, #tpu.memory_space<vmem>>
    %dma_start3A_250 = tpu.memref_squeeze %dma_start3A_249 : memref<1x128xi32, #tpu.memory_space<vmem>> -> memref<128xi32, #tpu.memory_space<vmem>>
    %dma_start3A_251 = arith.constant 0 : i32
    %dma_start3A_252 = arith.constant 0 : i32
    %dma_start3A_253 = tpu.memref_slice %arg3[%dma_start3A_251, %dma_start3A_252] : memref<100000x64xf32, #tpu.memory_space<hbm>> -> memref<100000x64xf32, #tpu.memory_space<hbm>>
    tpu.enqueue_indirect_dma source(%dma_start3A_253 : memref<100000x64xf32, #tpu.memory_space<hbm>>) target(%arg16 : memref<128x64xf32, #tpu.memory_space<vmem>>) offsets(%dma_start3A_250 : memref<128xi32, #tpu.memory_space<vmem>>) semaphore(%arg21 : memref<!tpu.dma_semaphore, #tpu.memory_space<semaphore_mem>>)
    %dma_start3A_254 = arith.constant 1 : i32
    %dma_start3A_255 = arith.constant 0 : i32
    %dma_start3A_256 = tpu.memref_slice %arg12[%dma_start3A_254, %dma_start3A_255] : memref<4x128xi32, #tpu.memory_space<vmem>> -> memref<1x128xi32, #tpu.memory_space<vmem>>
    %dma_start3A_257 = tpu.memref_squeeze %dma_start3A_256 : memref<1x128xi32, #tpu.memory_space<vmem>> -> memref<128xi32, #tpu.memory_space<vmem>>
    %dma_start3A_258 = arith.constant 0 : i32
    %dma_start3A_259 = arith.constant 0 : i32
    %dma_start3A_260 = tpu.memref_slice %arg4[%dma_start3A_258, %dma_start3A_259] : memref<100000x64xf32, #tpu.memory_space<hbm>> -> memref<100000x64xf32, #tpu.memory_space<hbm>>
    tpu.enqueue_indirect_dma source(%dma_start3A_260 : memref<100000x64xf32, #tpu.memory_space<hbm>>) target(%arg17 : memref<128x64xf32, #tpu.memory_space<vmem>>) offsets(%dma_start3A_257 : memref<128xi32, #tpu.memory_space<vmem>>) semaphore(%arg21 : memref<!tpu.dma_semaphore, #tpu.memory_space<semaphore_mem>>)
    %add3A_261 = arith.constant 128 : i32
    %add3A_262 = arith.addi %mul3A_2, %add3A_261 : i32
    %dma_start3A_263 = arith.constant 0 : i32
    %dma_start3A_264 = tpu.memref_slice %arg5[%add3A_262, %dma_start3A_263] : memref<16384x64xf32, #tpu.memory_space<hbm>> -> memref<128x64xf32, #tpu.memory_space<hbm>>
    %dma_start3A_265 = arith.constant 0 : i32
    %dma_start3A_266 = tpu.memref_slice %arg5[%add3A_262, %dma_start3A_265] : memref<16384x64xf32, #tpu.memory_space<hbm>> -> memref<128x64xf32, #tpu.memory_space<hbm>>
    tpu.enqueue_dma source(%dma_start3A_266 : memref<128x64xf32, #tpu.memory_space<hbm>>) target(%arg18 : memref<128x64xf32, #tpu.memory_space<vmem>>) target_semaphore(%arg21 : memref<!tpu.dma_semaphore, #tpu.memory_space<semaphore_mem>>)
    %dma_wait3A_267 = arith.constant 0 : i32
    %dma_wait3A_268 = arith.constant 0 : i32
    %dma_wait3A_269 = tpu.memref_slice %arg12[%dma_wait3A_267, %dma_wait3A_268] : memref<4x128xi32, #tpu.memory_space<vmem>> -> memref<1x128xi32, #tpu.memory_space<vmem>>
    %dma_wait3A_270 = tpu.memref_squeeze %dma_wait3A_269 : memref<1x128xi32, #tpu.memory_space<vmem>> -> memref<128xi32, #tpu.memory_space<vmem>>
    %dma_wait3A_271 = arith.constant 0 : i32
    %dma_wait3A_272 = arith.constant 0 : i32
    %dma_wait3A_273 = tpu.memref_slice %arg3[%dma_wait3A_271, %dma_wait3A_272] : memref<100000x64xf32, #tpu.memory_space<hbm>> -> memref<100000x64xf32, #tpu.memory_space<hbm>>
    tpu.wait_indirect_dma semaphore(%arg20 : memref<!tpu.dma_semaphore, #tpu.memory_space<semaphore_mem>>) src(%dma_wait3A_273 : memref<100000x64xf32, #tpu.memory_space<hbm>>) dst(%arg13 : memref<128x64xf32, #tpu.memory_space<vmem>>)
    %dma_wait3A_274 = arith.constant 0 : i32
    %dma_wait3A_275 = arith.constant 0 : i32
    %dma_wait3A_276 = tpu.memref_slice %arg12[%dma_wait3A_274, %dma_wait3A_275] : memref<4x128xi32, #tpu.memory_space<vmem>> -> memref<1x128xi32, #tpu.memory_space<vmem>>
    %dma_wait3A_277 = tpu.memref_squeeze %dma_wait3A_276 : memref<1x128xi32, #tpu.memory_space<vmem>> -> memref<128xi32, #tpu.memory_space<vmem>>
    %dma_wait3A_278 = arith.constant 0 : i32
    %dma_wait3A_279 = arith.constant 0 : i32
    %dma_wait3A_280 = tpu.memref_slice %arg4[%dma_wait3A_278, %dma_wait3A_279] : memref<100000x64xf32, #tpu.memory_space<hbm>> -> memref<100000x64xf32, #tpu.memory_space<hbm>>
    tpu.wait_indirect_dma semaphore(%arg20 : memref<!tpu.dma_semaphore, #tpu.memory_space<semaphore_mem>>) src(%dma_wait3A_280 : memref<100000x64xf32, #tpu.memory_space<hbm>>) dst(%arg14 : memref<128x64xf32, #tpu.memory_space<vmem>>)
    %dma_wait3A_281 = arith.constant 0 : i32
    %dma_wait3A_282 = tpu.memref_slice %arg5[%add3A_242, %dma_wait3A_281] : memref<16384x64xf32, #tpu.memory_space<hbm>> -> memref<128x64xf32, #tpu.memory_space<hbm>>
    %dma_wait3A_283 = arith.constant 0 : i32
    %dma_wait3A_284 = tpu.memref_slice %arg5[%add3A_242, %dma_wait3A_283] : memref<16384x64xf32, #tpu.memory_space<hbm>> -> memref<128x64xf32, #tpu.memory_space<hbm>>
    tpu.wait_dma2 semaphore(%arg20 : memref<!tpu.dma_semaphore, #tpu.memory_space<semaphore_mem>>) src(%dma_wait3A_284 : memref<128x64xf32, #tpu.memory_space<hbm>>) dst(%arg15 : memref<128x64xf32, #tpu.memory_space<vmem>>)
    %scan3A = arith.constant 0 : i32
    %scan3A_285 = arith.constant 0 : i32
    %scan3A_286 = arith.constant 128 : i32
    %scan3A_287 = arith.addi %scan3A_285, %scan3A_286 : i32
    %scan3A_288 = arith.constant 1 : i32
    scf.for %scan3A_442 = %scan3A_285 to %scan3A_287 step %scan3A_288  : i32 {
      %get3A_443 = arith.index_cast %scan3A_442 : i32 to index
      %get3A_444 = arith.constant 0 : index
      %get3A_445 = tpu.vector_load %arg13[%get3A_443, %get3A_444] {strides = array<i32>} : memref<128x64xf32, #tpu.memory_space<vmem>>, vector<1x16xf32>,
      %get3A_446 = vector.shape_cast %get3A_445 : vector<1x16xf32> to vector<16xf32>
      %get3A_447 = arith.index_cast %scan3A_442 : i32 to index
      %get3A_448 = arith.constant 0 : index
      %get3A_449 = tpu.vector_load %arg14[%get3A_447, %get3A_448] {strides = array<i32>} : memref<128x64xf32, #tpu.memory_space<vmem>>, vector<1x16xf32>,
      %get3A_450 = vector.shape_cast %get3A_449 : vector<1x16xf32> to vector<16xf32>
      %mul3A_451 = arith.mulf %gather3A_133, %get3A_450 : vector<16xf32>
      %add3A_452 = arith.addf %get3A_446, %mul3A_451 : vector<16xf32>
      %get3A_453 = arith.index_cast %scan3A_442 : i32 to index
      %get3A_454 = arith.constant 0 : index
      %get3A_455 = tpu.vector_load %arg15[%get3A_453, %get3A_454] {strides = array<i32>} : memref<128x64xf32, #tpu.memory_space<vmem>>, vector<1x16xf32>,
      %get3A_456 = vector.shape_cast %get3A_455 : vector<1x16xf32> to vector<16xf32>
      %add3A_457 = arith.addf %add3A_452, %get3A_456 : vector<16xf32>
      %swap3A = arith.index_cast %scan3A_442 : i32 to index
      %swap3A_458 = arith.constant 0 : index
      %swap3A_459 = tpu.vector_load %arg13[%swap3A, %swap3A_458] {strides = array<i32>} : memref<128x64xf32, #tpu.memory_space<vmem>>, vector<1x16xf32>,
      %swap3A_460 = vector.shape_cast %swap3A_459 : vector<1x16xf32> to vector<16xf32>
      %swap3A_461 = vector.shape_cast %add3A_457 : vector<16xf32> to vector<1x16xf32>
      tpu.vector_store %arg13[%swap3A, %swap3A_458], %swap3A_461 {strides = array<i32>} : memref<128x64xf32, #tpu.memory_space<vmem>>, vector<1x16xf32>,
      %get3A_462 = arith.index_cast %scan3A_442 : i32 to index
      %get3A_463 = arith.constant 16 : index
      %get3A_464 = tpu.vector_load %arg13[%get3A_462, %get3A_463] {strides = array<i32>} : memref<128x64xf32, #tpu.memory_space<vmem>>, vector<1x16xf32>,
      %get3A_465 = vector.shape_cast %get3A_464 : vector<1x16xf32> to vector<16xf32>
      %get3A_466 = arith.index_cast %scan3A_442 : i32 to index
      %get3A_467 = arith.constant 16 : index
      %get3A_468 = tpu.vector_load %arg14[%get3A_466, %get3A_467] {strides = array<i32>} : memref<128x64xf32, #tpu.memory_space<vmem>>, vector<1x16xf32>,
      %get3A_469 = vector.shape_cast %get3A_468 : vector<1x16xf32> to vector<16xf32>
      %mul3A_470 = arith.mulf %gather3A_133, %get3A_469 : vector<16xf32>
      %add3A_471 = arith.addf %get3A_465, %mul3A_470 : vector<16xf32>
      %get3A_472 = arith.index_cast %scan3A_442 : i32 to index
      %get3A_473 = arith.constant 16 : index
      %get3A_474 = tpu.vector_load %arg15[%get3A_472, %get3A_473] {strides = array<i32>} : memref<128x64xf32, #tpu.memory_space<vmem>>, vector<1x16xf32>,
      %get3A_475 = vector.shape_cast %get3A_474 : vector<1x16xf32> to vector<16xf32>
      %add3A_476 = arith.addf %add3A_471, %get3A_475 : vector<16xf32>
      %swap3A_477 = arith.index_cast %scan3A_442 : i32 to index
      %swap3A_478 = arith.constant 16 : index
      %swap3A_479 = tpu.vector_load %arg13[%swap3A_477, %swap3A_478] {strides = array<i32>} : memref<128x64xf32, #tpu.memory_space<vmem>>, vector<1x16xf32>,
      %swap3A_480 = vector.shape_cast %swap3A_479 : vector<1x16xf32> to vector<16xf32>
      %swap3A_481 = vector.shape_cast %add3A_476 : vector<16xf32> to vector<1x16xf32>
      tpu.vector_store %arg13[%swap3A_477, %swap3A_478], %swap3A_481 {strides = array<i32>} : memref<128x64xf32, #tpu.memory_space<vmem>>, vector<1x16xf32>,
      %get3A_482 = arith.index_cast %scan3A_442 : i32 to index
      %get3A_483 = arith.constant 32 : index
      %get3A_484 = tpu.vector_load %arg13[%get3A_482, %get3A_483] {strides = array<i32>} : memref<128x64xf32, #tpu.memory_space<vmem>>, vector<1x16xf32>,
      %get3A_485 = vector.shape_cast %get3A_484 : vector<1x16xf32> to vector<16xf32>
      %get3A_486 = arith.index_cast %scan3A_442 : i32 to index
      %get3A_487 = arith.constant 32 : index
      %get3A_488 = tpu.vector_load %arg14[%get3A_486, %get3A_487] {strides = array<i32>} : memref<128x64xf32, #tpu.memory_space<vmem>>, vector<1x16xf32>,
      %get3A_489 = vector.shape_cast %get3A_488 : vector<1x16xf32> to vector<16xf32>
      %mul3A_490 = arith.mulf %gather3A_133, %get3A_489 : vector<16xf32>
      %add3A_491 = arith.addf %get3A_485, %mul3A_490 : vector<16xf32>
      %get3A_492 = arith.index_cast %scan3A_442 : i32 to index
      %get3A_493 = arith.constant 32 : index
      %get3A_494 = tpu.vector_load %arg15[%get3A_492, %get3A_493] {strides = array<i32>} : memref<128x64xf32, #tpu.memory_space<vmem>>, vector<1x16xf32>,
      %get3A_495 = vector.shape_cast %get3A_494 : vector<1x16xf32> to vector<16xf32>
      %add3A_496 = arith.addf %add3A_491, %get3A_495 : vector<16xf32>
      %swap3A_497 = arith.index_cast %scan3A_442 : i32 to index
      %swap3A_498 = arith.constant 32 : index
      %swap3A_499 = tpu.vector_load %arg13[%swap3A_497, %swap3A_498] {strides = array<i32>} : memref<128x64xf32, #tpu.memory_space<vmem>>, vector<1x16xf32>,
      %swap3A_500 = vector.shape_cast %swap3A_499 : vector<1x16xf32> to vector<16xf32>
      %swap3A_501 = vector.shape_cast %add3A_496 : vector<16xf32> to vector<1x16xf32>
      tpu.vector_store %arg13[%swap3A_497, %swap3A_498], %swap3A_501 {strides = array<i32>} : memref<128x64xf32, #tpu.memory_space<vmem>>, vector<1x16xf32>,
      %get3A_502 = arith.index_cast %scan3A_442 : i32 to index
      %get3A_503 = arith.constant 48 : index
      %get3A_504 = tpu.vector_load %arg13[%get3A_502, %get3A_503] {strides = array<i32>} : memref<128x64xf32, #tpu.memory_space<vmem>>, vector<1x16xf32>,
      %get3A_505 = vector.shape_cast %get3A_504 : vector<1x16xf32> to vector<16xf32>
      %get3A_506 = arith.index_cast %scan3A_442 : i32 to index
      %get3A_507 = arith.constant 48 : index
      %get3A_508 = tpu.vector_load %arg14[%get3A_506, %get3A_507] {strides = array<i32>} : memref<128x64xf32, #tpu.memory_space<vmem>>, vector<1x16xf32>,
      %get3A_509 = vector.shape_cast %get3A_508 : vector<1x16xf32> to vector<16xf32>
      %mul3A_510 = arith.mulf %gather3A_133, %get3A_509 : vector<16xf32>
      %add3A_511 = arith.addf %get3A_505, %mul3A_510 : vector<16xf32>
      %get3A_512 = arith.index_cast %scan3A_442 : i32 to index
      %get3A_513 = arith.constant 48 : index
      %get3A_514 = tpu.vector_load %arg15[%get3A_512, %get3A_513] {strides = array<i32>} : memref<128x64xf32, #tpu.memory_space<vmem>>, vector<1x16xf32>,
      %get3A_515 = vector.shape_cast %get3A_514 : vector<1x16xf32> to vector<16xf32>
      %add3A_516 = arith.addf %add3A_511, %get3A_515 : vector<16xf32>
      %swap3A_517 = arith.index_cast %scan3A_442 : i32 to index
      %swap3A_518 = arith.constant 48 : index
      %swap3A_519 = tpu.vector_load %arg13[%swap3A_517, %swap3A_518] {strides = array<i32>} : memref<128x64xf32, #tpu.memory_space<vmem>>, vector<1x16xf32>,
      %swap3A_520 = vector.shape_cast %swap3A_519 : vector<1x16xf32> to vector<16xf32>
      %swap3A_521 = vector.shape_cast %add3A_516 : vector<16xf32> to vector<1x16xf32>
      tpu.vector_store %arg13[%swap3A_517, %swap3A_518], %swap3A_521 {strides = array<i32>} : memref<128x64xf32, #tpu.memory_space<vmem>>, vector<1x16xf32>,
    }
    %scan3A_289 = arith.constant 128 : i32
    %add3A_290 = arith.constant 0 : i32
    %add3A_291 = arith.addi %mul3A_2, %add3A_290 : i32
    %dma_start3A_292 = arith.constant 0 : i32
    %dma_start3A_293 = tpu.memref_slice %arg10[%add3A_291, %dma_start3A_292] : memref<16384x64xf32, #tpu.memory_space<hbm>> -> memref<128x64xf32, #tpu.memory_space<hbm>>
    %dma_start3A_294 = arith.constant 0 : i32
    %dma_start3A_295 = tpu.memref_slice %arg10[%add3A_291, %dma_start3A_294] : memref<16384x64xf32, #tpu.memory_space<hbm>> -> memref<128x64xf32, #tpu.memory_space<hbm>>
    tpu.enqueue_dma source(%arg13 : memref<128x64xf32, #tpu.memory_space<vmem>>) target(%dma_start3A_295 : memref<128x64xf32, #tpu.memory_space<hbm>>) target_semaphore(%arg22 : memref<!tpu.dma_semaphore, #tpu.memory_space<semaphore_mem>>)
    %dma_wait3A_296 = arith.constant 0 : i32
    %dma_wait3A_297 = tpu.memref_slice %arg10[%add3A_291, %dma_wait3A_296] : memref<16384x64xf32, #tpu.memory_space<hbm>> -> memref<128x64xf32, #tpu.memory_space<hbm>>
    %dma_wait3A_298 = arith.constant 0 : i32
    %dma_wait3A_299 = tpu.memref_slice %arg10[%add3A_291, %dma_wait3A_298] : memref<16384x64xf32, #tpu.memory_space<hbm>> -> memref<128x64xf32, #tpu.memory_space<hbm>>
    tpu.wait_dma2 semaphore(%arg22 : memref<!tpu.dma_semaphore, #tpu.memory_space<semaphore_mem>>) src(%arg13 : memref<128x64xf32, #tpu.memory_space<vmem>>) dst(%dma_wait3A_299 : memref<128x64xf32, #tpu.memory_space<hbm>>)
    %dma_start3A_300 = arith.constant 2 : i32
    %dma_start3A_301 = arith.constant 0 : i32
    %dma_start3A_302 = tpu.memref_slice %arg12[%dma_start3A_300, %dma_start3A_301] : memref<4x128xi32, #tpu.memory_space<vmem>> -> memref<1x128xi32, #tpu.memory_space<vmem>>
    %dma_start3A_303 = tpu.memref_squeeze %dma_start3A_302 : memref<1x128xi32, #tpu.memory_space<vmem>> -> memref<128xi32, #tpu.memory_space<vmem>>
    %dma_start3A_304 = arith.constant 0 : i32
    %dma_start3A_305 = arith.constant 0 : i32
    %dma_start3A_306 = tpu.memref_slice %arg3[%dma_start3A_304, %dma_start3A_305] : memref<100000x64xf32, #tpu.memory_space<hbm>> -> memref<100000x64xf32, #tpu.memory_space<hbm>>
    tpu.enqueue_indirect_dma source(%dma_start3A_306 : memref<100000x64xf32, #tpu.memory_space<hbm>>) target(%arg13 : memref<128x64xf32, #tpu.memory_space<vmem>>) offsets(%dma_start3A_303 : memref<128xi32, #tpu.memory_space<vmem>>) semaphore(%arg20 : memref<!tpu.dma_semaphore, #tpu.memory_space<semaphore_mem>>)
    %dma_start3A_307 = arith.constant 2 : i32
    %dma_start3A_308 = arith.constant 0 : i32
    %dma_start3A_309 = tpu.memref_slice %arg12[%dma_start3A_307, %dma_start3A_308] : memref<4x128xi32, #tpu.memory_space<vmem>> -> memref<1x128xi32, #tpu.memory_space<vmem>>
    %dma_start3A_310 = tpu.memref_squeeze %dma_start3A_309 : memref<1x128xi32, #tpu.memory_space<vmem>> -> memref<128xi32, #tpu.memory_space<vmem>>
    %dma_start3A_311 = arith.constant 0 : i32
    %dma_start3A_312 = arith.constant 0 : i32
    %dma_start3A_313 = tpu.memref_slice %arg4[%dma_start3A_311, %dma_start3A_312] : memref<100000x64xf32, #tpu.memory_space<hbm>> -> memref<100000x64xf32, #tpu.memory_space<hbm>>
    tpu.enqueue_indirect_dma source(%dma_start3A_313 : memref<100000x64xf32, #tpu.memory_space<hbm>>) target(%arg14 : memref<128x64xf32, #tpu.memory_space<vmem>>) offsets(%dma_start3A_310 : memref<128xi32, #tpu.memory_space<vmem>>) semaphore(%arg20 : memref<!tpu.dma_semaphore, #tpu.memory_space<semaphore_mem>>)
    %add3A_314 = arith.constant 256 : i32
    %add3A_315 = arith.addi %mul3A_2, %add3A_314 : i32
    %dma_start3A_316 = arith.constant 0 : i32
    %dma_start3A_317 = tpu.memref_slice %arg5[%add3A_315, %dma_start3A_316] : memref<16384x64xf32, #tpu.memory_space<hbm>> -> memref<128x64xf32, #tpu.memory_space<hbm>>
    %dma_start3A_318 = arith.constant 0 : i32
    %dma_start3A_319 = tpu.memref_slice %arg5[%add3A_315, %dma_start3A_318] : memref<16384x64xf32, #tpu.memory_space<hbm>> -> memref<128x64xf32, #tpu.memory_space<hbm>>
    tpu.enqueue_dma source(%dma_start3A_319 : memref<128x64xf32, #tpu.memory_space<hbm>>) target(%arg15 : memref<128x64xf32, #tpu.memory_space<vmem>>) target_semaphore(%arg20 : memref<!tpu.dma_semaphore, #tpu.memory_space<semaphore_mem>>)
    %dma_wait3A_320 = arith.constant 1 : i32
    %dma_wait3A_321 = arith.constant 0 : i32
    %dma_wait3A_322 = tpu.memref_slice %arg12[%dma_wait3A_320, %dma_wait3A_321] : memref<4x128xi32, #tpu.memory_space<vmem>> -> memref<1x128xi32, #tpu.memory_space<vmem>>
    %dma_wait3A_323 = tpu.memref_squeeze %dma_wait3A_322 : memref<1x128xi32, #tpu.memory_space<vmem>> -> memref<128xi32, #tpu.memory_space<vmem>>
    %dma_wait3A_324 = arith.constant 0 : i32
    %dma_wait3A_325 = arith.constant 0 : i32
    %dma_wait3A_326 = tpu.memref_slice %arg3[%dma_wait3A_324, %dma_wait3A_325] : memref<100000x64xf32, #tpu.memory_space<hbm>> -> memref<100000x64xf32, #tpu.memory_space<hbm>>
    tpu.wait_indirect_dma semaphore(%arg21 : memref<!tpu.dma_semaphore, #tpu.memory_space<semaphore_mem>>) src(%dma_wait3A_326 : memref<100000x64xf32, #tpu.memory_space<hbm>>) dst(%arg16 : memref<128x64xf32, #tpu.memory_space<vmem>>)
    %dma_wait3A_327 = arith.constant 1 : i32
    %dma_wait3A_328 = arith.constant 0 : i32
    %dma_wait3A_329 = tpu.memref_slice %arg12[%dma_wait3A_327, %dma_wait3A_328] : memref<4x128xi32, #tpu.memory_space<vmem>> -> memref<1x128xi32, #tpu.memory_space<vmem>>
    %dma_wait3A_330 = tpu.memref_squeeze %dma_wait3A_329 : memref<1x128xi32, #tpu.memory_space<vmem>> -> memref<128xi32, #tpu.memory_space<vmem>>
    %dma_wait3A_331 = arith.constant 0 : i32
    %dma_wait3A_332 = arith.constant 0 : i32
    %dma_wait3A_333 = tpu.memref_slice %arg4[%dma_wait3A_331, %dma_wait3A_332] : memref<100000x64xf32, #tpu.memory_space<hbm>> -> memref<100000x64xf32, #tpu.memory_space<hbm>>
    tpu.wait_indirect_dma semaphore(%arg21 : memref<!tpu.dma_semaphore, #tpu.memory_space<semaphore_mem>>) src(%dma_wait3A_333 : memref<100000x64xf32, #tpu.memory_space<hbm>>) dst(%arg17 : memref<128x64xf32, #tpu.memory_space<vmem>>)
    %dma_wait3A_334 = arith.constant 0 : i32
    %dma_wait3A_335 = tpu.memref_slice %arg5[%add3A_262, %dma_wait3A_334] : memref<16384x64xf32, #tpu.memory_space<hbm>> -> memref<128x64xf32, #tpu.memory_space<hbm>>
    %dma_wait3A_336 = arith.constant 0 : i32
    %dma_wait3A_337 = tpu.memref_slice %arg5[%add3A_262, %dma_wait3A_336] : memref<16384x64xf32, #tpu.memory_space<hbm>> -> memref<128x64xf32, #tpu.memory_space<hbm>>
    tpu.wait_dma2 semaphore(%arg21 : memref<!tpu.dma_semaphore, #tpu.memory_space<semaphore_mem>>) src(%dma_wait3A_337 : memref<128x64xf32, #tpu.memory_space<hbm>>) dst(%arg18 : memref<128x64xf32, #tpu.memory_space<vmem>>)
    %scan3A_338 = arith.constant 0 : i32
    %scan3A_339 = arith.constant 0 : i32
    %scan3A_340 = arith.constant 128 : i32
    %scan3A_341 = arith.addi %scan3A_339, %scan3A_340 : i32
    %scan3A_342 = arith.constant 1 : i32
    scf.for %scan3A_442 = %scan3A_339 to %scan3A_341 step %scan3A_342  : i32 {
      %get3A_443 = arith.index_cast %scan3A_442 : i32 to index
      %get3A_444 = arith.constant 0 : index
      %get3A_445 = tpu.vector_load %arg16[%get3A_443, %get3A_444] {strides = array<i32>} : memref<128x64xf32, #tpu.memory_space<vmem>>, vector<1x16xf32>,
      %get3A_446 = vector.shape_cast %get3A_445 : vector<1x16xf32> to vector<16xf32>
      %get3A_447 = arith.index_cast %scan3A_442 : i32 to index
      %get3A_448 = arith.constant 0 : index
      %get3A_449 = tpu.vector_load %arg17[%get3A_447, %get3A_448] {strides = array<i32>} : memref<128x64xf32, #tpu.memory_space<vmem>>, vector<1x16xf32>,
      %get3A_450 = vector.shape_cast %get3A_449 : vector<1x16xf32> to vector<16xf32>
      %mul3A_451 = arith.mulf %gather3A_133, %get3A_450 : vector<16xf32>
      %add3A_452 = arith.addf %get3A_446, %mul3A_451 : vector<16xf32>
      %get3A_453 = arith.index_cast %scan3A_442 : i32 to index
      %get3A_454 = arith.constant 0 : index
      %get3A_455 = tpu.vector_load %arg18[%get3A_453, %get3A_454] {strides = array<i32>} : memref<128x64xf32, #tpu.memory_space<vmem>>, vector<1x16xf32>,
      %get3A_456 = vector.shape_cast %get3A_455 : vector<1x16xf32> to vector<16xf32>
      %add3A_457 = arith.addf %add3A_452, %get3A_456 : vector<16xf32>
      %swap3A = arith.index_cast %scan3A_442 : i32 to index
      %swap3A_458 = arith.constant 0 : index
      %swap3A_459 = tpu.vector_load %arg16[%swap3A, %swap3A_458] {strides = array<i32>} : memref<128x64xf32, #tpu.memory_space<vmem>>, vector<1x16xf32>,
      %swap3A_460 = vector.shape_cast %swap3A_459 : vector<1x16xf32> to vector<16xf32>
      %swap3A_461 = vector.shape_cast %add3A_457 : vector<16xf32> to vector<1x16xf32>
      tpu.vector_store %arg16[%swap3A, %swap3A_458], %swap3A_461 {strides = array<i32>} : memref<128x64xf32, #tpu.memory_space<vmem>>, vector<1x16xf32>,
      %get3A_462 = arith.index_cast %scan3A_442 : i32 to index
      %get3A_463 = arith.constant 16 : index
      %get3A_464 = tpu.vector_load %arg16[%get3A_462, %get3A_463] {strides = array<i32>} : memref<128x64xf32, #tpu.memory_space<vmem>>, vector<1x16xf32>,
      %get3A_465 = vector.shape_cast %get3A_464 : vector<1x16xf32> to vector<16xf32>
      %get3A_466 = arith.index_cast %scan3A_442 : i32 to index
      %get3A_467 = arith.constant 16 : index
      %get3A_468 = tpu.vector_load %arg17[%get3A_466, %get3A_467] {strides = array<i32>} : memref<128x64xf32, #tpu.memory_space<vmem>>, vector<1x16xf32>,
      %get3A_469 = vector.shape_cast %get3A_468 : vector<1x16xf32> to vector<16xf32>
      %mul3A_470 = arith.mulf %gather3A_133, %get3A_469 : vector<16xf32>
      %add3A_471 = arith.addf %get3A_465, %mul3A_470 : vector<16xf32>
      %get3A_472 = arith.index_cast %scan3A_442 : i32 to index
      %get3A_473 = arith.constant 16 : index
      %get3A_474 = tpu.vector_load %arg18[%get3A_472, %get3A_473] {strides = array<i32>} : memref<128x64xf32, #tpu.memory_space<vmem>>, vector<1x16xf32>,
      %get3A_475 = vector.shape_cast %get3A_474 : vector<1x16xf32> to vector<16xf32>
      %add3A_476 = arith.addf %add3A_471, %get3A_475 : vector<16xf32>
      %swap3A_477 = arith.index_cast %scan3A_442 : i32 to index
      %swap3A_478 = arith.constant 16 : index
      %swap3A_479 = tpu.vector_load %arg16[%swap3A_477, %swap3A_478] {strides = array<i32>} : memref<128x64xf32, #tpu.memory_space<vmem>>, vector<1x16xf32>,
      %swap3A_480 = vector.shape_cast %swap3A_479 : vector<1x16xf32> to vector<16xf32>
      %swap3A_481 = vector.shape_cast %add3A_476 : vector<16xf32> to vector<1x16xf32>
      tpu.vector_store %arg16[%swap3A_477, %swap3A_478], %swap3A_481 {strides = array<i32>} : memref<128x64xf32, #tpu.memory_space<vmem>>, vector<1x16xf32>,
      %get3A_482 = arith.index_cast %scan3A_442 : i32 to index
      %get3A_483 = arith.constant 32 : index
      %get3A_484 = tpu.vector_load %arg16[%get3A_482, %get3A_483] {strides = array<i32>} : memref<128x64xf32, #tpu.memory_space<vmem>>, vector<1x16xf32>,
      %get3A_485 = vector.shape_cast %get3A_484 : vector<1x16xf32> to vector<16xf32>
      %get3A_486 = arith.index_cast %scan3A_442 : i32 to index
      %get3A_487 = arith.constant 32 : index
      %get3A_488 = tpu.vector_load %arg17[%get3A_486, %get3A_487] {strides = array<i32>} : memref<128x64xf32, #tpu.memory_space<vmem>>, vector<1x16xf32>,
      %get3A_489 = vector.shape_cast %get3A_488 : vector<1x16xf32> to vector<16xf32>
      %mul3A_490 = arith.mulf %gather3A_133, %get3A_489 : vector<16xf32>
      %add3A_491 = arith.addf %get3A_485, %mul3A_490 : vector<16xf32>
      %get3A_492 = arith.index_cast %scan3A_442 : i32 to index
      %get3A_493 = arith.constant 32 : index
      %get3A_494 = tpu.vector_load %arg18[%get3A_492, %get3A_493] {strides = array<i32>} : memref<128x64xf32, #tpu.memory_space<vmem>>, vector<1x16xf32>,
      %get3A_495 = vector.shape_cast %get3A_494 : vector<1x16xf32> to vector<16xf32>
      %add3A_496 = arith.addf %add3A_491, %get3A_495 : vector<16xf32>
      %swap3A_497 = arith.index_cast %scan3A_442 : i32 to index
      %swap3A_498 = arith.constant 32 : index
      %swap3A_499 = tpu.vector_load %arg16[%swap3A_497, %swap3A_498] {strides = array<i32>} : memref<128x64xf32, #tpu.memory_space<vmem>>, vector<1x16xf32>,
      %swap3A_500 = vector.shape_cast %swap3A_499 : vector<1x16xf32> to vector<16xf32>
      %swap3A_501 = vector.shape_cast %add3A_496 : vector<16xf32> to vector<1x16xf32>
      tpu.vector_store %arg16[%swap3A_497, %swap3A_498], %swap3A_501 {strides = array<i32>} : memref<128x64xf32, #tpu.memory_space<vmem>>, vector<1x16xf32>,
      %get3A_502 = arith.index_cast %scan3A_442 : i32 to index
      %get3A_503 = arith.constant 48 : index
      %get3A_504 = tpu.vector_load %arg16[%get3A_502, %get3A_503] {strides = array<i32>} : memref<128x64xf32, #tpu.memory_space<vmem>>, vector<1x16xf32>,
      %get3A_505 = vector.shape_cast %get3A_504 : vector<1x16xf32> to vector<16xf32>
      %get3A_506 = arith.index_cast %scan3A_442 : i32 to index
      %get3A_507 = arith.constant 48 : index
      %get3A_508 = tpu.vector_load %arg17[%get3A_506, %get3A_507] {strides = array<i32>} : memref<128x64xf32, #tpu.memory_space<vmem>>, vector<1x16xf32>,
      %get3A_509 = vector.shape_cast %get3A_508 : vector<1x16xf32> to vector<16xf32>
      %mul3A_510 = arith.mulf %gather3A_133, %get3A_509 : vector<16xf32>
      %add3A_511 = arith.addf %get3A_505, %mul3A_510 : vector<16xf32>
      %get3A_512 = arith.index_cast %scan3A_442 : i32 to index
      %get3A_513 = arith.constant 48 : index
      %get3A_514 = tpu.vector_load %arg18[%get3A_512, %get3A_513] {strides = array<i32>} : memref<128x64xf32, #tpu.memory_space<vmem>>, vector<1x16xf32>,
      %get3A_515 = vector.shape_cast %get3A_514 : vector<1x16xf32> to vector<16xf32>
      %add3A_516 = arith.addf %add3A_511, %get3A_515 : vector<16xf32>
      %swap3A_517 = arith.index_cast %scan3A_442 : i32 to index
      %swap3A_518 = arith.constant 48 : index
      %swap3A_519 = tpu.vector_load %arg16[%swap3A_517, %swap3A_518] {strides = array<i32>} : memref<128x64xf32, #tpu.memory_space<vmem>>, vector<1x16xf32>,
      %swap3A_520 = vector.shape_cast %swap3A_519 : vector<1x16xf32> to vector<16xf32>
      %swap3A_521 = vector.shape_cast %add3A_516 : vector<16xf32> to vector<1x16xf32>
      tpu.vector_store %arg16[%swap3A_517, %swap3A_518], %swap3A_521 {strides = array<i32>} : memref<128x64xf32, #tpu.memory_space<vmem>>, vector<1x16xf32>,
    }
    %scan3A_343 = arith.constant 128 : i32
    %add3A_344 = arith.constant 128 : i32
    %add3A_345 = arith.addi %mul3A_2, %add3A_344 : i32
    %dma_start3A_346 = arith.constant 0 : i32
    %dma_start3A_347 = tpu.memref_slice %arg10[%add3A_345, %dma_start3A_346] : memref<16384x64xf32, #tpu.memory_space<hbm>> -> memref<128x64xf32, #tpu.memory_space<hbm>>
    %dma_start3A_348 = arith.constant 0 : i32
    %dma_start3A_349 = tpu.memref_slice %arg10[%add3A_345, %dma_start3A_348] : memref<16384x64xf32, #tpu.memory_space<hbm>> -> memref<128x64xf32, #tpu.memory_space<hbm>>
    tpu.enqueue_dma source(%arg16 : memref<128x64xf32, #tpu.memory_space<vmem>>) target(%dma_start3A_349 : memref<128x64xf32, #tpu.memory_space<hbm>>) target_semaphore(%arg23 : memref<!tpu.dma_semaphore, #tpu.memory_space<semaphore_mem>>)
    %dma_wait3A_350 = arith.constant 0 : i32
    %dma_wait3A_351 = tpu.memref_slice %arg10[%add3A_345, %dma_wait3A_350] : memref<16384x64xf32, #tpu.memory_space<hbm>> -> memref<128x64xf32, #tpu.memory_space<hbm>>
    %dma_wait3A_352 = arith.constant 0 : i32
    %dma_wait3A_353 = tpu.memref_slice %arg10[%add3A_345, %dma_wait3A_352] : memref<16384x64xf32, #tpu.memory_space<hbm>> -> memref<128x64xf32, #tpu.memory_space<hbm>>
    tpu.wait_dma2 semaphore(%arg23 : memref<!tpu.dma_semaphore, #tpu.memory_space<semaphore_mem>>) src(%arg16 : memref<128x64xf32, #tpu.memory_space<vmem>>) dst(%dma_wait3A_353 : memref<128x64xf32, #tpu.memory_space<hbm>>)
    %dma_start3A_354 = arith.constant 3 : i32
    %dma_start3A_355 = arith.constant 0 : i32
    %dma_start3A_356 = tpu.memref_slice %arg12[%dma_start3A_354, %dma_start3A_355] : memref<4x128xi32, #tpu.memory_space<vmem>> -> memref<1x128xi32, #tpu.memory_space<vmem>>
    %dma_start3A_357 = tpu.memref_squeeze %dma_start3A_356 : memref<1x128xi32, #tpu.memory_space<vmem>> -> memref<128xi32, #tpu.memory_space<vmem>>
    %dma_start3A_358 = arith.constant 0 : i32
    %dma_start3A_359 = arith.constant 0 : i32
    %dma_start3A_360 = tpu.memref_slice %arg3[%dma_start3A_358, %dma_start3A_359] : memref<100000x64xf32, #tpu.memory_space<hbm>> -> memref<100000x64xf32, #tpu.memory_space<hbm>>
    tpu.enqueue_indirect_dma source(%dma_start3A_360 : memref<100000x64xf32, #tpu.memory_space<hbm>>) target(%arg16 : memref<128x64xf32, #tpu.memory_space<vmem>>) offsets(%dma_start3A_357 : memref<128xi32, #tpu.memory_space<vmem>>) semaphore(%arg21 : memref<!tpu.dma_semaphore, #tpu.memory_space<semaphore_mem>>)
    %dma_start3A_361 = arith.constant 3 : i32
    %dma_start3A_362 = arith.constant 0 : i32
    %dma_start3A_363 = tpu.memref_slice %arg12[%dma_start3A_361, %dma_start3A_362] : memref<4x128xi32, #tpu.memory_space<vmem>> -> memref<1x128xi32, #tpu.memory_space<vmem>>
    %dma_start3A_364 = tpu.memref_squeeze %dma_start3A_363 : memref<1x128xi32, #tpu.memory_space<vmem>> -> memref<128xi32, #tpu.memory_space<vmem>>
    %dma_start3A_365 = arith.constant 0 : i32
    %dma_start3A_366 = arith.constant 0 : i32
    %dma_start3A_367 = tpu.memref_slice %arg4[%dma_start3A_365, %dma_start3A_366] : memref<100000x64xf32, #tpu.memory_space<hbm>> -> memref<100000x64xf32, #tpu.memory_space<hbm>>
    tpu.enqueue_indirect_dma source(%dma_start3A_367 : memref<100000x64xf32, #tpu.memory_space<hbm>>) target(%arg17 : memref<128x64xf32, #tpu.memory_space<vmem>>) offsets(%dma_start3A_364 : memref<128xi32, #tpu.memory_space<vmem>>) semaphore(%arg21 : memref<!tpu.dma_semaphore, #tpu.memory_space<semaphore_mem>>)
    %add3A_368 = arith.constant 384 : i32
    %add3A_369 = arith.addi %mul3A_2, %add3A_368 : i32
    %dma_start3A_370 = arith.constant 0 : i32
    %dma_start3A_371 = tpu.memref_slice %arg5[%add3A_369, %dma_start3A_370] : memref<16384x64xf32, #tpu.memory_space<hbm>> -> memref<128x64xf32, #tpu.memory_space<hbm>>
    %dma_start3A_372 = arith.constant 0 : i32
    %dma_start3A_373 = tpu.memref_slice %arg5[%add3A_369, %dma_start3A_372] : memref<16384x64xf32, #tpu.memory_space<hbm>> -> memref<128x64xf32, #tpu.memory_space<hbm>>
    tpu.enqueue_dma source(%dma_start3A_373 : memref<128x64xf32, #tpu.memory_space<hbm>>) target(%arg18 : memref<128x64xf32, #tpu.memory_space<vmem>>) target_semaphore(%arg21 : memref<!tpu.dma_semaphore, #tpu.memory_space<semaphore_mem>>)
    %dma_wait3A_374 = arith.constant 2 : i32
    %dma_wait3A_375 = arith.constant 0 : i32
    %dma_wait3A_376 = tpu.memref_slice %arg12[%dma_wait3A_374, %dma_wait3A_375] : memref<4x128xi32, #tpu.memory_space<vmem>> -> memref<1x128xi32, #tpu.memory_space<vmem>>
    %dma_wait3A_377 = tpu.memref_squeeze %dma_wait3A_376 : memref<1x128xi32, #tpu.memory_space<vmem>> -> memref<128xi32, #tpu.memory_space<vmem>>
    %dma_wait3A_378 = arith.constant 0 : i32
    %dma_wait3A_379 = arith.constant 0 : i32
    %dma_wait3A_380 = tpu.memref_slice %arg3[%dma_wait3A_378, %dma_wait3A_379] : memref<100000x64xf32, #tpu.memory_space<hbm>> -> memref<100000x64xf32, #tpu.memory_space<hbm>>
    tpu.wait_indirect_dma semaphore(%arg20 : memref<!tpu.dma_semaphore, #tpu.memory_space<semaphore_mem>>) src(%dma_wait3A_380 : memref<100000x64xf32, #tpu.memory_space<hbm>>) dst(%arg13 : memref<128x64xf32, #tpu.memory_space<vmem>>)
    %dma_wait3A_381 = arith.constant 2 : i32
    %dma_wait3A_382 = arith.constant 0 : i32
    %dma_wait3A_383 = tpu.memref_slice %arg12[%dma_wait3A_381, %dma_wait3A_382] : memref<4x128xi32, #tpu.memory_space<vmem>> -> memref<1x128xi32, #tpu.memory_space<vmem>>
    %dma_wait3A_384 = tpu.memref_squeeze %dma_wait3A_383 : memref<1x128xi32, #tpu.memory_space<vmem>> -> memref<128xi32, #tpu.memory_space<vmem>>
    %dma_wait3A_385 = arith.constant 0 : i32
    %dma_wait3A_386 = arith.constant 0 : i32
    %dma_wait3A_387 = tpu.memref_slice %arg4[%dma_wait3A_385, %dma_wait3A_386] : memref<100000x64xf32, #tpu.memory_space<hbm>> -> memref<100000x64xf32, #tpu.memory_space<hbm>>
    tpu.wait_indirect_dma semaphore(%arg20 : memref<!tpu.dma_semaphore, #tpu.memory_space<semaphore_mem>>) src(%dma_wait3A_387 : memref<100000x64xf32, #tpu.memory_space<hbm>>) dst(%arg14 : memref<128x64xf32, #tpu.memory_space<vmem>>)
    %dma_wait3A_388 = arith.constant 0 : i32
    %dma_wait3A_389 = tpu.memref_slice %arg5[%add3A_315, %dma_wait3A_388] : memref<16384x64xf32, #tpu.memory_space<hbm>> -> memref<128x64xf32, #tpu.memory_space<hbm>>
    %dma_wait3A_390 = arith.constant 0 : i32
    %dma_wait3A_391 = tpu.memref_slice %arg5[%add3A_315, %dma_wait3A_390] : memref<16384x64xf32, #tpu.memory_space<hbm>> -> memref<128x64xf32, #tpu.memory_space<hbm>>
    tpu.wait_dma2 semaphore(%arg20 : memref<!tpu.dma_semaphore, #tpu.memory_space<semaphore_mem>>) src(%dma_wait3A_391 : memref<128x64xf32, #tpu.memory_space<hbm>>) dst(%arg15 : memref<128x64xf32, #tpu.memory_space<vmem>>)
    %scan3A_392 = arith.constant 0 : i32
    %scan3A_393 = arith.constant 0 : i32
    %scan3A_394 = arith.constant 128 : i32
    %scan3A_395 = arith.addi %scan3A_393, %scan3A_394 : i32
    %scan3A_396 = arith.constant 1 : i32
    scf.for %scan3A_442 = %scan3A_393 to %scan3A_395 step %scan3A_396  : i32 {
      %get3A_443 = arith.index_cast %scan3A_442 : i32 to index
      %get3A_444 = arith.constant 0 : index
      %get3A_445 = tpu.vector_load %arg13[%get3A_443, %get3A_444] {strides = array<i32>} : memref<128x64xf32, #tpu.memory_space<vmem>>, vector<1x16xf32>,
      %get3A_446 = vector.shape_cast %get3A_445 : vector<1x16xf32> to vector<16xf32>
      %get3A_447 = arith.index_cast %scan3A_442 : i32 to index
      %get3A_448 = arith.constant 0 : index
      %get3A_449 = tpu.vector_load %arg14[%get3A_447, %get3A_448] {strides = array<i32>} : memref<128x64xf32, #tpu.memory_space<vmem>>, vector<1x16xf32>,
      %get3A_450 = vector.shape_cast %get3A_449 : vector<1x16xf32> to vector<16xf32>
      %mul3A_451 = arith.mulf %gather3A_133, %get3A_450 : vector<16xf32>
      %add3A_452 = arith.addf %get3A_446, %mul3A_451 : vector<16xf32>
      %get3A_453 = arith.index_cast %scan3A_442 : i32 to index
      %get3A_454 = arith.constant 0 : index
      %get3A_455 = tpu.vector_load %arg15[%get3A_453, %get3A_454] {strides = array<i32>} : memref<128x64xf32, #tpu.memory_space<vmem>>, vector<1x16xf32>,
      %get3A_456 = vector.shape_cast %get3A_455 : vector<1x16xf32> to vector<16xf32>
      %add3A_457 = arith.addf %add3A_452, %get3A_456 : vector<16xf32>
      %swap3A = arith.index_cast %scan3A_442 : i32 to index
      %swap3A_458 = arith.constant 0 : index
      %swap3A_459 = tpu.vector_load %arg13[%swap3A, %swap3A_458] {strides = array<i32>} : memref<128x64xf32, #tpu.memory_space<vmem>>, vector<1x16xf32>,
      %swap3A_460 = vector.shape_cast %swap3A_459 : vector<1x16xf32> to vector<16xf32>
      %swap3A_461 = vector.shape_cast %add3A_457 : vector<16xf32> to vector<1x16xf32>
      tpu.vector_store %arg13[%swap3A, %swap3A_458], %swap3A_461 {strides = array<i32>} : memref<128x64xf32, #tpu.memory_space<vmem>>, vector<1x16xf32>,
      %get3A_462 = arith.index_cast %scan3A_442 : i32 to index
      %get3A_463 = arith.constant 16 : index
      %get3A_464 = tpu.vector_load %arg13[%get3A_462, %get3A_463] {strides = array<i32>} : memref<128x64xf32, #tpu.memory_space<vmem>>, vector<1x16xf32>,
      %get3A_465 = vector.shape_cast %get3A_464 : vector<1x16xf32> to vector<16xf32>
      %get3A_466 = arith.index_cast %scan3A_442 : i32 to index
      %get3A_467 = arith.constant 16 : index
      %get3A_468 = tpu.vector_load %arg14[%get3A_466, %get3A_467] {strides = array<i32>} : memref<128x64xf32, #tpu.memory_space<vmem>>, vector<1x16xf32>,
      %get3A_469 = vector.shape_cast %get3A_468 : vector<1x16xf32> to vector<16xf32>
      %mul3A_470 = arith.mulf %gather3A_133, %get3A_469 : vector<16xf32>
      %add3A_471 = arith.addf %get3A_465, %mul3A_470 : vector<16xf32>
      %get3A_472 = arith.index_cast %scan3A_442 : i32 to index
      %get3A_473 = arith.constant 16 : index
      %get3A_474 = tpu.vector_load %arg15[%get3A_472, %get3A_473] {strides = array<i32>} : memref<128x64xf32, #tpu.memory_space<vmem>>, vector<1x16xf32>,
      %get3A_475 = vector.shape_cast %get3A_474 : vector<1x16xf32> to vector<16xf32>
      %add3A_476 = arith.addf %add3A_471, %get3A_475 : vector<16xf32>
      %swap3A_477 = arith.index_cast %scan3A_442 : i32 to index
      %swap3A_478 = arith.constant 16 : index
      %swap3A_479 = tpu.vector_load %arg13[%swap3A_477, %swap3A_478] {strides = array<i32>} : memref<128x64xf32, #tpu.memory_space<vmem>>, vector<1x16xf32>,
      %swap3A_480 = vector.shape_cast %swap3A_479 : vector<1x16xf32> to vector<16xf32>
      %swap3A_481 = vector.shape_cast %add3A_476 : vector<16xf32> to vector<1x16xf32>
      tpu.vector_store %arg13[%swap3A_477, %swap3A_478], %swap3A_481 {strides = array<i32>} : memref<128x64xf32, #tpu.memory_space<vmem>>, vector<1x16xf32>,
      %get3A_482 = arith.index_cast %scan3A_442 : i32 to index
      %get3A_483 = arith.constant 32 : index
      %get3A_484 = tpu.vector_load %arg13[%get3A_482, %get3A_483] {strides = array<i32>} : memref<128x64xf32, #tpu.memory_space<vmem>>, vector<1x16xf32>,
      %get3A_485 = vector.shape_cast %get3A_484 : vector<1x16xf32> to vector<16xf32>
      %get3A_486 = arith.index_cast %scan3A_442 : i32 to index
      %get3A_487 = arith.constant 32 : index
      %get3A_488 = tpu.vector_load %arg14[%get3A_486, %get3A_487] {strides = array<i32>} : memref<128x64xf32, #tpu.memory_space<vmem>>, vector<1x16xf32>,
      %get3A_489 = vector.shape_cast %get3A_488 : vector<1x16xf32> to vector<16xf32>
      %mul3A_490 = arith.mulf %gather3A_133, %get3A_489 : vector<16xf32>
      %add3A_491 = arith.addf %get3A_485, %mul3A_490 : vector<16xf32>
      %get3A_492 = arith.index_cast %scan3A_442 : i32 to index
      %get3A_493 = arith.constant 32 : index
      %get3A_494 = tpu.vector_load %arg15[%get3A_492, %get3A_493] {strides = array<i32>} : memref<128x64xf32, #tpu.memory_space<vmem>>, vector<1x16xf32>,
      %get3A_495 = vector.shape_cast %get3A_494 : vector<1x16xf32> to vector<16xf32>
      %add3A_496 = arith.addf %add3A_491, %get3A_495 : vector<16xf32>
      %swap3A_497 = arith.index_cast %scan3A_442 : i32 to index
      %swap3A_498 = arith.constant 32 : index
      %swap3A_499 = tpu.vector_load %arg13[%swap3A_497, %swap3A_498] {strides = array<i32>} : memref<128x64xf32, #tpu.memory_space<vmem>>, vector<1x16xf32>,
      %swap3A_500 = vector.shape_cast %swap3A_499 : vector<1x16xf32> to vector<16xf32>
      %swap3A_501 = vector.shape_cast %add3A_496 : vector<16xf32> to vector<1x16xf32>
      tpu.vector_store %arg13[%swap3A_497, %swap3A_498], %swap3A_501 {strides = array<i32>} : memref<128x64xf32, #tpu.memory_space<vmem>>, vector<1x16xf32>,
      %get3A_502 = arith.index_cast %scan3A_442 : i32 to index
      %get3A_503 = arith.constant 48 : index
      %get3A_504 = tpu.vector_load %arg13[%get3A_502, %get3A_503] {strides = array<i32>} : memref<128x64xf32, #tpu.memory_space<vmem>>, vector<1x16xf32>,
      %get3A_505 = vector.shape_cast %get3A_504 : vector<1x16xf32> to vector<16xf32>
      %get3A_506 = arith.index_cast %scan3A_442 : i32 to index
      %get3A_507 = arith.constant 48 : index
      %get3A_508 = tpu.vector_load %arg14[%get3A_506, %get3A_507] {strides = array<i32>} : memref<128x64xf32, #tpu.memory_space<vmem>>, vector<1x16xf32>,
      %get3A_509 = vector.shape_cast %get3A_508 : vector<1x16xf32> to vector<16xf32>
      %mul3A_510 = arith.mulf %gather3A_133, %get3A_509 : vector<16xf32>
      %add3A_511 = arith.addf %get3A_505, %mul3A_510 : vector<16xf32>
      %get3A_512 = arith.index_cast %scan3A_442 : i32 to index
      %get3A_513 = arith.constant 48 : index
      %get3A_514 = tpu.vector_load %arg15[%get3A_512, %get3A_513] {strides = array<i32>} : memref<128x64xf32, #tpu.memory_space<vmem>>, vector<1x16xf32>,
      %get3A_515 = vector.shape_cast %get3A_514 : vector<1x16xf32> to vector<16xf32>
      %add3A_516 = arith.addf %add3A_511, %get3A_515 : vector<16xf32>
      %swap3A_517 = arith.index_cast %scan3A_442 : i32 to index
      %swap3A_518 = arith.constant 48 : index
      %swap3A_519 = tpu.vector_load %arg13[%swap3A_517, %swap3A_518] {strides = array<i32>} : memref<128x64xf32, #tpu.memory_space<vmem>>, vector<1x16xf32>,
      %swap3A_520 = vector.shape_cast %swap3A_519 : vector<1x16xf32> to vector<16xf32>
      %swap3A_521 = vector.shape_cast %add3A_516 : vector<16xf32> to vector<1x16xf32>
      tpu.vector_store %arg13[%swap3A_517, %swap3A_518], %swap3A_521 {strides = array<i32>} : memref<128x64xf32, #tpu.memory_space<vmem>>, vector<1x16xf32>,
    }
    %scan3A_397 = arith.constant 128 : i32
    %add3A_398 = arith.constant 256 : i32
    %add3A_399 = arith.addi %mul3A_2, %add3A_398 : i32
    %dma_start3A_400 = arith.constant 0 : i32
    %dma_start3A_401 = tpu.memref_slice %arg10[%add3A_399, %dma_start3A_400] : memref<16384x64xf32, #tpu.memory_space<hbm>> -> memref<128x64xf32, #tpu.memory_space<hbm>>
    %dma_start3A_402 = arith.constant 0 : i32
    %dma_start3A_403 = tpu.memref_slice %arg10[%add3A_399, %dma_start3A_402] : memref<16384x64xf32, #tpu.memory_space<hbm>> -> memref<128x64xf32, #tpu.memory_space<hbm>>
    tpu.enqueue_dma source(%arg13 : memref<128x64xf32, #tpu.memory_space<vmem>>) target(%dma_start3A_403 : memref<128x64xf32, #tpu.memory_space<hbm>>) target_semaphore(%arg22 : memref<!tpu.dma_semaphore, #tpu.memory_space<semaphore_mem>>)
    %dma_wait3A_404 = arith.constant 3 : i32
    %dma_wait3A_405 = arith.constant 0 : i32
    %dma_wait3A_406 = tpu.memref_slice %arg12[%dma_wait3A_404, %dma_wait3A_405] : memref<4x128xi32, #tpu.memory_space<vmem>> -> memref<1x128xi32, #tpu.memory_space<vmem>>
    %dma_wait3A_407 = tpu.memref_squeeze %dma_wait3A_406 : memref<1x128xi32, #tpu.memory_space<vmem>> -> memref<128xi32, #tpu.memory_space<vmem>>
    %dma_wait3A_408 = arith.constant 0 : i32
    %dma_wait3A_409 = arith.constant 0 : i32
    %dma_wait3A_410 = tpu.memref_slice %arg3[%dma_wait3A_408, %dma_wait3A_409] : memref<100000x64xf32, #tpu.memory_space<hbm>> -> memref<100000x64xf32, #tpu.memory_space<hbm>>
    tpu.wait_indirect_dma semaphore(%arg21 : memref<!tpu.dma_semaphore, #tpu.memory_space<semaphore_mem>>) src(%dma_wait3A_410 : memref<100000x64xf32, #tpu.memory_space<hbm>>) dst(%arg16 : memref<128x64xf32, #tpu.memory_space<vmem>>)
    %dma_wait3A_411 = arith.constant 3 : i32
    %dma_wait3A_412 = arith.constant 0 : i32
    %dma_wait3A_413 = tpu.memref_slice %arg12[%dma_wait3A_411, %dma_wait3A_412] : memref<4x128xi32, #tpu.memory_space<vmem>> -> memref<1x128xi32, #tpu.memory_space<vmem>>
    %dma_wait3A_414 = tpu.memref_squeeze %dma_wait3A_413 : memref<1x128xi32, #tpu.memory_space<vmem>> -> memref<128xi32, #tpu.memory_space<vmem>>
    %dma_wait3A_415 = arith.constant 0 : i32
    %dma_wait3A_416 = arith.constant 0 : i32
    %dma_wait3A_417 = tpu.memref_slice %arg4[%dma_wait3A_415, %dma_wait3A_416] : memref<100000x64xf32, #tpu.memory_space<hbm>> -> memref<100000x64xf32, #tpu.memory_space<hbm>>
    tpu.wait_indirect_dma semaphore(%arg21 : memref<!tpu.dma_semaphore, #tpu.memory_space<semaphore_mem>>) src(%dma_wait3A_417 : memref<100000x64xf32, #tpu.memory_space<hbm>>) dst(%arg17 : memref<128x64xf32, #tpu.memory_space<vmem>>)
    %dma_wait3A_418 = arith.constant 0 : i32
    %dma_wait3A_419 = tpu.memref_slice %arg5[%add3A_369, %dma_wait3A_418] : memref<16384x64xf32, #tpu.memory_space<hbm>> -> memref<128x64xf32, #tpu.memory_space<hbm>>
    %dma_wait3A_420 = arith.constant 0 : i32
    %dma_wait3A_421 = tpu.memref_slice %arg5[%add3A_369, %dma_wait3A_420] : memref<16384x64xf32, #tpu.memory_space<hbm>> -> memref<128x64xf32, #tpu.memory_space<hbm>>
    tpu.wait_dma2 semaphore(%arg21 : memref<!tpu.dma_semaphore, #tpu.memory_space<semaphore_mem>>) src(%dma_wait3A_421 : memref<128x64xf32, #tpu.memory_space<hbm>>) dst(%arg18 : memref<128x64xf32, #tpu.memory_space<vmem>>)
    %scan3A_422 = arith.constant 0 : i32
    %scan3A_423 = arith.constant 0 : i32
    %scan3A_424 = arith.constant 128 : i32
    %scan3A_425 = arith.addi %scan3A_423, %scan3A_424 : i32
    %scan3A_426 = arith.constant 1 : i32
    scf.for %scan3A_442 = %scan3A_423 to %scan3A_425 step %scan3A_426  : i32 {
      %get3A_443 = arith.index_cast %scan3A_442 : i32 to index
      %get3A_444 = arith.constant 0 : index
      %get3A_445 = tpu.vector_load %arg16[%get3A_443, %get3A_444] {strides = array<i32>} : memref<128x64xf32, #tpu.memory_space<vmem>>, vector<1x16xf32>,
      %get3A_446 = vector.shape_cast %get3A_445 : vector<1x16xf32> to vector<16xf32>
      %get3A_447 = arith.index_cast %scan3A_442 : i32 to index
      %get3A_448 = arith.constant 0 : index
      %get3A_449 = tpu.vector_load %arg17[%get3A_447, %get3A_448] {strides = array<i32>} : memref<128x64xf32, #tpu.memory_space<vmem>>, vector<1x16xf32>,
      %get3A_450 = vector.shape_cast %get3A_449 : vector<1x16xf32> to vector<16xf32>
      %mul3A_451 = arith.mulf %gather3A_133, %get3A_450 : vector<16xf32>
      %add3A_452 = arith.addf %get3A_446, %mul3A_451 : vector<16xf32>
      %get3A_453 = arith.index_cast %scan3A_442 : i32 to index
      %get3A_454 = arith.constant 0 : index
      %get3A_455 = tpu.vector_load %arg18[%get3A_453, %get3A_454] {strides = array<i32>} : memref<128x64xf32, #tpu.memory_space<vmem>>, vector<1x16xf32>,
      %get3A_456 = vector.shape_cast %get3A_455 : vector<1x16xf32> to vector<16xf32>
      %add3A_457 = arith.addf %add3A_452, %get3A_456 : vector<16xf32>
      %swap3A = arith.index_cast %scan3A_442 : i32 to index
      %swap3A_458 = arith.constant 0 : index
      %swap3A_459 = tpu.vector_load %arg16[%swap3A, %swap3A_458] {strides = array<i32>} : memref<128x64xf32, #tpu.memory_space<vmem>>, vector<1x16xf32>,
      %swap3A_460 = vector.shape_cast %swap3A_459 : vector<1x16xf32> to vector<16xf32>
      %swap3A_461 = vector.shape_cast %add3A_457 : vector<16xf32> to vector<1x16xf32>
      tpu.vector_store %arg16[%swap3A, %swap3A_458], %swap3A_461 {strides = array<i32>} : memref<128x64xf32, #tpu.memory_space<vmem>>, vector<1x16xf32>,
      %get3A_462 = arith.index_cast %scan3A_442 : i32 to index
      %get3A_463 = arith.constant 16 : index
      %get3A_464 = tpu.vector_load %arg16[%get3A_462, %get3A_463] {strides = array<i32>} : memref<128x64xf32, #tpu.memory_space<vmem>>, vector<1x16xf32>,
      %get3A_465 = vector.shape_cast %get3A_464 : vector<1x16xf32> to vector<16xf32>
      %get3A_466 = arith.index_cast %scan3A_442 : i32 to index
      %get3A_467 = arith.constant 16 : index
      %get3A_468 = tpu.vector_load %arg17[%get3A_466, %get3A_467] {strides = array<i32>} : memref<128x64xf32, #tpu.memory_space<vmem>>, vector<1x16xf32>,
      %get3A_469 = vector.shape_cast %get3A_468 : vector<1x16xf32> to vector<16xf32>
      %mul3A_470 = arith.mulf %gather3A_133, %get3A_469 : vector<16xf32>
      %add3A_471 = arith.addf %get3A_465, %mul3A_470 : vector<16xf32>
      %get3A_472 = arith.index_cast %scan3A_442 : i32 to index
      %get3A_473 = arith.constant 16 : index
      %get3A_474 = tpu.vector_load %arg18[%get3A_472, %get3A_473] {strides = array<i32>} : memref<128x64xf32, #tpu.memory_space<vmem>>, vector<1x16xf32>,
      %get3A_475 = vector.shape_cast %get3A_474 : vector<1x16xf32> to vector<16xf32>
      %add3A_476 = arith.addf %add3A_471, %get3A_475 : vector<16xf32>
      %swap3A_477 = arith.index_cast %scan3A_442 : i32 to index
      %swap3A_478 = arith.constant 16 : index
      %swap3A_479 = tpu.vector_load %arg16[%swap3A_477, %swap3A_478] {strides = array<i32>} : memref<128x64xf32, #tpu.memory_space<vmem>>, vector<1x16xf32>,
      %swap3A_480 = vector.shape_cast %swap3A_479 : vector<1x16xf32> to vector<16xf32>
      %swap3A_481 = vector.shape_cast %add3A_476 : vector<16xf32> to vector<1x16xf32>
      tpu.vector_store %arg16[%swap3A_477, %swap3A_478], %swap3A_481 {strides = array<i32>} : memref<128x64xf32, #tpu.memory_space<vmem>>, vector<1x16xf32>,
      %get3A_482 = arith.index_cast %scan3A_442 : i32 to index
      %get3A_483 = arith.constant 32 : index
      %get3A_484 = tpu.vector_load %arg16[%get3A_482, %get3A_483] {strides = array<i32>} : memref<128x64xf32, #tpu.memory_space<vmem>>, vector<1x16xf32>,
      %get3A_485 = vector.shape_cast %get3A_484 : vector<1x16xf32> to vector<16xf32>
      %get3A_486 = arith.index_cast %scan3A_442 : i32 to index
      %get3A_487 = arith.constant 32 : index
      %get3A_488 = tpu.vector_load %arg17[%get3A_486, %get3A_487] {strides = array<i32>} : memref<128x64xf32, #tpu.memory_space<vmem>>, vector<1x16xf32>,
      %get3A_489 = vector.shape_cast %get3A_488 : vector<1x16xf32> to vector<16xf32>
      %mul3A_490 = arith.mulf %gather3A_133, %get3A_489 : vector<16xf32>
      %add3A_491 = arith.addf %get3A_485, %mul3A_490 : vector<16xf32>
      %get3A_492 = arith.index_cast %scan3A_442 : i32 to index
      %get3A_493 = arith.constant 32 : index
      %get3A_494 = tpu.vector_load %arg18[%get3A_492, %get3A_493] {strides = array<i32>} : memref<128x64xf32, #tpu.memory_space<vmem>>, vector<1x16xf32>,
      %get3A_495 = vector.shape_cast %get3A_494 : vector<1x16xf32> to vector<16xf32>
      %add3A_496 = arith.addf %add3A_491, %get3A_495 : vector<16xf32>
      %swap3A_497 = arith.index_cast %scan3A_442 : i32 to index
      %swap3A_498 = arith.constant 32 : index
      %swap3A_499 = tpu.vector_load %arg16[%swap3A_497, %swap3A_498] {strides = array<i32>} : memref<128x64xf32, #tpu.memory_space<vmem>>, vector<1x16xf32>,
      %swap3A_500 = vector.shape_cast %swap3A_499 : vector<1x16xf32> to vector<16xf32>
      %swap3A_501 = vector.shape_cast %add3A_496 : vector<16xf32> to vector<1x16xf32>
      tpu.vector_store %arg16[%swap3A_497, %swap3A_498], %swap3A_501 {strides = array<i32>} : memref<128x64xf32, #tpu.memory_space<vmem>>, vector<1x16xf32>,
      %get3A_502 = arith.index_cast %scan3A_442 : i32 to index
      %get3A_503 = arith.constant 48 : index
      %get3A_504 = tpu.vector_load %arg16[%get3A_502, %get3A_503] {strides = array<i32>} : memref<128x64xf32, #tpu.memory_space<vmem>>, vector<1x16xf32>,
      %get3A_505 = vector.shape_cast %get3A_504 : vector<1x16xf32> to vector<16xf32>
      %get3A_506 = arith.index_cast %scan3A_442 : i32 to index
      %get3A_507 = arith.constant 48 : index
      %get3A_508 = tpu.vector_load %arg17[%get3A_506, %get3A_507] {strides = array<i32>} : memref<128x64xf32, #tpu.memory_space<vmem>>, vector<1x16xf32>,
      %get3A_509 = vector.shape_cast %get3A_508 : vector<1x16xf32> to vector<16xf32>
      %mul3A_510 = arith.mulf %gather3A_133, %get3A_509 : vector<16xf32>
      %add3A_511 = arith.addf %get3A_505, %mul3A_510 : vector<16xf32>
      %get3A_512 = arith.index_cast %scan3A_442 : i32 to index
      %get3A_513 = arith.constant 48 : index
      %get3A_514 = tpu.vector_load %arg18[%get3A_512, %get3A_513] {strides = array<i32>} : memref<128x64xf32, #tpu.memory_space<vmem>>, vector<1x16xf32>,
      %get3A_515 = vector.shape_cast %get3A_514 : vector<1x16xf32> to vector<16xf32>
      %add3A_516 = arith.addf %add3A_511, %get3A_515 : vector<16xf32>
      %swap3A_517 = arith.index_cast %scan3A_442 : i32 to index
      %swap3A_518 = arith.constant 48 : index
      %swap3A_519 = tpu.vector_load %arg16[%swap3A_517, %swap3A_518] {strides = array<i32>} : memref<128x64xf32, #tpu.memory_space<vmem>>, vector<1x16xf32>,
      %swap3A_520 = vector.shape_cast %swap3A_519 : vector<1x16xf32> to vector<16xf32>
      %swap3A_521 = vector.shape_cast %add3A_516 : vector<16xf32> to vector<1x16xf32>
      tpu.vector_store %arg16[%swap3A_517, %swap3A_518], %swap3A_521 {strides = array<i32>} : memref<128x64xf32, #tpu.memory_space<vmem>>, vector<1x16xf32>,
    }
    %scan3A_427 = arith.constant 128 : i32
    %add3A_428 = arith.constant 384 : i32
    %add3A_429 = arith.addi %mul3A_2, %add3A_428 : i32
    %dma_start3A_430 = arith.constant 0 : i32
    %dma_start3A_431 = tpu.memref_slice %arg10[%add3A_429, %dma_start3A_430] : memref<16384x64xf32, #tpu.memory_space<hbm>> -> memref<128x64xf32, #tpu.memory_space<hbm>>
    %dma_start3A_432 = arith.constant 0 : i32
    %dma_start3A_433 = tpu.memref_slice %arg10[%add3A_429, %dma_start3A_432] : memref<16384x64xf32, #tpu.memory_space<hbm>> -> memref<128x64xf32, #tpu.memory_space<hbm>>
    tpu.enqueue_dma source(%arg16 : memref<128x64xf32, #tpu.memory_space<vmem>>) target(%dma_start3A_433 : memref<128x64xf32, #tpu.memory_space<hbm>>) target_semaphore(%arg23 : memref<!tpu.dma_semaphore, #tpu.memory_space<semaphore_mem>>)
    %dma_wait3A_434 = arith.constant 0 : i32
    %dma_wait3A_435 = tpu.memref_slice %arg10[%add3A_399, %dma_wait3A_434] : memref<16384x64xf32, #tpu.memory_space<hbm>> -> memref<128x64xf32, #tpu.memory_space<hbm>>
    %dma_wait3A_436 = arith.constant 0 : i32
    %dma_wait3A_437 = tpu.memref_slice %arg10[%add3A_399, %dma_wait3A_436] : memref<16384x64xf32, #tpu.memory_space<hbm>> -> memref<128x64xf32, #tpu.memory_space<hbm>>
    tpu.wait_dma2 semaphore(%arg22 : memref<!tpu.dma_semaphore, #tpu.memory_space<semaphore_mem>>) src(%arg13 : memref<128x64xf32, #tpu.memory_space<vmem>>) dst(%dma_wait3A_437 : memref<128x64xf32, #tpu.memory_space<hbm>>)
    %dma_wait3A_438 = arith.constant 0 : i32
    %dma_wait3A_439 = tpu.memref_slice %arg10[%add3A_429, %dma_wait3A_438] : memref<16384x64xf32, #tpu.memory_space<hbm>> -> memref<128x64xf32, #tpu.memory_space<hbm>>
    %dma_wait3A_440 = arith.constant 0 : i32
    %dma_wait3A_441 = tpu.memref_slice %arg10[%add3A_429, %dma_wait3A_440] : memref<16384x64xf32, #tpu.memory_space<hbm>> -> memref<128x64xf32, #tpu.memory_space<hbm>>
    tpu.wait_dma2 semaphore(%arg23 : memref<!tpu.dma_semaphore, #tpu.memory_space<semaphore_mem>>) src(%arg16 : memref<128x64xf32, #tpu.memory_space<vmem>>) dst(%dma_wait3A_441 : memref<128x64xf32, #tpu.memory_space<hbm>>)
    return
  }
}

#map = affine_map<(d0, d1) -> (0)>
#map1 = affine_map<(d0, d1) -> (0, 0)>
module attributes {stable_mosaic.version = 14 : i64} {
  func.func @_sc_small(%arg0: i32, %arg1: i32, %arg2: memref<16384xi32, #tpu.memory_space<hbm>>, %arg3: memref<16384xi32, #tpu.memory_space<hbm>>, %arg4: memref<16384xi32, #tpu.memory_space<hbm>>, %arg5: memref<50000x64xf32, #tpu.memory_space<hbm>>, %arg6: memref<10000x64xf32, #tpu.memory_space<hbm>>, %arg7: memref<1000x64xf32, #tpu.memory_space<hbm>>, %arg8: memref<16xf32, #tpu.memory_space<hbm>>, %arg9: memref<16xf32, #tpu.memory_space<hbm>>, %arg10: memref<16xf32, #tpu.memory_space<hbm>>, %arg11: memref<16xf32, #tpu.memory_space<hbm>>, %arg12: memref<16384x64xf32, #tpu.memory_space<hbm>>, %arg13: memref<4x16xf32, #tpu.memory_space<vmem>>, %arg14: memref<4x128xi32, #tpu.memory_space<vmem>>, %arg15: memref<4x128xi32, #tpu.memory_space<vmem>>, %arg16: memref<4x128xi32, #tpu.memory_space<vmem>>, %arg17: memref<128x64xf32, #tpu.memory_space<vmem>>, %arg18: memref<128x64xf32, #tpu.memory_space<vmem>>, %arg19: memref<128x64xf32, #tpu.memory_space<vmem>>, %arg20: memref<128x64xf32, #tpu.memory_space<vmem>>, %arg21: memref<128x64xf32, #tpu.memory_space<vmem>>, %arg22: memref<128x64xf32, #tpu.memory_space<vmem>>, %arg23: memref<!tpu.dma_semaphore, #tpu.memory_space<semaphore_mem>>, %arg24: memref<!tpu.dma_semaphore, #tpu.memory_space<semaphore_mem>>, %arg25: memref<!tpu.dma_semaphore, #tpu.memory_space<semaphore_mem>>, %arg26: memref<!tpu.dma_semaphore, #tpu.memory_space<semaphore_mem>>, %arg27: memref<!tpu.dma_semaphore, #tpu.memory_space<semaphore_mem>>) attributes {dimension_semantics = [#tpu.dimension_semantics<core_parallel>, #tpu.dimension_semantics<subcore_parallel>], iteration_bounds = array<i64: 2, 16>, scalar_prefetch = 0 : i64, scratch_operands = 15 : i64, tpu.core_type = #tpu.core_type<sc_vector_subcore>, window_params = [{transform_indices = #map}, {transform_indices = #map}, {transform_indices = #map}, {transform_indices = #map1}, {transform_indices = #map1}, {transform_indices = #map1}, {transform_indices = #map}, {transform_indices = #map}, {transform_indices = #map}, {transform_indices = #map}, {transform_indices = #map1}]} {
    %mul3A = arith.constant 2 : i32
    %mul3A_0 = arith.muli %arg1, %mul3A : i32
    %add3A = arith.addi %mul3A_0, %arg0 : i32
    %mul3A_1 = arith.constant 512 : i32
    %mul3A_2 = arith.muli %add3A, %mul3A_1 : i32
    %run_scoped3A = arith.constant 0 : i32
    "tpu.region"() ({
      %run_scoped3A_618 = tpu.sem_alloc : memref<!tpu.dma_semaphore, #tpu.memory_space<semaphore_mem>>
      %dma_start3A_619 = arith.constant 0 : i32
      %dma_start3A_620 = tpu.memref_slice %arg13[%run_scoped3A, %dma_start3A_619] : memref<4x16xf32, #tpu.memory_space<vmem>> -> memref<1x16xf32, #tpu.memory_space<vmem>>
      %dma_start3A_621 = tpu.memref_squeeze %dma_start3A_620 : memref<1x16xf32, #tpu.memory_space<vmem>> -> memref<16xf32, #tpu.memory_space<vmem>>
      %dma_start3A_622 = arith.constant 0 : i32
      %dma_start3A_623 = tpu.memref_slice %arg13[%run_scoped3A, %dma_start3A_622] : memref<4x16xf32, #tpu.memory_space<vmem>> -> memref<1x16xf32, #tpu.memory_space<vmem>>
      %dma_start3A_624 = tpu.memref_squeeze %dma_start3A_623 : memref<1x16xf32, #tpu.memory_space<vmem>> -> memref<16xf32, #tpu.memory_space<vmem>>
      tpu.enqueue_dma source(%arg8 : memref<16xf32, #tpu.memory_space<hbm>>) target(%dma_start3A_624 : memref<16xf32, #tpu.memory_space<vmem>>) target_semaphore(%run_scoped3A_618 : memref<!tpu.dma_semaphore, #tpu.memory_space<semaphore_mem>>)
      %dma_wait3A_625 = arith.constant 0 : i32
      %dma_wait3A_626 = tpu.memref_slice %arg13[%run_scoped3A, %dma_wait3A_625] : memref<4x16xf32, #tpu.memory_space<vmem>> -> memref<1x16xf32, #tpu.memory_space<vmem>>
      %dma_wait3A_627 = tpu.memref_squeeze %dma_wait3A_626 : memref<1x16xf32, #tpu.memory_space<vmem>> -> memref<16xf32, #tpu.memory_space<vmem>>
      %dma_wait3A_628 = arith.constant 0 : i32
      %dma_wait3A_629 = tpu.memref_slice %arg13[%run_scoped3A, %dma_wait3A_628] : memref<4x16xf32, #tpu.memory_space<vmem>> -> memref<1x16xf32, #tpu.memory_space<vmem>>
      %dma_wait3A_630 = tpu.memref_squeeze %dma_wait3A_629 : memref<1x16xf32, #tpu.memory_space<vmem>> -> memref<16xf32, #tpu.memory_space<vmem>>
      tpu.wait_dma2 semaphore(%run_scoped3A_618 : memref<!tpu.dma_semaphore, #tpu.memory_space<semaphore_mem>>) src(%arg8 : memref<16xf32, #tpu.memory_space<hbm>>) dst(%dma_wait3A_630 : memref<16xf32, #tpu.memory_space<vmem>>)
      tpu.yield
    }) : () -> ()
    %run_scoped3A_3 = arith.constant 1 : i32
    "tpu.region"() ({
      %run_scoped3A_618 = tpu.sem_alloc : memref<!tpu.dma_semaphore, #tpu.memory_space<semaphore_mem>>
      %dma_start3A_619 = arith.constant 0 : i32
      %dma_start3A_620 = tpu.memref_slice %arg13[%run_scoped3A_3, %dma_start3A_619] : memref<4x16xf32, #tpu.memory_space<vmem>> -> memref<1x16xf32, #tpu.memory_space<vmem>>
      %dma_start3A_621 = tpu.memref_squeeze %dma_start3A_620 : memref<1x16xf32, #tpu.memory_space<vmem>> -> memref<16xf32, #tpu.memory_space<vmem>>
      %dma_start3A_622 = arith.constant 0 : i32
      %dma_start3A_623 = tpu.memref_slice %arg13[%run_scoped3A_3, %dma_start3A_622] : memref<4x16xf32, #tpu.memory_space<vmem>> -> memref<1x16xf32, #tpu.memory_space<vmem>>
      %dma_start3A_624 = tpu.memref_squeeze %dma_start3A_623 : memref<1x16xf32, #tpu.memory_space<vmem>> -> memref<16xf32, #tpu.memory_space<vmem>>
      tpu.enqueue_dma source(%arg9 : memref<16xf32, #tpu.memory_space<hbm>>) target(%dma_start3A_624 : memref<16xf32, #tpu.memory_space<vmem>>) target_semaphore(%run_scoped3A_618 : memref<!tpu.dma_semaphore, #tpu.memory_space<semaphore_mem>>)
      %dma_wait3A_625 = arith.constant 0 : i32
      %dma_wait3A_626 = tpu.memref_slice %arg13[%run_scoped3A_3, %dma_wait3A_625] : memref<4x16xf32, #tpu.memory_space<vmem>> -> memref<1x16xf32, #tpu.memory_space<vmem>>
      %dma_wait3A_627 = tpu.memref_squeeze %dma_wait3A_626 : memref<1x16xf32, #tpu.memory_space<vmem>> -> memref<16xf32, #tpu.memory_space<vmem>>
      %dma_wait3A_628 = arith.constant 0 : i32
      %dma_wait3A_629 = tpu.memref_slice %arg13[%run_scoped3A_3, %dma_wait3A_628] : memref<4x16xf32, #tpu.memory_space<vmem>> -> memref<1x16xf32, #tpu.memory_space<vmem>>
      %dma_wait3A_630 = tpu.memref_squeeze %dma_wait3A_629 : memref<1x16xf32, #tpu.memory_space<vmem>> -> memref<16xf32, #tpu.memory_space<vmem>>
      tpu.wait_dma2 semaphore(%run_scoped3A_618 : memref<!tpu.dma_semaphore, #tpu.memory_space<semaphore_mem>>) src(%arg9 : memref<16xf32, #tpu.memory_space<hbm>>) dst(%dma_wait3A_630 : memref<16xf32, #tpu.memory_space<vmem>>)
      tpu.yield
    }) : () -> ()
    %run_scoped3A_4 = arith.constant 2 : i32
    "tpu.region"() ({
      %run_scoped3A_618 = tpu.sem_alloc : memref<!tpu.dma_semaphore, #tpu.memory_space<semaphore_mem>>
      %dma_start3A_619 = arith.constant 0 : i32
      %dma_start3A_620 = tpu.memref_slice %arg13[%run_scoped3A_4, %dma_start3A_619] : memref<4x16xf32, #tpu.memory_space<vmem>> -> memref<1x16xf32, #tpu.memory_space<vmem>>
      %dma_start3A_621 = tpu.memref_squeeze %dma_start3A_620 : memref<1x16xf32, #tpu.memory_space<vmem>> -> memref<16xf32, #tpu.memory_space<vmem>>
      %dma_start3A_622 = arith.constant 0 : i32
      %dma_start3A_623 = tpu.memref_slice %arg13[%run_scoped3A_4, %dma_start3A_622] : memref<4x16xf32, #tpu.memory_space<vmem>> -> memref<1x16xf32, #tpu.memory_space<vmem>>
      %dma_start3A_624 = tpu.memref_squeeze %dma_start3A_623 : memref<1x16xf32, #tpu.memory_space<vmem>> -> memref<16xf32, #tpu.memory_space<vmem>>
      tpu.enqueue_dma source(%arg10 : memref<16xf32, #tpu.memory_space<hbm>>) target(%dma_start3A_624 : memref<16xf32, #tpu.memory_space<vmem>>) target_semaphore(%run_scoped3A_618 : memref<!tpu.dma_semaphore, #tpu.memory_space<semaphore_mem>>)
      %dma_wait3A_625 = arith.constant 0 : i32
      %dma_wait3A_626 = tpu.memref_slice %arg13[%run_scoped3A_4, %dma_wait3A_625] : memref<4x16xf32, #tpu.memory_space<vmem>> -> memref<1x16xf32, #tpu.memory_space<vmem>>
      %dma_wait3A_627 = tpu.memref_squeeze %dma_wait3A_626 : memref<1x16xf32, #tpu.memory_space<vmem>> -> memref<16xf32, #tpu.memory_space<vmem>>
      %dma_wait3A_628 = arith.constant 0 : i32
      %dma_wait3A_629 = tpu.memref_slice %arg13[%run_scoped3A_4, %dma_wait3A_628] : memref<4x16xf32, #tpu.memory_space<vmem>> -> memref<1x16xf32, #tpu.memory_space<vmem>>
      %dma_wait3A_630 = tpu.memref_squeeze %dma_wait3A_629 : memref<1x16xf32, #tpu.memory_space<vmem>> -> memref<16xf32, #tpu.memory_space<vmem>>
      tpu.wait_dma2 semaphore(%run_scoped3A_618 : memref<!tpu.dma_semaphore, #tpu.memory_space<semaphore_mem>>) src(%arg10 : memref<16xf32, #tpu.memory_space<hbm>>) dst(%dma_wait3A_630 : memref<16xf32, #tpu.memory_space<vmem>>)
      tpu.yield
    }) : () -> ()
    %run_scoped3A_5 = arith.constant 3 : i32
    "tpu.region"() ({
      %run_scoped3A_618 = tpu.sem_alloc : memref<!tpu.dma_semaphore, #tpu.memory_space<semaphore_mem>>
      %dma_start3A_619 = arith.constant 0 : i32
      %dma_start3A_620 = tpu.memref_slice %arg13[%run_scoped3A_5, %dma_start3A_619] : memref<4x16xf32, #tpu.memory_space<vmem>> -> memref<1x16xf32, #tpu.memory_space<vmem>>
      %dma_start3A_621 = tpu.memref_squeeze %dma_start3A_620 : memref<1x16xf32, #tpu.memory_space<vmem>> -> memref<16xf32, #tpu.memory_space<vmem>>
      %dma_start3A_622 = arith.constant 0 : i32
      %dma_start3A_623 = tpu.memref_slice %arg13[%run_scoped3A_5, %dma_start3A_622] : memref<4x16xf32, #tpu.memory_space<vmem>> -> memref<1x16xf32, #tpu.memory_space<vmem>>
      %dma_start3A_624 = tpu.memref_squeeze %dma_start3A_623 : memref<1x16xf32, #tpu.memory_space<vmem>> -> memref<16xf32, #tpu.memory_space<vmem>>
      tpu.enqueue_dma source(%arg11 : memref<16xf32, #tpu.memory_space<hbm>>) target(%dma_start3A_624 : memref<16xf32, #tpu.memory_space<vmem>>) target_semaphore(%run_scoped3A_618 : memref<!tpu.dma_semaphore, #tpu.memory_space<semaphore_mem>>)
      %dma_wait3A_625 = arith.constant 0 : i32
      %dma_wait3A_626 = tpu.memref_slice %arg13[%run_scoped3A_5, %dma_wait3A_625] : memref<4x16xf32, #tpu.memory_space<vmem>> -> memref<1x16xf32, #tpu.memory_space<vmem>>
      %dma_wait3A_627 = tpu.memref_squeeze %dma_wait3A_626 : memref<1x16xf32, #tpu.memory_space<vmem>> -> memref<16xf32, #tpu.memory_space<vmem>>
      %dma_wait3A_628 = arith.constant 0 : i32
      %dma_wait3A_629 = tpu.memref_slice %arg13[%run_scoped3A_5, %dma_wait3A_628] : memref<4x16xf32, #tpu.memory_space<vmem>> -> memref<1x16xf32, #tpu.memory_space<vmem>>
      %dma_wait3A_630 = tpu.memref_squeeze %dma_wait3A_629 : memref<1x16xf32, #tpu.memory_space<vmem>> -> memref<16xf32, #tpu.memory_space<vmem>>
      tpu.wait_dma2 semaphore(%run_scoped3A_618 : memref<!tpu.dma_semaphore, #tpu.memory_space<semaphore_mem>>) src(%arg11 : memref<16xf32, #tpu.memory_space<hbm>>) dst(%dma_wait3A_630 : memref<16xf32, #tpu.memory_space<vmem>>)
      tpu.yield
    }) : () -> ()
    %iota3A = tpu.iota {dimensions = array<i32: 0>} : vector<16xi32>
    %shift_right_logical3A = arith.constant 2 : i32
    %shift_right_logical3A_6 = vector.broadcast %shift_right_logical3A : i32 to vector<16xi32>
    %shift_right_logical3A_7 = arith.shrui %iota3A, %shift_right_logical3A_6 : vector<16xi32>
    %convert_element_type3A = arith.sitofp %shift_right_logical3A_7 : vector<16xi32> to vector<16xf32>
    %get3A = arith.constant 0 : i32
    %get3A_8 = arith.index_cast %get3A : i32 to index
    %get3A_9 = arith.constant 0 : index
    %get3A_10 = tpu.vector_load %arg13[%get3A_8, %get3A_9] {strides = array<i32>} : memref<4x16xf32, #tpu.memory_space<vmem>>, vector<1x16xf32>,
    %get3A_11 = vector.shape_cast %get3A_10 : vector<1x16xf32> to vector<16xf32>
    %mul3A_12 = arith.mulf %get3A_11, %convert_element_type3A : vector<16xf32>
    %xor3A = arith.constant 8 : i32
    %xor3A_13 = vector.broadcast %xor3A : i32 to vector<16xi32>
    %xor3A_14 = arith.xori %iota3A, %xor3A_13 : vector<16xi32>
    %broadcast_in_dim3A = vector.shape_cast %xor3A_14 : vector<16xi32> to vector<16x1xi32>
    %gather3A = vector.shape_cast %broadcast_in_dim3A : vector<16x1xi32> to vector<16xi32>
    %gather3A_15 = tpu.dynamic_gather %mul3A_12[%gather3A] in [0] : vector<16xf32>, vector<16xi32> -> vector<16xf32>
    %add3A_16 = arith.addf %mul3A_12, %gather3A_15 : vector<16xf32>
    %xor3A_17 = arith.constant 4 : i32
    %xor3A_18 = vector.broadcast %xor3A_17 : i32 to vector<16xi32>
    %xor3A_19 = arith.xori %iota3A, %xor3A_18 : vector<16xi32>
    %broadcast_in_dim3A_20 = vector.shape_cast %xor3A_19 : vector<16xi32> to vector<16x1xi32>
    %gather3A_21 = vector.shape_cast %broadcast_in_dim3A_20 : vector<16x1xi32> to vector<16xi32>
    %gather3A_22 = tpu.dynamic_gather %add3A_16[%gather3A_21] in [0] : vector<16xf32>, vector<16xi32> -> vector<16xf32>
    %add3A_23 = arith.addf %add3A_16, %gather3A_22 : vector<16xf32>
    %get3A_24 = arith.constant 1 : i32
    %get3A_25 = arith.index_cast %get3A_24 : i32 to index
    %get3A_26 = arith.constant 0 : index
    %get3A_27 = tpu.vector_load %arg13[%get3A_25, %get3A_26] {strides = array<i32>} : memref<4x16xf32, #tpu.memory_space<vmem>>, vector<1x16xf32>,
    %get3A_28 = vector.shape_cast %get3A_27 : vector<1x16xf32> to vector<16xf32>
    %add3A_29 = arith.addf %add3A_23, %get3A_28 : vector<16xf32>
    %max3A = arith.constant 0.000000e+00 : f32
    %max3A_30 = vector.broadcast %max3A : f32 to vector<16xf32>
    %max3A_31 = arith.maximumf %add3A_29, %max3A_30 : vector<16xf32>
    %lt3A = arith.constant 4 : i32
    %lt3A_32 = vector.broadcast %lt3A : i32 to vector<16xi32>
    %lt3A_33 = arith.cmpi slt, %iota3A, %lt3A_32 : vector<16xi32>
    %jit3A = arith.constant 0.000000e+00 : f32
    %broadcast_in_dim3A_34 = vector.broadcast %jit3A : f32 to vector<16xf32>
    %select_n3A = arith.select %lt3A_33, %max3A_31, %broadcast_in_dim3A_34 : vector<16xi1>, vector<16xf32>
    %shift_right_logical3A_35 = arith.constant 2 : i32
    %shift_right_logical3A_36 = vector.broadcast %shift_right_logical3A_35 : i32 to vector<16xi32>
    %shift_right_logical3A_37 = arith.shrui %iota3A, %shift_right_logical3A_36 : vector<16xi32>
    %broadcast_in_dim3A_38 = vector.shape_cast %shift_right_logical3A_37 : vector<16xi32> to vector<16x1xi32>
    %gather3A_39 = vector.shape_cast %broadcast_in_dim3A_38 : vector<16x1xi32> to vector<16xi32>
    %gather3A_40 = tpu.dynamic_gather %select_n3A[%gather3A_39] in [0] : vector<16xf32>, vector<16xi32> -> vector<16xf32>
    %get3A_41 = arith.constant 2 : i32
    %get3A_42 = arith.index_cast %get3A_41 : i32 to index
    %get3A_43 = arith.constant 0 : index
    %get3A_44 = tpu.vector_load %arg13[%get3A_42, %get3A_43] {strides = array<i32>} : memref<4x16xf32, #tpu.memory_space<vmem>>, vector<1x16xf32>,
    %get3A_45 = vector.shape_cast %get3A_44 : vector<1x16xf32> to vector<16xf32>
    %mul3A_46 = arith.mulf %gather3A_40, %get3A_45 : vector<16xf32>
    %xor3A_47 = arith.constant 8 : i32
    %xor3A_48 = vector.broadcast %xor3A_47 : i32 to vector<16xi32>
    %xor3A_49 = arith.xori %iota3A, %xor3A_48 : vector<16xi32>
    %broadcast_in_dim3A_50 = vector.shape_cast %xor3A_49 : vector<16xi32> to vector<16x1xi32>
    %gather3A_51 = vector.shape_cast %broadcast_in_dim3A_50 : vector<16x1xi32> to vector<16xi32>
    %gather3A_52 = tpu.dynamic_gather %mul3A_46[%gather3A_51] in [0] : vector<16xf32>, vector<16xi32> -> vector<16xf32>
    %add3A_53 = arith.addf %mul3A_46, %gather3A_52 : vector<16xf32>
    %xor3A_54 = arith.constant 4 : i32
    %xor3A_55 = vector.broadcast %xor3A_54 : i32 to vector<16xi32>
    %xor3A_56 = arith.xori %iota3A, %xor3A_55 : vector<16xi32>
    %broadcast_in_dim3A_57 = vector.shape_cast %xor3A_56 : vector<16xi32> to vector<16x1xi32>
    %gather3A_58 = vector.shape_cast %broadcast_in_dim3A_57 : vector<16x1xi32> to vector<16xi32>
    %gather3A_59 = tpu.dynamic_gather %add3A_53[%gather3A_58] in [0] : vector<16xf32>, vector<16xi32> -> vector<16xf32>
    %add3A_60 = arith.addf %add3A_53, %gather3A_59 : vector<16xf32>
    %lt3A_61 = arith.constant 4 : i32
    %lt3A_62 = vector.broadcast %lt3A_61 : i32 to vector<16xi32>
    %lt3A_63 = arith.cmpi slt, %iota3A, %lt3A_62 : vector<16xi32>
    %get3A_64 = arith.constant 3 : i32
    %get3A_65 = arith.index_cast %get3A_64 : i32 to index
    %get3A_66 = arith.constant 0 : index
    %get3A_67 = tpu.vector_load %arg13[%get3A_65, %get3A_66] {strides = array<i32>} : memref<4x16xf32, #tpu.memory_space<vmem>>, vector<1x16xf32>,
    %get3A_68 = vector.shape_cast %get3A_67 : vector<1x16xf32> to vector<16xf32>
    %add3A_69 = arith.addf %add3A_60, %get3A_68 : vector<16xf32>
    %jit3A_70 = arith.constant -1.000000e+30 : f32
    %broadcast_in_dim3A_71 = vector.broadcast %jit3A_70 : f32 to vector<16xf32>
    %select_n3A_72 = arith.select %lt3A_63, %add3A_69, %broadcast_in_dim3A_71 : vector<16xi1>, vector<16xf32>
    %xor3A_73 = arith.constant 8 : i32
    %xor3A_74 = vector.broadcast %xor3A_73 : i32 to vector<16xi32>
    %xor3A_75 = arith.xori %iota3A, %xor3A_74 : vector<16xi32>
    %broadcast_in_dim3A_76 = vector.shape_cast %xor3A_75 : vector<16xi32> to vector<16x1xi32>
    %gather3A_77 = vector.shape_cast %broadcast_in_dim3A_76 : vector<16x1xi32> to vector<16xi32>
    %gather3A_78 = tpu.dynamic_gather %select_n3A_72[%gather3A_77] in [0] : vector<16xf32>, vector<16xi32> -> vector<16xf32>
    %max3A_79 = arith.maximumf %select_n3A_72, %gather3A_78 : vector<16xf32>
    %xor3A_80 = arith.constant 4 : i32
    %xor3A_81 = vector.broadcast %xor3A_80 : i32 to vector<16xi32>
    %xor3A_82 = arith.xori %iota3A, %xor3A_81 : vector<16xi32>
    %broadcast_in_dim3A_83 = vector.shape_cast %xor3A_82 : vector<16xi32> to vector<16x1xi32>
    %gather3A_84 = vector.shape_cast %broadcast_in_dim3A_83 : vector<16x1xi32> to vector<16xi32>
    %gather3A_85 = tpu.dynamic_gather %max3A_79[%gather3A_84] in [0] : vector<16xf32>, vector<16xi32> -> vector<16xf32>
    %max3A_86 = arith.maximumf %max3A_79, %gather3A_85 : vector<16xf32>
    %xor3A_87 = arith.constant 2 : i32
    %xor3A_88 = vector.broadcast %xor3A_87 : i32 to vector<16xi32>
    %xor3A_89 = arith.xori %iota3A, %xor3A_88 : vector<16xi32>
    %broadcast_in_dim3A_90 = vector.shape_cast %xor3A_89 : vector<16xi32> to vector<16x1xi32>
    %gather3A_91 = vector.shape_cast %broadcast_in_dim3A_90 : vector<16x1xi32> to vector<16xi32>
    %gather3A_92 = tpu.dynamic_gather %max3A_86[%gather3A_91] in [0] : vector<16xf32>, vector<16xi32> -> vector<16xf32>
    %max3A_93 = arith.maximumf %max3A_86, %gather3A_92 : vector<16xf32>
    %xor3A_94 = arith.constant 1 : i32
    %xor3A_95 = vector.broadcast %xor3A_94 : i32 to vector<16xi32>
    %xor3A_96 = arith.xori %iota3A, %xor3A_95 : vector<16xi32>
    %broadcast_in_dim3A_97 = vector.shape_cast %xor3A_96 : vector<16xi32> to vector<16x1xi32>
    %gather3A_98 = vector.shape_cast %broadcast_in_dim3A_97 : vector<16x1xi32> to vector<16xi32>
    %gather3A_99 = tpu.dynamic_gather %max3A_93[%gather3A_98] in [0] : vector<16xf32>, vector<16xi32> -> vector<16xf32>
    %max3A_100 = arith.maximumf %max3A_93, %gather3A_99 : vector<16xf32>
    %sub3A = arith.subf %select_n3A_72, %max3A_100 : vector<16xf32>
    %exp3A = math.exp %sub3A : vector<16xf32>
    %xor3A_101 = arith.constant 8 : i32
    %xor3A_102 = vector.broadcast %xor3A_101 : i32 to vector<16xi32>
    %xor3A_103 = arith.xori %iota3A, %xor3A_102 : vector<16xi32>
    %broadcast_in_dim3A_104 = vector.shape_cast %xor3A_103 : vector<16xi32> to vector<16x1xi32>
    %gather3A_105 = vector.shape_cast %broadcast_in_dim3A_104 : vector<16x1xi32> to vector<16xi32>
    %gather3A_106 = tpu.dynamic_gather %exp3A[%gather3A_105] in [0] : vector<16xf32>, vector<16xi32> -> vector<16xf32>
    %add3A_107 = arith.addf %exp3A, %gather3A_106 : vector<16xf32>
    %xor3A_108 = arith.constant 4 : i32
    %xor3A_109 = vector.broadcast %xor3A_108 : i32 to vector<16xi32>
    %xor3A_110 = arith.xori %iota3A, %xor3A_109 : vector<16xi32>
    %broadcast_in_dim3A_111 = vector.shape_cast %xor3A_110 : vector<16xi32> to vector<16x1xi32>
    %gather3A_112 = vector.shape_cast %broadcast_in_dim3A_111 : vector<16x1xi32> to vector<16xi32>
    %gather3A_113 = tpu.dynamic_gather %add3A_107[%gather3A_112] in [0] : vector<16xf32>, vector<16xi32> -> vector<16xf32>
    %add3A_114 = arith.addf %add3A_107, %gather3A_113 : vector<16xf32>
    %xor3A_115 = arith.constant 2 : i32
    %xor3A_116 = vector.broadcast %xor3A_115 : i32 to vector<16xi32>
    %xor3A_117 = arith.xori %iota3A, %xor3A_116 : vector<16xi32>
    %broadcast_in_dim3A_118 = vector.shape_cast %xor3A_117 : vector<16xi32> to vector<16x1xi32>
    %gather3A_119 = vector.shape_cast %broadcast_in_dim3A_118 : vector<16x1xi32> to vector<16xi32>
    %gather3A_120 = tpu.dynamic_gather %add3A_114[%gather3A_119] in [0] : vector<16xf32>, vector<16xi32> -> vector<16xf32>
    %add3A_121 = arith.addf %add3A_114, %gather3A_120 : vector<16xf32>
    %xor3A_122 = arith.constant 1 : i32
    %xor3A_123 = vector.broadcast %xor3A_122 : i32 to vector<16xi32>
    %xor3A_124 = arith.xori %iota3A, %xor3A_123 : vector<16xi32>
    %broadcast_in_dim3A_125 = vector.shape_cast %xor3A_124 : vector<16xi32> to vector<16x1xi32>
    %gather3A_126 = vector.shape_cast %broadcast_in_dim3A_125 : vector<16x1xi32> to vector<16xi32>
    %gather3A_127 = tpu.dynamic_gather %add3A_121[%gather3A_126] in [0] : vector<16xf32>, vector<16xi32> -> vector<16xf32>
    %add3A_128 = arith.addf %add3A_121, %gather3A_127 : vector<16xf32>
    %div3A = arith.divf %exp3A, %add3A_128 : vector<16xf32>
    %broadcast_in_dim3A_129 = arith.constant 0 : i32
    %broadcast_in_dim3A_130 = vector.broadcast %broadcast_in_dim3A_129 : i32 to vector<16xi32>
    %broadcast_in_dim3A_131 = vector.shape_cast %broadcast_in_dim3A_130 : vector<16xi32> to vector<16x1xi32>
    %gather3A_132 = vector.shape_cast %broadcast_in_dim3A_131 : vector<16x1xi32> to vector<16xi32>
    %gather3A_133 = tpu.dynamic_gather %div3A[%gather3A_132] in [0] : vector<16xf32>, vector<16xi32> -> vector<16xf32>
    %broadcast_in_dim3A_134 = arith.constant 1 : i32
    %broadcast_in_dim3A_135 = vector.broadcast %broadcast_in_dim3A_134 : i32 to vector<16xi32>
    %broadcast_in_dim3A_136 = vector.shape_cast %broadcast_in_dim3A_135 : vector<16xi32> to vector<16x1xi32>
    %gather3A_137 = vector.shape_cast %broadcast_in_dim3A_136 : vector<16x1xi32> to vector<16xi32>
    %gather3A_138 = tpu.dynamic_gather %div3A[%gather3A_137] in [0] : vector<16xf32>, vector<16xi32> -> vector<16xf32>
    %broadcast_in_dim3A_139 = arith.constant 2 : i32
    %broadcast_in_dim3A_140 = vector.broadcast %broadcast_in_dim3A_139 : i32 to vector<16xi32>
    %broadcast_in_dim3A_141 = vector.shape_cast %broadcast_in_dim3A_140 : vector<16xi32> to vector<16x1xi32>
    %gather3A_142 = vector.shape_cast %broadcast_in_dim3A_141 : vector<16x1xi32> to vector<16xi32>
    %gather3A_143 = tpu.dynamic_gather %div3A[%gather3A_142] in [0] : vector<16xf32>, vector<16xi32> -> vector<16xf32>
    %broadcast_in_dim3A_144 = arith.constant 3 : i32
    %broadcast_in_dim3A_145 = vector.broadcast %broadcast_in_dim3A_144 : i32 to vector<16xi32>
    %broadcast_in_dim3A_146 = vector.shape_cast %broadcast_in_dim3A_145 : vector<16xi32> to vector<16x1xi32>
    %gather3A_147 = vector.shape_cast %broadcast_in_dim3A_146 : vector<16x1xi32> to vector<16xi32>
    %gather3A_148 = tpu.dynamic_gather %div3A[%gather3A_147] in [0] : vector<16xf32>, vector<16xi32> -> vector<16xf32>
    %add3A_149 = arith.constant 0 : i32
    %add3A_150 = arith.addi %mul3A_2, %add3A_149 : i32
    %dma_start3A = arith.constant 0 : i32
    %dma_start3A_151 = arith.constant 0 : i32
    %dma_start3A_152 = tpu.memref_slice %arg14[%dma_start3A, %dma_start3A_151] : memref<4x128xi32, #tpu.memory_space<vmem>> -> memref<1x128xi32, #tpu.memory_space<vmem>>
    %dma_start3A_153 = tpu.memref_squeeze %dma_start3A_152 : memref<1x128xi32, #tpu.memory_space<vmem>> -> memref<128xi32, #tpu.memory_space<vmem>>
    %dma_start3A_154 = tpu.memref_slice %arg2[%add3A_150] : memref<16384xi32, #tpu.memory_space<hbm>> -> memref<128xi32, #tpu.memory_space<hbm>>
    %dma_start3A_155 = arith.constant 0 : i32
    %dma_start3A_156 = tpu.memref_slice %arg14[%dma_start3A, %dma_start3A_155] : memref<4x128xi32, #tpu.memory_space<vmem>> -> memref<1x128xi32, #tpu.memory_space<vmem>>
    %dma_start3A_157 = tpu.memref_squeeze %dma_start3A_156 : memref<1x128xi32, #tpu.memory_space<vmem>> -> memref<128xi32, #tpu.memory_space<vmem>>
    %dma_start3A_158 = tpu.memref_slice %arg2[%add3A_150] : memref<16384xi32, #tpu.memory_space<hbm>> -> memref<128xi32, #tpu.memory_space<hbm>>
    tpu.enqueue_dma source(%dma_start3A_158 : memref<128xi32, #tpu.memory_space<hbm>>) target(%dma_start3A_157 : memref<128xi32, #tpu.memory_space<vmem>>) target_semaphore(%arg23 : memref<!tpu.dma_semaphore, #tpu.memory_space<semaphore_mem>>)
    %add3A_159 = arith.constant 128 : i32
    %add3A_160 = arith.addi %mul3A_2, %add3A_159 : i32
    %dma_start3A_161 = arith.constant 1 : i32
    %dma_start3A_162 = arith.constant 0 : i32
    %dma_start3A_163 = tpu.memref_slice %arg14[%dma_start3A_161, %dma_start3A_162] : memref<4x128xi32, #tpu.memory_space<vmem>> -> memref<1x128xi32, #tpu.memory_space<vmem>>
    %dma_start3A_164 = tpu.memref_squeeze %dma_start3A_163 : memref<1x128xi32, #tpu.memory_space<vmem>> -> memref<128xi32, #tpu.memory_space<vmem>>
    %dma_start3A_165 = tpu.memref_slice %arg2[%add3A_160] : memref<16384xi32, #tpu.memory_space<hbm>> -> memref<128xi32, #tpu.memory_space<hbm>>
    %dma_start3A_166 = arith.constant 0 : i32
    %dma_start3A_167 = tpu.memref_slice %arg14[%dma_start3A_161, %dma_start3A_166] : memref<4x128xi32, #tpu.memory_space<vmem>> -> memref<1x128xi32, #tpu.memory_space<vmem>>
    %dma_start3A_168 = tpu.memref_squeeze %dma_start3A_167 : memref<1x128xi32, #tpu.memory_space<vmem>> -> memref<128xi32, #tpu.memory_space<vmem>>
    %dma_start3A_169 = tpu.memref_slice %arg2[%add3A_160] : memref<16384xi32, #tpu.memory_space<hbm>> -> memref<128xi32, #tpu.memory_space<hbm>>
    tpu.enqueue_dma source(%dma_start3A_169 : memref<128xi32, #tpu.memory_space<hbm>>) target(%dma_start3A_168 : memref<128xi32, #tpu.memory_space<vmem>>) target_semaphore(%arg23 : memref<!tpu.dma_semaphore, #tpu.memory_space<semaphore_mem>>)
    %add3A_170 = arith.constant 256 : i32
    %add3A_171 = arith.addi %mul3A_2, %add3A_170 : i32
    %dma_start3A_172 = arith.constant 2 : i32
    %dma_start3A_173 = arith.constant 0 : i32
    %dma_start3A_174 = tpu.memref_slice %arg14[%dma_start3A_172, %dma_start3A_173] : memref<4x128xi32, #tpu.memory_space<vmem>> -> memref<1x128xi32, #tpu.memory_space<vmem>>
    %dma_start3A_175 = tpu.memref_squeeze %dma_start3A_174 : memref<1x128xi32, #tpu.memory_space<vmem>> -> memref<128xi32, #tpu.memory_space<vmem>>
    %dma_start3A_176 = tpu.memref_slice %arg2[%add3A_171] : memref<16384xi32, #tpu.memory_space<hbm>> -> memref<128xi32, #tpu.memory_space<hbm>>
    %dma_start3A_177 = arith.constant 0 : i32
    %dma_start3A_178 = tpu.memref_slice %arg14[%dma_start3A_172, %dma_start3A_177] : memref<4x128xi32, #tpu.memory_space<vmem>> -> memref<1x128xi32, #tpu.memory_space<vmem>>
    %dma_start3A_179 = tpu.memref_squeeze %dma_start3A_178 : memref<1x128xi32, #tpu.memory_space<vmem>> -> memref<128xi32, #tpu.memory_space<vmem>>
    %dma_start3A_180 = tpu.memref_slice %arg2[%add3A_171] : memref<16384xi32, #tpu.memory_space<hbm>> -> memref<128xi32, #tpu.memory_space<hbm>>
    tpu.enqueue_dma source(%dma_start3A_180 : memref<128xi32, #tpu.memory_space<hbm>>) target(%dma_start3A_179 : memref<128xi32, #tpu.memory_space<vmem>>) target_semaphore(%arg23 : memref<!tpu.dma_semaphore, #tpu.memory_space<semaphore_mem>>)
    %add3A_181 = arith.constant 384 : i32
    %add3A_182 = arith.addi %mul3A_2, %add3A_181 : i32
    %dma_start3A_183 = arith.constant 3 : i32
    %dma_start3A_184 = arith.constant 0 : i32
    %dma_start3A_185 = tpu.memref_slice %arg14[%dma_start3A_183, %dma_start3A_184] : memref<4x128xi32, #tpu.memory_space<vmem>> -> memref<1x128xi32, #tpu.memory_space<vmem>>
    %dma_start3A_186 = tpu.memref_squeeze %dma_start3A_185 : memref<1x128xi32, #tpu.memory_space<vmem>> -> memref<128xi32, #tpu.memory_space<vmem>>
    %dma_start3A_187 = tpu.memref_slice %arg2[%add3A_182] : memref<16384xi32, #tpu.memory_space<hbm>> -> memref<128xi32, #tpu.memory_space<hbm>>
    %dma_start3A_188 = arith.constant 0 : i32
    %dma_start3A_189 = tpu.memref_slice %arg14[%dma_start3A_183, %dma_start3A_188] : memref<4x128xi32, #tpu.memory_space<vmem>> -> memref<1x128xi32, #tpu.memory_space<vmem>>
    %dma_start3A_190 = tpu.memref_squeeze %dma_start3A_189 : memref<1x128xi32, #tpu.memory_space<vmem>> -> memref<128xi32, #tpu.memory_space<vmem>>
    %dma_start3A_191 = tpu.memref_slice %arg2[%add3A_182] : memref<16384xi32, #tpu.memory_space<hbm>> -> memref<128xi32, #tpu.memory_space<hbm>>
    tpu.enqueue_dma source(%dma_start3A_191 : memref<128xi32, #tpu.memory_space<hbm>>) target(%dma_start3A_190 : memref<128xi32, #tpu.memory_space<vmem>>) target_semaphore(%arg23 : memref<!tpu.dma_semaphore, #tpu.memory_space<semaphore_mem>>)
    %add3A_192 = arith.constant 0 : i32
    %add3A_193 = arith.addi %mul3A_2, %add3A_192 : i32
    %dma_start3A_194 = arith.constant 0 : i32
    %dma_start3A_195 = arith.constant 0 : i32
    %dma_start3A_196 = tpu.memref_slice %arg15[%dma_start3A_194, %dma_start3A_195] : memref<4x128xi32, #tpu.memory_space<vmem>> -> memref<1x128xi32, #tpu.memory_space<vmem>>
    %dma_start3A_197 = tpu.memref_squeeze %dma_start3A_196 : memref<1x128xi32, #tpu.memory_space<vmem>> -> memref<128xi32, #tpu.memory_space<vmem>>
    %dma_start3A_198 = tpu.memref_slice %arg3[%add3A_193] : memref<16384xi32, #tpu.memory_space<hbm>> -> memref<128xi32, #tpu.memory_space<hbm>>
    %dma_start3A_199 = arith.constant 0 : i32
    %dma_start3A_200 = tpu.memref_slice %arg15[%dma_start3A_194, %dma_start3A_199] : memref<4x128xi32, #tpu.memory_space<vmem>> -> memref<1x128xi32, #tpu.memory_space<vmem>>
    %dma_start3A_201 = tpu.memref_squeeze %dma_start3A_200 : memref<1x128xi32, #tpu.memory_space<vmem>> -> memref<128xi32, #tpu.memory_space<vmem>>
    %dma_start3A_202 = tpu.memref_slice %arg3[%add3A_193] : memref<16384xi32, #tpu.memory_space<hbm>> -> memref<128xi32, #tpu.memory_space<hbm>>
    tpu.enqueue_dma source(%dma_start3A_202 : memref<128xi32, #tpu.memory_space<hbm>>) target(%dma_start3A_201 : memref<128xi32, #tpu.memory_space<vmem>>) target_semaphore(%arg23 : memref<!tpu.dma_semaphore, #tpu.memory_space<semaphore_mem>>)
    %add3A_203 = arith.constant 128 : i32
    %add3A_204 = arith.addi %mul3A_2, %add3A_203 : i32
    %dma_start3A_205 = arith.constant 1 : i32
    %dma_start3A_206 = arith.constant 0 : i32
    %dma_start3A_207 = tpu.memref_slice %arg15[%dma_start3A_205, %dma_start3A_206] : memref<4x128xi32, #tpu.memory_space<vmem>> -> memref<1x128xi32, #tpu.memory_space<vmem>>
    %dma_start3A_208 = tpu.memref_squeeze %dma_start3A_207 : memref<1x128xi32, #tpu.memory_space<vmem>> -> memref<128xi32, #tpu.memory_space<vmem>>
    %dma_start3A_209 = tpu.memref_slice %arg3[%add3A_204] : memref<16384xi32, #tpu.memory_space<hbm>> -> memref<128xi32, #tpu.memory_space<hbm>>
    %dma_start3A_210 = arith.constant 0 : i32
    %dma_start3A_211 = tpu.memref_slice %arg15[%dma_start3A_205, %dma_start3A_210] : memref<4x128xi32, #tpu.memory_space<vmem>> -> memref<1x128xi32, #tpu.memory_space<vmem>>
    %dma_start3A_212 = tpu.memref_squeeze %dma_start3A_211 : memref<1x128xi32, #tpu.memory_space<vmem>> -> memref<128xi32, #tpu.memory_space<vmem>>
    %dma_start3A_213 = tpu.memref_slice %arg3[%add3A_204] : memref<16384xi32, #tpu.memory_space<hbm>> -> memref<128xi32, #tpu.memory_space<hbm>>
    tpu.enqueue_dma source(%dma_start3A_213 : memref<128xi32, #tpu.memory_space<hbm>>) target(%dma_start3A_212 : memref<128xi32, #tpu.memory_space<vmem>>) target_semaphore(%arg23 : memref<!tpu.dma_semaphore, #tpu.memory_space<semaphore_mem>>)
    %add3A_214 = arith.constant 256 : i32
    %add3A_215 = arith.addi %mul3A_2, %add3A_214 : i32
    %dma_start3A_216 = arith.constant 2 : i32
    %dma_start3A_217 = arith.constant 0 : i32
    %dma_start3A_218 = tpu.memref_slice %arg15[%dma_start3A_216, %dma_start3A_217] : memref<4x128xi32, #tpu.memory_space<vmem>> -> memref<1x128xi32, #tpu.memory_space<vmem>>
    %dma_start3A_219 = tpu.memref_squeeze %dma_start3A_218 : memref<1x128xi32, #tpu.memory_space<vmem>> -> memref<128xi32, #tpu.memory_space<vmem>>
    %dma_start3A_220 = tpu.memref_slice %arg3[%add3A_215] : memref<16384xi32, #tpu.memory_space<hbm>> -> memref<128xi32, #tpu.memory_space<hbm>>
    %dma_start3A_221 = arith.constant 0 : i32
    %dma_start3A_222 = tpu.memref_slice %arg15[%dma_start3A_216, %dma_start3A_221] : memref<4x128xi32, #tpu.memory_space<vmem>> -> memref<1x128xi32, #tpu.memory_space<vmem>>
    %dma_start3A_223 = tpu.memref_squeeze %dma_start3A_222 : memref<1x128xi32, #tpu.memory_space<vmem>> -> memref<128xi32, #tpu.memory_space<vmem>>
    %dma_start3A_224 = tpu.memref_slice %arg3[%add3A_215] : memref<16384xi32, #tpu.memory_space<hbm>> -> memref<128xi32, #tpu.memory_space<hbm>>
    tpu.enqueue_dma source(%dma_start3A_224 : memref<128xi32, #tpu.memory_space<hbm>>) target(%dma_start3A_223 : memref<128xi32, #tpu.memory_space<vmem>>) target_semaphore(%arg23 : memref<!tpu.dma_semaphore, #tpu.memory_space<semaphore_mem>>)
    %add3A_225 = arith.constant 384 : i32
    %add3A_226 = arith.addi %mul3A_2, %add3A_225 : i32
    %dma_start3A_227 = arith.constant 3 : i32
    %dma_start3A_228 = arith.constant 0 : i32
    %dma_start3A_229 = tpu.memref_slice %arg15[%dma_start3A_227, %dma_start3A_228] : memref<4x128xi32, #tpu.memory_space<vmem>> -> memref<1x128xi32, #tpu.memory_space<vmem>>
    %dma_start3A_230 = tpu.memref_squeeze %dma_start3A_229 : memref<1x128xi32, #tpu.memory_space<vmem>> -> memref<128xi32, #tpu.memory_space<vmem>>
    %dma_start3A_231 = tpu.memref_slice %arg3[%add3A_226] : memref<16384xi32, #tpu.memory_space<hbm>> -> memref<128xi32, #tpu.memory_space<hbm>>
    %dma_start3A_232 = arith.constant 0 : i32
    %dma_start3A_233 = tpu.memref_slice %arg15[%dma_start3A_227, %dma_start3A_232] : memref<4x128xi32, #tpu.memory_space<vmem>> -> memref<1x128xi32, #tpu.memory_space<vmem>>
    %dma_start3A_234 = tpu.memref_squeeze %dma_start3A_233 : memref<1x128xi32, #tpu.memory_space<vmem>> -> memref<128xi32, #tpu.memory_space<vmem>>
    %dma_start3A_235 = tpu.memref_slice %arg3[%add3A_226] : memref<16384xi32, #tpu.memory_space<hbm>> -> memref<128xi32, #tpu.memory_space<hbm>>
    tpu.enqueue_dma source(%dma_start3A_235 : memref<128xi32, #tpu.memory_space<hbm>>) target(%dma_start3A_234 : memref<128xi32, #tpu.memory_space<vmem>>) target_semaphore(%arg23 : memref<!tpu.dma_semaphore, #tpu.memory_space<semaphore_mem>>)
    %add3A_236 = arith.constant 0 : i32
    %add3A_237 = arith.addi %mul3A_2, %add3A_236 : i32
    %dma_start3A_238 = arith.constant 0 : i32
    %dma_start3A_239 = arith.constant 0 : i32
    %dma_start3A_240 = tpu.memref_slice %arg16[%dma_start3A_238, %dma_start3A_239] : memref<4x128xi32, #tpu.memory_space<vmem>> -> memref<1x128xi32, #tpu.memory_space<vmem>>
    %dma_start3A_241 = tpu.memref_squeeze %dma_start3A_240 : memref<1x128xi32, #tpu.memory_space<vmem>> -> memref<128xi32, #tpu.memory_space<vmem>>
    %dma_start3A_242 = tpu.memref_slice %arg4[%add3A_237] : memref<16384xi32, #tpu.memory_space<hbm>> -> memref<128xi32, #tpu.memory_space<hbm>>
    %dma_start3A_243 = arith.constant 0 : i32
    %dma_start3A_244 = tpu.memref_slice %arg16[%dma_start3A_238, %dma_start3A_243] : memref<4x128xi32, #tpu.memory_space<vmem>> -> memref<1x128xi32, #tpu.memory_space<vmem>>
    %dma_start3A_245 = tpu.memref_squeeze %dma_start3A_244 : memref<1x128xi32, #tpu.memory_space<vmem>> -> memref<128xi32, #tpu.memory_space<vmem>>
    %dma_start3A_246 = tpu.memref_slice %arg4[%add3A_237] : memref<16384xi32, #tpu.memory_space<hbm>> -> memref<128xi32, #tpu.memory_space<hbm>>
    tpu.enqueue_dma source(%dma_start3A_246 : memref<128xi32, #tpu.memory_space<hbm>>) target(%dma_start3A_245 : memref<128xi32, #tpu.memory_space<vmem>>) target_semaphore(%arg23 : memref<!tpu.dma_semaphore, #tpu.memory_space<semaphore_mem>>)
    %add3A_247 = arith.constant 128 : i32
    %add3A_248 = arith.addi %mul3A_2, %add3A_247 : i32
    %dma_start3A_249 = arith.constant 1 : i32
    %dma_start3A_250 = arith.constant 0 : i32
    %dma_start3A_251 = tpu.memref_slice %arg16[%dma_start3A_249, %dma_start3A_250] : memref<4x128xi32, #tpu.memory_space<vmem>> -> memref<1x128xi32, #tpu.memory_space<vmem>>
    %dma_start3A_252 = tpu.memref_squeeze %dma_start3A_251 : memref<1x128xi32, #tpu.memory_space<vmem>> -> memref<128xi32, #tpu.memory_space<vmem>>
    %dma_start3A_253 = tpu.memref_slice %arg4[%add3A_248] : memref<16384xi32, #tpu.memory_space<hbm>> -> memref<128xi32, #tpu.memory_space<hbm>>
    %dma_start3A_254 = arith.constant 0 : i32
    %dma_start3A_255 = tpu.memref_slice %arg16[%dma_start3A_249, %dma_start3A_254] : memref<4x128xi32, #tpu.memory_space<vmem>> -> memref<1x128xi32, #tpu.memory_space<vmem>>
    %dma_start3A_256 = tpu.memref_squeeze %dma_start3A_255 : memref<1x128xi32, #tpu.memory_space<vmem>> -> memref<128xi32, #tpu.memory_space<vmem>>
    %dma_start3A_257 = tpu.memref_slice %arg4[%add3A_248] : memref<16384xi32, #tpu.memory_space<hbm>> -> memref<128xi32, #tpu.memory_space<hbm>>
    tpu.enqueue_dma source(%dma_start3A_257 : memref<128xi32, #tpu.memory_space<hbm>>) target(%dma_start3A_256 : memref<128xi32, #tpu.memory_space<vmem>>) target_semaphore(%arg23 : memref<!tpu.dma_semaphore, #tpu.memory_space<semaphore_mem>>)
    %add3A_258 = arith.constant 256 : i32
    %add3A_259 = arith.addi %mul3A_2, %add3A_258 : i32
    %dma_start3A_260 = arith.constant 2 : i32
    %dma_start3A_261 = arith.constant 0 : i32
    %dma_start3A_262 = tpu.memref_slice %arg16[%dma_start3A_260, %dma_start3A_261] : memref<4x128xi32, #tpu.memory_space<vmem>> -> memref<1x128xi32, #tpu.memory_space<vmem>>
    %dma_start3A_263 = tpu.memref_squeeze %dma_start3A_262 : memref<1x128xi32, #tpu.memory_space<vmem>> -> memref<128xi32, #tpu.memory_space<vmem>>
    %dma_start3A_264 = tpu.memref_slice %arg4[%add3A_259] : memref<16384xi32, #tpu.memory_space<hbm>> -> memref<128xi32, #tpu.memory_space<hbm>>
    %dma_start3A_265 = arith.constant 0 : i32
    %dma_start3A_266 = tpu.memref_slice %arg16[%dma_start3A_260, %dma_start3A_265] : memref<4x128xi32, #tpu.memory_space<vmem>> -> memref<1x128xi32, #tpu.memory_space<vmem>>
    %dma_start3A_267 = tpu.memref_squeeze %dma_start3A_266 : memref<1x128xi32, #tpu.memory_space<vmem>> -> memref<128xi32, #tpu.memory_space<vmem>>
    %dma_start3A_268 = tpu.memref_slice %arg4[%add3A_259] : memref<16384xi32, #tpu.memory_space<hbm>> -> memref<128xi32, #tpu.memory_space<hbm>>
    tpu.enqueue_dma source(%dma_start3A_268 : memref<128xi32, #tpu.memory_space<hbm>>) target(%dma_start3A_267 : memref<128xi32, #tpu.memory_space<vmem>>) target_semaphore(%arg23 : memref<!tpu.dma_semaphore, #tpu.memory_space<semaphore_mem>>)
    %add3A_269 = arith.constant 384 : i32
    %add3A_270 = arith.addi %mul3A_2, %add3A_269 : i32
    %dma_start3A_271 = arith.constant 3 : i32
    %dma_start3A_272 = arith.constant 0 : i32
    %dma_start3A_273 = tpu.memref_slice %arg16[%dma_start3A_271, %dma_start3A_272] : memref<4x128xi32, #tpu.memory_space<vmem>> -> memref<1x128xi32, #tpu.memory_space<vmem>>
    %dma_start3A_274 = tpu.memref_squeeze %dma_start3A_273 : memref<1x128xi32, #tpu.memory_space<vmem>> -> memref<128xi32, #tpu.memory_space<vmem>>
    %dma_start3A_275 = tpu.memref_slice %arg4[%add3A_270] : memref<16384xi32, #tpu.memory_space<hbm>> -> memref<128xi32, #tpu.memory_space<hbm>>
    %dma_start3A_276 = arith.constant 0 : i32
    %dma_start3A_277 = tpu.memref_slice %arg16[%dma_start3A_271, %dma_start3A_276] : memref<4x128xi32, #tpu.memory_space<vmem>> -> memref<1x128xi32, #tpu.memory_space<vmem>>
    %dma_start3A_278 = tpu.memref_squeeze %dma_start3A_277 : memref<1x128xi32, #tpu.memory_space<vmem>> -> memref<128xi32, #tpu.memory_space<vmem>>
    %dma_start3A_279 = tpu.memref_slice %arg4[%add3A_270] : memref<16384xi32, #tpu.memory_space<hbm>> -> memref<128xi32, #tpu.memory_space<hbm>>
    tpu.enqueue_dma source(%dma_start3A_279 : memref<128xi32, #tpu.memory_space<hbm>>) target(%dma_start3A_278 : memref<128xi32, #tpu.memory_space<vmem>>) target_semaphore(%arg23 : memref<!tpu.dma_semaphore, #tpu.memory_space<semaphore_mem>>)
    %dma_wait3A = arith.constant 0 : i32
    %dma_wait3A_280 = arith.constant 0 : i32
    %dma_wait3A_281 = tpu.memref_slice %arg14[%dma_wait3A, %dma_wait3A_280] : memref<4x128xi32, #tpu.memory_space<vmem>> -> memref<1x128xi32, #tpu.memory_space<vmem>>
    %dma_wait3A_282 = tpu.memref_squeeze %dma_wait3A_281 : memref<1x128xi32, #tpu.memory_space<vmem>> -> memref<128xi32, #tpu.memory_space<vmem>>
    %dma_wait3A_283 = tpu.memref_slice %arg2[%add3A_150] : memref<16384xi32, #tpu.memory_space<hbm>> -> memref<128xi32, #tpu.memory_space<hbm>>
    %dma_wait3A_284 = arith.constant 0 : i32
    %dma_wait3A_285 = tpu.memref_slice %arg14[%dma_wait3A, %dma_wait3A_284] : memref<4x128xi32, #tpu.memory_space<vmem>> -> memref<1x128xi32, #tpu.memory_space<vmem>>
    %dma_wait3A_286 = tpu.memref_squeeze %dma_wait3A_285 : memref<1x128xi32, #tpu.memory_space<vmem>> -> memref<128xi32, #tpu.memory_space<vmem>>
    %dma_wait3A_287 = tpu.memref_slice %arg2[%add3A_150] : memref<16384xi32, #tpu.memory_space<hbm>> -> memref<128xi32, #tpu.memory_space<hbm>>
    tpu.wait_dma2 semaphore(%arg23 : memref<!tpu.dma_semaphore, #tpu.memory_space<semaphore_mem>>) src(%dma_wait3A_287 : memref<128xi32, #tpu.memory_space<hbm>>) dst(%dma_wait3A_286 : memref<128xi32, #tpu.memory_space<vmem>>)
    %dma_wait3A_288 = arith.constant 1 : i32
    %dma_wait3A_289 = arith.constant 0 : i32
    %dma_wait3A_290 = tpu.memref_slice %arg14[%dma_wait3A_288, %dma_wait3A_289] : memref<4x128xi32, #tpu.memory_space<vmem>> -> memref<1x128xi32, #tpu.memory_space<vmem>>
    %dma_wait3A_291 = tpu.memref_squeeze %dma_wait3A_290 : memref<1x128xi32, #tpu.memory_space<vmem>> -> memref<128xi32, #tpu.memory_space<vmem>>
    %dma_wait3A_292 = tpu.memref_slice %arg2[%add3A_160] : memref<16384xi32, #tpu.memory_space<hbm>> -> memref<128xi32, #tpu.memory_space<hbm>>
    %dma_wait3A_293 = arith.constant 0 : i32
    %dma_wait3A_294 = tpu.memref_slice %arg14[%dma_wait3A_288, %dma_wait3A_293] : memref<4x128xi32, #tpu.memory_space<vmem>> -> memref<1x128xi32, #tpu.memory_space<vmem>>
    %dma_wait3A_295 = tpu.memref_squeeze %dma_wait3A_294 : memref<1x128xi32, #tpu.memory_space<vmem>> -> memref<128xi32, #tpu.memory_space<vmem>>
    %dma_wait3A_296 = tpu.memref_slice %arg2[%add3A_160] : memref<16384xi32, #tpu.memory_space<hbm>> -> memref<128xi32, #tpu.memory_space<hbm>>
    tpu.wait_dma2 semaphore(%arg23 : memref<!tpu.dma_semaphore, #tpu.memory_space<semaphore_mem>>) src(%dma_wait3A_296 : memref<128xi32, #tpu.memory_space<hbm>>) dst(%dma_wait3A_295 : memref<128xi32, #tpu.memory_space<vmem>>)
    %dma_wait3A_297 = arith.constant 2 : i32
    %dma_wait3A_298 = arith.constant 0 : i32
    %dma_wait3A_299 = tpu.memref_slice %arg14[%dma_wait3A_297, %dma_wait3A_298] : memref<4x128xi32, #tpu.memory_space<vmem>> -> memref<1x128xi32, #tpu.memory_space<vmem>>
    %dma_wait3A_300 = tpu.memref_squeeze %dma_wait3A_299 : memref<1x128xi32, #tpu.memory_space<vmem>> -> memref<128xi32, #tpu.memory_space<vmem>>
    %dma_wait3A_301 = tpu.memref_slice %arg2[%add3A_171] : memref<16384xi32, #tpu.memory_space<hbm>> -> memref<128xi32, #tpu.memory_space<hbm>>
    %dma_wait3A_302 = arith.constant 0 : i32
    %dma_wait3A_303 = tpu.memref_slice %arg14[%dma_wait3A_297, %dma_wait3A_302] : memref<4x128xi32, #tpu.memory_space<vmem>> -> memref<1x128xi32, #tpu.memory_space<vmem>>
    %dma_wait3A_304 = tpu.memref_squeeze %dma_wait3A_303 : memref<1x128xi32, #tpu.memory_space<vmem>> -> memref<128xi32, #tpu.memory_space<vmem>>
    %dma_wait3A_305 = tpu.memref_slice %arg2[%add3A_171] : memref<16384xi32, #tpu.memory_space<hbm>> -> memref<128xi32, #tpu.memory_space<hbm>>
    tpu.wait_dma2 semaphore(%arg23 : memref<!tpu.dma_semaphore, #tpu.memory_space<semaphore_mem>>) src(%dma_wait3A_305 : memref<128xi32, #tpu.memory_space<hbm>>) dst(%dma_wait3A_304 : memref<128xi32, #tpu.memory_space<vmem>>)
    %dma_wait3A_306 = arith.constant 3 : i32
    %dma_wait3A_307 = arith.constant 0 : i32
    %dma_wait3A_308 = tpu.memref_slice %arg14[%dma_wait3A_306, %dma_wait3A_307] : memref<4x128xi32, #tpu.memory_space<vmem>> -> memref<1x128xi32, #tpu.memory_space<vmem>>
    %dma_wait3A_309 = tpu.memref_squeeze %dma_wait3A_308 : memref<1x128xi32, #tpu.memory_space<vmem>> -> memref<128xi32, #tpu.memory_space<vmem>>
    %dma_wait3A_310 = tpu.memref_slice %arg2[%add3A_182] : memref<16384xi32, #tpu.memory_space<hbm>> -> memref<128xi32, #tpu.memory_space<hbm>>
    %dma_wait3A_311 = arith.constant 0 : i32
    %dma_wait3A_312 = tpu.memref_slice %arg14[%dma_wait3A_306, %dma_wait3A_311] : memref<4x128xi32, #tpu.memory_space<vmem>> -> memref<1x128xi32, #tpu.memory_space<vmem>>
    %dma_wait3A_313 = tpu.memref_squeeze %dma_wait3A_312 : memref<1x128xi32, #tpu.memory_space<vmem>> -> memref<128xi32, #tpu.memory_space<vmem>>
    %dma_wait3A_314 = tpu.memref_slice %arg2[%add3A_182] : memref<16384xi32, #tpu.memory_space<hbm>> -> memref<128xi32, #tpu.memory_space<hbm>>
    tpu.wait_dma2 semaphore(%arg23 : memref<!tpu.dma_semaphore, #tpu.memory_space<semaphore_mem>>) src(%dma_wait3A_314 : memref<128xi32, #tpu.memory_space<hbm>>) dst(%dma_wait3A_313 : memref<128xi32, #tpu.memory_space<vmem>>)
    %dma_wait3A_315 = arith.constant 0 : i32
    %dma_wait3A_316 = arith.constant 0 : i32
    %dma_wait3A_317 = tpu.memref_slice %arg15[%dma_wait3A_315, %dma_wait3A_316] : memref<4x128xi32, #tpu.memory_space<vmem>> -> memref<1x128xi32, #tpu.memory_space<vmem>>
    %dma_wait3A_318 = tpu.memref_squeeze %dma_wait3A_317 : memref<1x128xi32, #tpu.memory_space<vmem>> -> memref<128xi32, #tpu.memory_space<vmem>>
    %dma_wait3A_319 = tpu.memref_slice %arg3[%add3A_193] : memref<16384xi32, #tpu.memory_space<hbm>> -> memref<128xi32, #tpu.memory_space<hbm>>
    %dma_wait3A_320 = arith.constant 0 : i32
    %dma_wait3A_321 = tpu.memref_slice %arg15[%dma_wait3A_315, %dma_wait3A_320] : memref<4x128xi32, #tpu.memory_space<vmem>> -> memref<1x128xi32, #tpu.memory_space<vmem>>
    %dma_wait3A_322 = tpu.memref_squeeze %dma_wait3A_321 : memref<1x128xi32, #tpu.memory_space<vmem>> -> memref<128xi32, #tpu.memory_space<vmem>>
    %dma_wait3A_323 = tpu.memref_slice %arg3[%add3A_193] : memref<16384xi32, #tpu.memory_space<hbm>> -> memref<128xi32, #tpu.memory_space<hbm>>
    tpu.wait_dma2 semaphore(%arg23 : memref<!tpu.dma_semaphore, #tpu.memory_space<semaphore_mem>>) src(%dma_wait3A_323 : memref<128xi32, #tpu.memory_space<hbm>>) dst(%dma_wait3A_322 : memref<128xi32, #tpu.memory_space<vmem>>)
    %dma_wait3A_324 = arith.constant 1 : i32
    %dma_wait3A_325 = arith.constant 0 : i32
    %dma_wait3A_326 = tpu.memref_slice %arg15[%dma_wait3A_324, %dma_wait3A_325] : memref<4x128xi32, #tpu.memory_space<vmem>> -> memref<1x128xi32, #tpu.memory_space<vmem>>
    %dma_wait3A_327 = tpu.memref_squeeze %dma_wait3A_326 : memref<1x128xi32, #tpu.memory_space<vmem>> -> memref<128xi32, #tpu.memory_space<vmem>>
    %dma_wait3A_328 = tpu.memref_slice %arg3[%add3A_204] : memref<16384xi32, #tpu.memory_space<hbm>> -> memref<128xi32, #tpu.memory_space<hbm>>
    %dma_wait3A_329 = arith.constant 0 : i32
    %dma_wait3A_330 = tpu.memref_slice %arg15[%dma_wait3A_324, %dma_wait3A_329] : memref<4x128xi32, #tpu.memory_space<vmem>> -> memref<1x128xi32, #tpu.memory_space<vmem>>
    %dma_wait3A_331 = tpu.memref_squeeze %dma_wait3A_330 : memref<1x128xi32, #tpu.memory_space<vmem>> -> memref<128xi32, #tpu.memory_space<vmem>>
    %dma_wait3A_332 = tpu.memref_slice %arg3[%add3A_204] : memref<16384xi32, #tpu.memory_space<hbm>> -> memref<128xi32, #tpu.memory_space<hbm>>
    tpu.wait_dma2 semaphore(%arg23 : memref<!tpu.dma_semaphore, #tpu.memory_space<semaphore_mem>>) src(%dma_wait3A_332 : memref<128xi32, #tpu.memory_space<hbm>>) dst(%dma_wait3A_331 : memref<128xi32, #tpu.memory_space<vmem>>)
    %dma_wait3A_333 = arith.constant 2 : i32
    %dma_wait3A_334 = arith.constant 0 : i32
    %dma_wait3A_335 = tpu.memref_slice %arg15[%dma_wait3A_333, %dma_wait3A_334] : memref<4x128xi32, #tpu.memory_space<vmem>> -> memref<1x128xi32, #tpu.memory_space<vmem>>
    %dma_wait3A_336 = tpu.memref_squeeze %dma_wait3A_335 : memref<1x128xi32, #tpu.memory_space<vmem>> -> memref<128xi32, #tpu.memory_space<vmem>>
    %dma_wait3A_337 = tpu.memref_slice %arg3[%add3A_215] : memref<16384xi32, #tpu.memory_space<hbm>> -> memref<128xi32, #tpu.memory_space<hbm>>
    %dma_wait3A_338 = arith.constant 0 : i32
    %dma_wait3A_339 = tpu.memref_slice %arg15[%dma_wait3A_333, %dma_wait3A_338] : memref<4x128xi32, #tpu.memory_space<vmem>> -> memref<1x128xi32, #tpu.memory_space<vmem>>
    %dma_wait3A_340 = tpu.memref_squeeze %dma_wait3A_339 : memref<1x128xi32, #tpu.memory_space<vmem>> -> memref<128xi32, #tpu.memory_space<vmem>>
    %dma_wait3A_341 = tpu.memref_slice %arg3[%add3A_215] : memref<16384xi32, #tpu.memory_space<hbm>> -> memref<128xi32, #tpu.memory_space<hbm>>
    tpu.wait_dma2 semaphore(%arg23 : memref<!tpu.dma_semaphore, #tpu.memory_space<semaphore_mem>>) src(%dma_wait3A_341 : memref<128xi32, #tpu.memory_space<hbm>>) dst(%dma_wait3A_340 : memref<128xi32, #tpu.memory_space<vmem>>)
    %dma_wait3A_342 = arith.constant 3 : i32
    %dma_wait3A_343 = arith.constant 0 : i32
    %dma_wait3A_344 = tpu.memref_slice %arg15[%dma_wait3A_342, %dma_wait3A_343] : memref<4x128xi32, #tpu.memory_space<vmem>> -> memref<1x128xi32, #tpu.memory_space<vmem>>
    %dma_wait3A_345 = tpu.memref_squeeze %dma_wait3A_344 : memref<1x128xi32, #tpu.memory_space<vmem>> -> memref<128xi32, #tpu.memory_space<vmem>>
    %dma_wait3A_346 = tpu.memref_slice %arg3[%add3A_226] : memref<16384xi32, #tpu.memory_space<hbm>> -> memref<128xi32, #tpu.memory_space<hbm>>
    %dma_wait3A_347 = arith.constant 0 : i32
    %dma_wait3A_348 = tpu.memref_slice %arg15[%dma_wait3A_342, %dma_wait3A_347] : memref<4x128xi32, #tpu.memory_space<vmem>> -> memref<1x128xi32, #tpu.memory_space<vmem>>
    %dma_wait3A_349 = tpu.memref_squeeze %dma_wait3A_348 : memref<1x128xi32, #tpu.memory_space<vmem>> -> memref<128xi32, #tpu.memory_space<vmem>>
    %dma_wait3A_350 = tpu.memref_slice %arg3[%add3A_226] : memref<16384xi32, #tpu.memory_space<hbm>> -> memref<128xi32, #tpu.memory_space<hbm>>
    tpu.wait_dma2 semaphore(%arg23 : memref<!tpu.dma_semaphore, #tpu.memory_space<semaphore_mem>>) src(%dma_wait3A_350 : memref<128xi32, #tpu.memory_space<hbm>>) dst(%dma_wait3A_349 : memref<128xi32, #tpu.memory_space<vmem>>)
    %dma_wait3A_351 = arith.constant 0 : i32
    %dma_wait3A_352 = arith.constant 0 : i32
    %dma_wait3A_353 = tpu.memref_slice %arg16[%dma_wait3A_351, %dma_wait3A_352] : memref<4x128xi32, #tpu.memory_space<vmem>> -> memref<1x128xi32, #tpu.memory_space<vmem>>
    %dma_wait3A_354 = tpu.memref_squeeze %dma_wait3A_353 : memref<1x128xi32, #tpu.memory_space<vmem>> -> memref<128xi32, #tpu.memory_space<vmem>>
    %dma_wait3A_355 = tpu.memref_slice %arg4[%add3A_237] : memref<16384xi32, #tpu.memory_space<hbm>> -> memref<128xi32, #tpu.memory_space<hbm>>
    %dma_wait3A_356 = arith.constant 0 : i32
    %dma_wait3A_357 = tpu.memref_slice %arg16[%dma_wait3A_351, %dma_wait3A_356] : memref<4x128xi32, #tpu.memory_space<vmem>> -> memref<1x128xi32, #tpu.memory_space<vmem>>
    %dma_wait3A_358 = tpu.memref_squeeze %dma_wait3A_357 : memref<1x128xi32, #tpu.memory_space<vmem>> -> memref<128xi32, #tpu.memory_space<vmem>>
    %dma_wait3A_359 = tpu.memref_slice %arg4[%add3A_237] : memref<16384xi32, #tpu.memory_space<hbm>> -> memref<128xi32, #tpu.memory_space<hbm>>
    tpu.wait_dma2 semaphore(%arg23 : memref<!tpu.dma_semaphore, #tpu.memory_space<semaphore_mem>>) src(%dma_wait3A_359 : memref<128xi32, #tpu.memory_space<hbm>>) dst(%dma_wait3A_358 : memref<128xi32, #tpu.memory_space<vmem>>)
    %dma_wait3A_360 = arith.constant 1 : i32
    %dma_wait3A_361 = arith.constant 0 : i32
    %dma_wait3A_362 = tpu.memref_slice %arg16[%dma_wait3A_360, %dma_wait3A_361] : memref<4x128xi32, #tpu.memory_space<vmem>> -> memref<1x128xi32, #tpu.memory_space<vmem>>
    %dma_wait3A_363 = tpu.memref_squeeze %dma_wait3A_362 : memref<1x128xi32, #tpu.memory_space<vmem>> -> memref<128xi32, #tpu.memory_space<vmem>>
    %dma_wait3A_364 = tpu.memref_slice %arg4[%add3A_248] : memref<16384xi32, #tpu.memory_space<hbm>> -> memref<128xi32, #tpu.memory_space<hbm>>
    %dma_wait3A_365 = arith.constant 0 : i32
    %dma_wait3A_366 = tpu.memref_slice %arg16[%dma_wait3A_360, %dma_wait3A_365] : memref<4x128xi32, #tpu.memory_space<vmem>> -> memref<1x128xi32, #tpu.memory_space<vmem>>
    %dma_wait3A_367 = tpu.memref_squeeze %dma_wait3A_366 : memref<1x128xi32, #tpu.memory_space<vmem>> -> memref<128xi32, #tpu.memory_space<vmem>>
    %dma_wait3A_368 = tpu.memref_slice %arg4[%add3A_248] : memref<16384xi32, #tpu.memory_space<hbm>> -> memref<128xi32, #tpu.memory_space<hbm>>
    tpu.wait_dma2 semaphore(%arg23 : memref<!tpu.dma_semaphore, #tpu.memory_space<semaphore_mem>>) src(%dma_wait3A_368 : memref<128xi32, #tpu.memory_space<hbm>>) dst(%dma_wait3A_367 : memref<128xi32, #tpu.memory_space<vmem>>)
    %dma_wait3A_369 = arith.constant 2 : i32
    %dma_wait3A_370 = arith.constant 0 : i32
    %dma_wait3A_371 = tpu.memref_slice %arg16[%dma_wait3A_369, %dma_wait3A_370] : memref<4x128xi32, #tpu.memory_space<vmem>> -> memref<1x128xi32, #tpu.memory_space<vmem>>
    %dma_wait3A_372 = tpu.memref_squeeze %dma_wait3A_371 : memref<1x128xi32, #tpu.memory_space<vmem>> -> memref<128xi32, #tpu.memory_space<vmem>>
    %dma_wait3A_373 = tpu.memref_slice %arg4[%add3A_259] : memref<16384xi32, #tpu.memory_space<hbm>> -> memref<128xi32, #tpu.memory_space<hbm>>
    %dma_wait3A_374 = arith.constant 0 : i32
    %dma_wait3A_375 = tpu.memref_slice %arg16[%dma_wait3A_369, %dma_wait3A_374] : memref<4x128xi32, #tpu.memory_space<vmem>> -> memref<1x128xi32, #tpu.memory_space<vmem>>
    %dma_wait3A_376 = tpu.memref_squeeze %dma_wait3A_375 : memref<1x128xi32, #tpu.memory_space<vmem>> -> memref<128xi32, #tpu.memory_space<vmem>>
    %dma_wait3A_377 = tpu.memref_slice %arg4[%add3A_259] : memref<16384xi32, #tpu.memory_space<hbm>> -> memref<128xi32, #tpu.memory_space<hbm>>
    tpu.wait_dma2 semaphore(%arg23 : memref<!tpu.dma_semaphore, #tpu.memory_space<semaphore_mem>>) src(%dma_wait3A_377 : memref<128xi32, #tpu.memory_space<hbm>>) dst(%dma_wait3A_376 : memref<128xi32, #tpu.memory_space<vmem>>)
    %dma_wait3A_378 = arith.constant 3 : i32
    %dma_wait3A_379 = arith.constant 0 : i32
    %dma_wait3A_380 = tpu.memref_slice %arg16[%dma_wait3A_378, %dma_wait3A_379] : memref<4x128xi32, #tpu.memory_space<vmem>> -> memref<1x128xi32, #tpu.memory_space<vmem>>
    %dma_wait3A_381 = tpu.memref_squeeze %dma_wait3A_380 : memref<1x128xi32, #tpu.memory_space<vmem>> -> memref<128xi32, #tpu.memory_space<vmem>>
    %dma_wait3A_382 = tpu.memref_slice %arg4[%add3A_270] : memref<16384xi32, #tpu.memory_space<hbm>> -> memref<128xi32, #tpu.memory_space<hbm>>
    %dma_wait3A_383 = arith.constant 0 : i32
    %dma_wait3A_384 = tpu.memref_slice %arg16[%dma_wait3A_378, %dma_wait3A_383] : memref<4x128xi32, #tpu.memory_space<vmem>> -> memref<1x128xi32, #tpu.memory_space<vmem>>
    %dma_wait3A_385 = tpu.memref_squeeze %dma_wait3A_384 : memref<1x128xi32, #tpu.memory_space<vmem>> -> memref<128xi32, #tpu.memory_space<vmem>>
    %dma_wait3A_386 = tpu.memref_slice %arg4[%add3A_270] : memref<16384xi32, #tpu.memory_space<hbm>> -> memref<128xi32, #tpu.memory_space<hbm>>
    tpu.wait_dma2 semaphore(%arg23 : memref<!tpu.dma_semaphore, #tpu.memory_space<semaphore_mem>>) src(%dma_wait3A_386 : memref<128xi32, #tpu.memory_space<hbm>>) dst(%dma_wait3A_385 : memref<128xi32, #tpu.memory_space<vmem>>)
    %dma_start3A_387 = arith.constant 0 : i32
    %dma_start3A_388 = arith.constant 0 : i32
    %dma_start3A_389 = tpu.memref_slice %arg14[%dma_start3A_387, %dma_start3A_388] : memref<4x128xi32, #tpu.memory_space<vmem>> -> memref<1x128xi32, #tpu.memory_space<vmem>>
    %dma_start3A_390 = tpu.memref_squeeze %dma_start3A_389 : memref<1x128xi32, #tpu.memory_space<vmem>> -> memref<128xi32, #tpu.memory_space<vmem>>
    %dma_start3A_391 = arith.constant 0 : i32
    %dma_start3A_392 = arith.constant 0 : i32
    %dma_start3A_393 = tpu.memref_slice %arg5[%dma_start3A_391, %dma_start3A_392] : memref<50000x64xf32, #tpu.memory_space<hbm>> -> memref<50000x64xf32, #tpu.memory_space<hbm>>
    tpu.enqueue_indirect_dma source(%dma_start3A_393 : memref<50000x64xf32, #tpu.memory_space<hbm>>) target(%arg17 : memref<128x64xf32, #tpu.memory_space<vmem>>) offsets(%dma_start3A_390 : memref<128xi32, #tpu.memory_space<vmem>>) semaphore(%arg24 : memref<!tpu.dma_semaphore, #tpu.memory_space<semaphore_mem>>)
    %dma_start3A_394 = arith.constant 0 : i32
    %dma_start3A_395 = arith.constant 0 : i32
    %dma_start3A_396 = tpu.memref_slice %arg15[%dma_start3A_394, %dma_start3A_395] : memref<4x128xi32, #tpu.memory_space<vmem>> -> memref<1x128xi32, #tpu.memory_space<vmem>>
    %dma_start3A_397 = tpu.memref_squeeze %dma_start3A_396 : memref<1x128xi32, #tpu.memory_space<vmem>> -> memref<128xi32, #tpu.memory_space<vmem>>
    %dma_start3A_398 = arith.constant 0 : i32
    %dma_start3A_399 = arith.constant 0 : i32
    %dma_start3A_400 = tpu.memref_slice %arg6[%dma_start3A_398, %dma_start3A_399] : memref<10000x64xf32, #tpu.memory_space<hbm>> -> memref<10000x64xf32, #tpu.memory_space<hbm>>
    tpu.enqueue_indirect_dma source(%dma_start3A_400 : memref<10000x64xf32, #tpu.memory_space<hbm>>) target(%arg18 : memref<128x64xf32, #tpu.memory_space<vmem>>) offsets(%dma_start3A_397 : memref<128xi32, #tpu.memory_space<vmem>>) semaphore(%arg24 : memref<!tpu.dma_semaphore, #tpu.memory_space<semaphore_mem>>)
    %dma_start3A_401 = arith.constant 0 : i32
    %dma_start3A_402 = arith.constant 0 : i32
    %dma_start3A_403 = tpu.memref_slice %arg16[%dma_start3A_401, %dma_start3A_402] : memref<4x128xi32, #tpu.memory_space<vmem>> -> memref<1x128xi32, #tpu.memory_space<vmem>>
    %dma_start3A_404 = tpu.memref_squeeze %dma_start3A_403 : memref<1x128xi32, #tpu.memory_space<vmem>> -> memref<128xi32, #tpu.memory_space<vmem>>
    %dma_start3A_405 = arith.constant 0 : i32
    %dma_start3A_406 = arith.constant 0 : i32
    %dma_start3A_407 = tpu.memref_slice %arg7[%dma_start3A_405, %dma_start3A_406] : memref<1000x64xf32, #tpu.memory_space<hbm>> -> memref<1000x64xf32, #tpu.memory_space<hbm>>
    tpu.enqueue_indirect_dma source(%dma_start3A_407 : memref<1000x64xf32, #tpu.memory_space<hbm>>) target(%arg19 : memref<128x64xf32, #tpu.memory_space<vmem>>) offsets(%dma_start3A_404 : memref<128xi32, #tpu.memory_space<vmem>>) semaphore(%arg24 : memref<!tpu.dma_semaphore, #tpu.memory_space<semaphore_mem>>)
    %dma_start3A_408 = arith.constant 1 : i32
    %dma_start3A_409 = arith.constant 0 : i32
    %dma_start3A_410 = tpu.memref_slice %arg14[%dma_start3A_408, %dma_start3A_409] : memref<4x128xi32, #tpu.memory_space<vmem>> -> memref<1x128xi32, #tpu.memory_space<vmem>>
    %dma_start3A_411 = tpu.memref_squeeze %dma_start3A_410 : memref<1x128xi32, #tpu.memory_space<vmem>> -> memref<128xi32, #tpu.memory_space<vmem>>
    %dma_start3A_412 = arith.constant 0 : i32
    %dma_start3A_413 = arith.constant 0 : i32
    %dma_start3A_414 = tpu.memref_slice %arg5[%dma_start3A_412, %dma_start3A_413] : memref<50000x64xf32, #tpu.memory_space<hbm>> -> memref<50000x64xf32, #tpu.memory_space<hbm>>
    tpu.enqueue_indirect_dma source(%dma_start3A_414 : memref<50000x64xf32, #tpu.memory_space<hbm>>) target(%arg20 : memref<128x64xf32, #tpu.memory_space<vmem>>) offsets(%dma_start3A_411 : memref<128xi32, #tpu.memory_space<vmem>>) semaphore(%arg25 : memref<!tpu.dma_semaphore, #tpu.memory_space<semaphore_mem>>)
    %dma_start3A_415 = arith.constant 1 : i32
    %dma_start3A_416 = arith.constant 0 : i32
    %dma_start3A_417 = tpu.memref_slice %arg15[%dma_start3A_415, %dma_start3A_416] : memref<4x128xi32, #tpu.memory_space<vmem>> -> memref<1x128xi32, #tpu.memory_space<vmem>>
    %dma_start3A_418 = tpu.memref_squeeze %dma_start3A_417 : memref<1x128xi32, #tpu.memory_space<vmem>> -> memref<128xi32, #tpu.memory_space<vmem>>
    %dma_start3A_419 = arith.constant 0 : i32
    %dma_start3A_420 = arith.constant 0 : i32
    %dma_start3A_421 = tpu.memref_slice %arg6[%dma_start3A_419, %dma_start3A_420] : memref<10000x64xf32, #tpu.memory_space<hbm>> -> memref<10000x64xf32, #tpu.memory_space<hbm>>
    tpu.enqueue_indirect_dma source(%dma_start3A_421 : memref<10000x64xf32, #tpu.memory_space<hbm>>) target(%arg21 : memref<128x64xf32, #tpu.memory_space<vmem>>) offsets(%dma_start3A_418 : memref<128xi32, #tpu.memory_space<vmem>>) semaphore(%arg25 : memref<!tpu.dma_semaphore, #tpu.memory_space<semaphore_mem>>)
    %dma_start3A_422 = arith.constant 1 : i32
    %dma_start3A_423 = arith.constant 0 : i32
    %dma_start3A_424 = tpu.memref_slice %arg16[%dma_start3A_422, %dma_start3A_423] : memref<4x128xi32, #tpu.memory_space<vmem>> -> memref<1x128xi32, #tpu.memory_space<vmem>>
    %dma_start3A_425 = tpu.memref_squeeze %dma_start3A_424 : memref<1x128xi32, #tpu.memory_space<vmem>> -> memref<128xi32, #tpu.memory_space<vmem>>
    %dma_start3A_426 = arith.constant 0 : i32
    %dma_start3A_427 = arith.constant 0 : i32
    %dma_start3A_428 = tpu.memref_slice %arg7[%dma_start3A_426, %dma_start3A_427] : memref<1000x64xf32, #tpu.memory_space<hbm>> -> memref<1000x64xf32, #tpu.memory_space<hbm>>
    tpu.enqueue_indirect_dma source(%dma_start3A_428 : memref<1000x64xf32, #tpu.memory_space<hbm>>) target(%arg22 : memref<128x64xf32, #tpu.memory_space<vmem>>) offsets(%dma_start3A_425 : memref<128xi32, #tpu.memory_space<vmem>>) semaphore(%arg25 : memref<!tpu.dma_semaphore, #tpu.memory_space<semaphore_mem>>)
    %dma_wait3A_429 = arith.constant 0 : i32
    %dma_wait3A_430 = arith.constant 0 : i32
    %dma_wait3A_431 = tpu.memref_slice %arg14[%dma_wait3A_429, %dma_wait3A_430] : memref<4x128xi32, #tpu.memory_space<vmem>> -> memref<1x128xi32, #tpu.memory_space<vmem>>
    %dma_wait3A_432 = tpu.memref_squeeze %dma_wait3A_431 : memref<1x128xi32, #tpu.memory_space<vmem>> -> memref<128xi32, #tpu.memory_space<vmem>>
    %dma_wait3A_433 = arith.constant 0 : i32
    %dma_wait3A_434 = arith.constant 0 : i32
    %dma_wait3A_435 = tpu.memref_slice %arg5[%dma_wait3A_433, %dma_wait3A_434] : memref<50000x64xf32, #tpu.memory_space<hbm>> -> memref<50000x64xf32, #tpu.memory_space<hbm>>
    tpu.wait_indirect_dma semaphore(%arg24 : memref<!tpu.dma_semaphore, #tpu.memory_space<semaphore_mem>>) src(%dma_wait3A_435 : memref<50000x64xf32, #tpu.memory_space<hbm>>) dst(%arg17 : memref<128x64xf32, #tpu.memory_space<vmem>>)
    %dma_wait3A_436 = arith.constant 0 : i32
    %dma_wait3A_437 = arith.constant 0 : i32
    %dma_wait3A_438 = tpu.memref_slice %arg15[%dma_wait3A_436, %dma_wait3A_437] : memref<4x128xi32, #tpu.memory_space<vmem>> -> memref<1x128xi32, #tpu.memory_space<vmem>>
    %dma_wait3A_439 = tpu.memref_squeeze %dma_wait3A_438 : memref<1x128xi32, #tpu.memory_space<vmem>> -> memref<128xi32, #tpu.memory_space<vmem>>
    %dma_wait3A_440 = arith.constant 0 : i32
    %dma_wait3A_441 = arith.constant 0 : i32
    %dma_wait3A_442 = tpu.memref_slice %arg6[%dma_wait3A_440, %dma_wait3A_441] : memref<10000x64xf32, #tpu.memory_space<hbm>> -> memref<10000x64xf32, #tpu.memory_space<hbm>>
    tpu.wait_indirect_dma semaphore(%arg24 : memref<!tpu.dma_semaphore, #tpu.memory_space<semaphore_mem>>) src(%dma_wait3A_442 : memref<10000x64xf32, #tpu.memory_space<hbm>>) dst(%arg18 : memref<128x64xf32, #tpu.memory_space<vmem>>)
    %dma_wait3A_443 = arith.constant 0 : i32
    %dma_wait3A_444 = arith.constant 0 : i32
    %dma_wait3A_445 = tpu.memref_slice %arg16[%dma_wait3A_443, %dma_wait3A_444] : memref<4x128xi32, #tpu.memory_space<vmem>> -> memref<1x128xi32, #tpu.memory_space<vmem>>
    %dma_wait3A_446 = tpu.memref_squeeze %dma_wait3A_445 : memref<1x128xi32, #tpu.memory_space<vmem>> -> memref<128xi32, #tpu.memory_space<vmem>>
    %dma_wait3A_447 = arith.constant 0 : i32
    %dma_wait3A_448 = arith.constant 0 : i32
    %dma_wait3A_449 = tpu.memref_slice %arg7[%dma_wait3A_447, %dma_wait3A_448] : memref<1000x64xf32, #tpu.memory_space<hbm>> -> memref<1000x64xf32, #tpu.memory_space<hbm>>
    tpu.wait_indirect_dma semaphore(%arg24 : memref<!tpu.dma_semaphore, #tpu.memory_space<semaphore_mem>>) src(%dma_wait3A_449 : memref<1000x64xf32, #tpu.memory_space<hbm>>) dst(%arg19 : memref<128x64xf32, #tpu.memory_space<vmem>>)
    %scan3A = arith.constant 0 : i32
    %scan3A_450 = arith.constant 0 : i32
    %scan3A_451 = arith.constant 128 : i32
    %scan3A_452 = arith.addi %scan3A_450, %scan3A_451 : i32
    %scan3A_453 = arith.constant 1 : i32
    scf.for %scan3A_618 = %scan3A_450 to %scan3A_452 step %scan3A_453  : i32 {
      %get3A_619 = arith.index_cast %scan3A_618 : i32 to index
      %get3A_620 = arith.constant 0 : index
      %get3A_621 = tpu.vector_load %arg17[%get3A_619, %get3A_620] {strides = array<i32>} : memref<128x64xf32, #tpu.memory_space<vmem>>, vector<1x16xf32>,
      %get3A_622 = vector.shape_cast %get3A_621 : vector<1x16xf32> to vector<16xf32>
      %mul3A_623 = arith.mulf %gather3A_138, %get3A_622 : vector<16xf32>
      %get3A_624 = arith.index_cast %scan3A_618 : i32 to index
      %get3A_625 = arith.constant 0 : index
      %get3A_626 = tpu.vector_load %arg18[%get3A_624, %get3A_625] {strides = array<i32>} : memref<128x64xf32, #tpu.memory_space<vmem>>, vector<1x16xf32>,
      %get3A_627 = vector.shape_cast %get3A_626 : vector<1x16xf32> to vector<16xf32>
      %mul3A_628 = arith.mulf %gather3A_143, %get3A_627 : vector<16xf32>
      %add3A_629 = arith.addf %mul3A_623, %mul3A_628 : vector<16xf32>
      %get3A_630 = arith.index_cast %scan3A_618 : i32 to index
      %get3A_631 = arith.constant 0 : index
      %get3A_632 = tpu.vector_load %arg19[%get3A_630, %get3A_631] {strides = array<i32>} : memref<128x64xf32, #tpu.memory_space<vmem>>, vector<1x16xf32>,
      %get3A_633 = vector.shape_cast %get3A_632 : vector<1x16xf32> to vector<16xf32>
      %mul3A_634 = arith.mulf %gather3A_148, %get3A_633 : vector<16xf32>
      %add3A_635 = arith.addf %add3A_629, %mul3A_634 : vector<16xf32>
      %swap3A = arith.index_cast %scan3A_618 : i32 to index
      %swap3A_636 = arith.constant 0 : index
      %swap3A_637 = tpu.vector_load %arg17[%swap3A, %swap3A_636] {strides = array<i32>} : memref<128x64xf32, #tpu.memory_space<vmem>>, vector<1x16xf32>,
      %swap3A_638 = vector.shape_cast %swap3A_637 : vector<1x16xf32> to vector<16xf32>
      %swap3A_639 = vector.shape_cast %add3A_635 : vector<16xf32> to vector<1x16xf32>
      tpu.vector_store %arg17[%swap3A, %swap3A_636], %swap3A_639 {strides = array<i32>} : memref<128x64xf32, #tpu.memory_space<vmem>>, vector<1x16xf32>,
      %get3A_640 = arith.index_cast %scan3A_618 : i32 to index
      %get3A_641 = arith.constant 16 : index
      %get3A_642 = tpu.vector_load %arg17[%get3A_640, %get3A_641] {strides = array<i32>} : memref<128x64xf32, #tpu.memory_space<vmem>>, vector<1x16xf32>,
      %get3A_643 = vector.shape_cast %get3A_642 : vector<1x16xf32> to vector<16xf32>
      %mul3A_644 = arith.mulf %gather3A_138, %get3A_643 : vector<16xf32>
      %get3A_645 = arith.index_cast %scan3A_618 : i32 to index
      %get3A_646 = arith.constant 16 : index
      %get3A_647 = tpu.vector_load %arg18[%get3A_645, %get3A_646] {strides = array<i32>} : memref<128x64xf32, #tpu.memory_space<vmem>>, vector<1x16xf32>,
      %get3A_648 = vector.shape_cast %get3A_647 : vector<1x16xf32> to vector<16xf32>
      %mul3A_649 = arith.mulf %gather3A_143, %get3A_648 : vector<16xf32>
      %add3A_650 = arith.addf %mul3A_644, %mul3A_649 : vector<16xf32>
      %get3A_651 = arith.index_cast %scan3A_618 : i32 to index
      %get3A_652 = arith.constant 16 : index
      %get3A_653 = tpu.vector_load %arg19[%get3A_651, %get3A_652] {strides = array<i32>} : memref<128x64xf32, #tpu.memory_space<vmem>>, vector<1x16xf32>,
      %get3A_654 = vector.shape_cast %get3A_653 : vector<1x16xf32> to vector<16xf32>
      %mul3A_655 = arith.mulf %gather3A_148, %get3A_654 : vector<16xf32>
      %add3A_656 = arith.addf %add3A_650, %mul3A_655 : vector<16xf32>
      %swap3A_657 = arith.index_cast %scan3A_618 : i32 to index
      %swap3A_658 = arith.constant 16 : index
      %swap3A_659 = tpu.vector_load %arg17[%swap3A_657, %swap3A_658] {strides = array<i32>} : memref<128x64xf32, #tpu.memory_space<vmem>>, vector<1x16xf32>,
      %swap3A_660 = vector.shape_cast %swap3A_659 : vector<1x16xf32> to vector<16xf32>
      %swap3A_661 = vector.shape_cast %add3A_656 : vector<16xf32> to vector<1x16xf32>
      tpu.vector_store %arg17[%swap3A_657, %swap3A_658], %swap3A_661 {strides = array<i32>} : memref<128x64xf32, #tpu.memory_space<vmem>>, vector<1x16xf32>,
      %get3A_662 = arith.index_cast %scan3A_618 : i32 to index
      %get3A_663 = arith.constant 32 : index
      %get3A_664 = tpu.vector_load %arg17[%get3A_662, %get3A_663] {strides = array<i32>} : memref<128x64xf32, #tpu.memory_space<vmem>>, vector<1x16xf32>,
      %get3A_665 = vector.shape_cast %get3A_664 : vector<1x16xf32> to vector<16xf32>
      %mul3A_666 = arith.mulf %gather3A_138, %get3A_665 : vector<16xf32>
      %get3A_667 = arith.index_cast %scan3A_618 : i32 to index
      %get3A_668 = arith.constant 32 : index
      %get3A_669 = tpu.vector_load %arg18[%get3A_667, %get3A_668] {strides = array<i32>} : memref<128x64xf32, #tpu.memory_space<vmem>>, vector<1x16xf32>,
      %get3A_670 = vector.shape_cast %get3A_669 : vector<1x16xf32> to vector<16xf32>
      %mul3A_671 = arith.mulf %gather3A_143, %get3A_670 : vector<16xf32>
      %add3A_672 = arith.addf %mul3A_666, %mul3A_671 : vector<16xf32>
      %get3A_673 = arith.index_cast %scan3A_618 : i32 to index
      %get3A_674 = arith.constant 32 : index
      %get3A_675 = tpu.vector_load %arg19[%get3A_673, %get3A_674] {strides = array<i32>} : memref<128x64xf32, #tpu.memory_space<vmem>>, vector<1x16xf32>,
      %get3A_676 = vector.shape_cast %get3A_675 : vector<1x16xf32> to vector<16xf32>
      %mul3A_677 = arith.mulf %gather3A_148, %get3A_676 : vector<16xf32>
      %add3A_678 = arith.addf %add3A_672, %mul3A_677 : vector<16xf32>
      %swap3A_679 = arith.index_cast %scan3A_618 : i32 to index
      %swap3A_680 = arith.constant 32 : index
      %swap3A_681 = tpu.vector_load %arg17[%swap3A_679, %swap3A_680] {strides = array<i32>} : memref<128x64xf32, #tpu.memory_space<vmem>>, vector<1x16xf32>,
      %swap3A_682 = vector.shape_cast %swap3A_681 : vector<1x16xf32> to vector<16xf32>
      %swap3A_683 = vector.shape_cast %add3A_678 : vector<16xf32> to vector<1x16xf32>
      tpu.vector_store %arg17[%swap3A_679, %swap3A_680], %swap3A_683 {strides = array<i32>} : memref<128x64xf32, #tpu.memory_space<vmem>>, vector<1x16xf32>,
      %get3A_684 = arith.index_cast %scan3A_618 : i32 to index
      %get3A_685 = arith.constant 48 : index
      %get3A_686 = tpu.vector_load %arg17[%get3A_684, %get3A_685] {strides = array<i32>} : memref<128x64xf32, #tpu.memory_space<vmem>>, vector<1x16xf32>,
      %get3A_687 = vector.shape_cast %get3A_686 : vector<1x16xf32> to vector<16xf32>
      %mul3A_688 = arith.mulf %gather3A_138, %get3A_687 : vector<16xf32>
      %get3A_689 = arith.index_cast %scan3A_618 : i32 to index
      %get3A_690 = arith.constant 48 : index
      %get3A_691 = tpu.vector_load %arg18[%get3A_689, %get3A_690] {strides = array<i32>} : memref<128x64xf32, #tpu.memory_space<vmem>>, vector<1x16xf32>,
      %get3A_692 = vector.shape_cast %get3A_691 : vector<1x16xf32> to vector<16xf32>
      %mul3A_693 = arith.mulf %gather3A_143, %get3A_692 : vector<16xf32>
      %add3A_694 = arith.addf %mul3A_688, %mul3A_693 : vector<16xf32>
      %get3A_695 = arith.index_cast %scan3A_618 : i32 to index
      %get3A_696 = arith.constant 48 : index
      %get3A_697 = tpu.vector_load %arg19[%get3A_695, %get3A_696] {strides = array<i32>} : memref<128x64xf32, #tpu.memory_space<vmem>>, vector<1x16xf32>,
      %get3A_698 = vector.shape_cast %get3A_697 : vector<1x16xf32> to vector<16xf32>
      %mul3A_699 = arith.mulf %gather3A_148, %get3A_698 : vector<16xf32>
      %add3A_700 = arith.addf %add3A_694, %mul3A_699 : vector<16xf32>
      %swap3A_701 = arith.index_cast %scan3A_618 : i32 to index
      %swap3A_702 = arith.constant 48 : index
      %swap3A_703 = tpu.vector_load %arg17[%swap3A_701, %swap3A_702] {strides = array<i32>} : memref<128x64xf32, #tpu.memory_space<vmem>>, vector<1x16xf32>,
      %swap3A_704 = vector.shape_cast %swap3A_703 : vector<1x16xf32> to vector<16xf32>
      %swap3A_705 = vector.shape_cast %add3A_700 : vector<16xf32> to vector<1x16xf32>
      tpu.vector_store %arg17[%swap3A_701, %swap3A_702], %swap3A_705 {strides = array<i32>} : memref<128x64xf32, #tpu.memory_space<vmem>>, vector<1x16xf32>,
    }
    %scan3A_454 = arith.constant 128 : i32
    %add3A_455 = arith.constant 0 : i32
    %add3A_456 = arith.addi %mul3A_2, %add3A_455 : i32
    %dma_start3A_457 = arith.constant 0 : i32
    %dma_start3A_458 = tpu.memref_slice %arg12[%add3A_456, %dma_start3A_457] : memref<16384x64xf32, #tpu.memory_space<hbm>> -> memref<128x64xf32, #tpu.memory_space<hbm>>
    %dma_start3A_459 = arith.constant 0 : i32
    %dma_start3A_460 = tpu.memref_slice %arg12[%add3A_456, %dma_start3A_459] : memref<16384x64xf32, #tpu.memory_space<hbm>> -> memref<128x64xf32, #tpu.memory_space<hbm>>
    tpu.enqueue_dma source(%arg17 : memref<128x64xf32, #tpu.memory_space<vmem>>) target(%dma_start3A_460 : memref<128x64xf32, #tpu.memory_space<hbm>>) target_semaphore(%arg26 : memref<!tpu.dma_semaphore, #tpu.memory_space<semaphore_mem>>)
    %dma_wait3A_461 = arith.constant 0 : i32
    %dma_wait3A_462 = tpu.memref_slice %arg12[%add3A_456, %dma_wait3A_461] : memref<16384x64xf32, #tpu.memory_space<hbm>> -> memref<128x64xf32, #tpu.memory_space<hbm>>
    %dma_wait3A_463 = arith.constant 0 : i32
    %dma_wait3A_464 = tpu.memref_slice %arg12[%add3A_456, %dma_wait3A_463] : memref<16384x64xf32, #tpu.memory_space<hbm>> -> memref<128x64xf32, #tpu.memory_space<hbm>>
    tpu.wait_dma2 semaphore(%arg26 : memref<!tpu.dma_semaphore, #tpu.memory_space<semaphore_mem>>) src(%arg17 : memref<128x64xf32, #tpu.memory_space<vmem>>) dst(%dma_wait3A_464 : memref<128x64xf32, #tpu.memory_space<hbm>>)
    %dma_start3A_465 = arith.constant 2 : i32
    %dma_start3A_466 = arith.constant 0 : i32
    %dma_start3A_467 = tpu.memref_slice %arg14[%dma_start3A_465, %dma_start3A_466] : memref<4x128xi32, #tpu.memory_space<vmem>> -> memref<1x128xi32, #tpu.memory_space<vmem>>
    %dma_start3A_468 = tpu.memref_squeeze %dma_start3A_467 : memref<1x128xi32, #tpu.memory_space<vmem>> -> memref<128xi32, #tpu.memory_space<vmem>>
    %dma_start3A_469 = arith.constant 0 : i32
    %dma_start3A_470 = arith.constant 0 : i32
    %dma_start3A_471 = tpu.memref_slice %arg5[%dma_start3A_469, %dma_start3A_470] : memref<50000x64xf32, #tpu.memory_space<hbm>> -> memref<50000x64xf32, #tpu.memory_space<hbm>>
    tpu.enqueue_indirect_dma source(%dma_start3A_471 : memref<50000x64xf32, #tpu.memory_space<hbm>>) target(%arg17 : memref<128x64xf32, #tpu.memory_space<vmem>>) offsets(%dma_start3A_468 : memref<128xi32, #tpu.memory_space<vmem>>) semaphore(%arg24 : memref<!tpu.dma_semaphore, #tpu.memory_space<semaphore_mem>>)
    %dma_start3A_472 = arith.constant 2 : i32
    %dma_start3A_473 = arith.constant 0 : i32
    %dma_start3A_474 = tpu.memref_slice %arg15[%dma_start3A_472, %dma_start3A_473] : memref<4x128xi32, #tpu.memory_space<vmem>> -> memref<1x128xi32, #tpu.memory_space<vmem>>
    %dma_start3A_475 = tpu.memref_squeeze %dma_start3A_474 : memref<1x128xi32, #tpu.memory_space<vmem>> -> memref<128xi32, #tpu.memory_space<vmem>>
    %dma_start3A_476 = arith.constant 0 : i32
    %dma_start3A_477 = arith.constant 0 : i32
    %dma_start3A_478 = tpu.memref_slice %arg6[%dma_start3A_476, %dma_start3A_477] : memref<10000x64xf32, #tpu.memory_space<hbm>> -> memref<10000x64xf32, #tpu.memory_space<hbm>>
    tpu.enqueue_indirect_dma source(%dma_start3A_478 : memref<10000x64xf32, #tpu.memory_space<hbm>>) target(%arg18 : memref<128x64xf32, #tpu.memory_space<vmem>>) offsets(%dma_start3A_475 : memref<128xi32, #tpu.memory_space<vmem>>) semaphore(%arg24 : memref<!tpu.dma_semaphore, #tpu.memory_space<semaphore_mem>>)
    %dma_start3A_479 = arith.constant 2 : i32
    %dma_start3A_480 = arith.constant 0 : i32
    %dma_start3A_481 = tpu.memref_slice %arg16[%dma_start3A_479, %dma_start3A_480] : memref<4x128xi32, #tpu.memory_space<vmem>> -> memref<1x128xi32, #tpu.memory_space<vmem>>
    %dma_start3A_482 = tpu.memref_squeeze %dma_start3A_481 : memref<1x128xi32, #tpu.memory_space<vmem>> -> memref<128xi32, #tpu.memory_space<vmem>>
    %dma_start3A_483 = arith.constant 0 : i32
    %dma_start3A_484 = arith.constant 0 : i32
    %dma_start3A_485 = tpu.memref_slice %arg7[%dma_start3A_483, %dma_start3A_484] : memref<1000x64xf32, #tpu.memory_space<hbm>> -> memref<1000x64xf32, #tpu.memory_space<hbm>>
    tpu.enqueue_indirect_dma source(%dma_start3A_485 : memref<1000x64xf32, #tpu.memory_space<hbm>>) target(%arg19 : memref<128x64xf32, #tpu.memory_space<vmem>>) offsets(%dma_start3A_482 : memref<128xi32, #tpu.memory_space<vmem>>) semaphore(%arg24 : memref<!tpu.dma_semaphore, #tpu.memory_space<semaphore_mem>>)
    %dma_wait3A_486 = arith.constant 1 : i32
    %dma_wait3A_487 = arith.constant 0 : i32
    %dma_wait3A_488 = tpu.memref_slice %arg14[%dma_wait3A_486, %dma_wait3A_487] : memref<4x128xi32, #tpu.memory_space<vmem>> -> memref<1x128xi32, #tpu.memory_space<vmem>>
    %dma_wait3A_489 = tpu.memref_squeeze %dma_wait3A_488 : memref<1x128xi32, #tpu.memory_space<vmem>> -> memref<128xi32, #tpu.memory_space<vmem>>
    %dma_wait3A_490 = arith.constant 0 : i32
    %dma_wait3A_491 = arith.constant 0 : i32
    %dma_wait3A_492 = tpu.memref_slice %arg5[%dma_wait3A_490, %dma_wait3A_491] : memref<50000x64xf32, #tpu.memory_space<hbm>> -> memref<50000x64xf32, #tpu.memory_space<hbm>>
    tpu.wait_indirect_dma semaphore(%arg25 : memref<!tpu.dma_semaphore, #tpu.memory_space<semaphore_mem>>) src(%dma_wait3A_492 : memref<50000x64xf32, #tpu.memory_space<hbm>>) dst(%arg20 : memref<128x64xf32, #tpu.memory_space<vmem>>)
    %dma_wait3A_493 = arith.constant 1 : i32
    %dma_wait3A_494 = arith.constant 0 : i32
    %dma_wait3A_495 = tpu.memref_slice %arg15[%dma_wait3A_493, %dma_wait3A_494] : memref<4x128xi32, #tpu.memory_space<vmem>> -> memref<1x128xi32, #tpu.memory_space<vmem>>
    %dma_wait3A_496 = tpu.memref_squeeze %dma_wait3A_495 : memref<1x128xi32, #tpu.memory_space<vmem>> -> memref<128xi32, #tpu.memory_space<vmem>>
    %dma_wait3A_497 = arith.constant 0 : i32
    %dma_wait3A_498 = arith.constant 0 : i32
    %dma_wait3A_499 = tpu.memref_slice %arg6[%dma_wait3A_497, %dma_wait3A_498] : memref<10000x64xf32, #tpu.memory_space<hbm>> -> memref<10000x64xf32, #tpu.memory_space<hbm>>
    tpu.wait_indirect_dma semaphore(%arg25 : memref<!tpu.dma_semaphore, #tpu.memory_space<semaphore_mem>>) src(%dma_wait3A_499 : memref<10000x64xf32, #tpu.memory_space<hbm>>) dst(%arg21 : memref<128x64xf32, #tpu.memory_space<vmem>>)
    %dma_wait3A_500 = arith.constant 1 : i32
    %dma_wait3A_501 = arith.constant 0 : i32
    %dma_wait3A_502 = tpu.memref_slice %arg16[%dma_wait3A_500, %dma_wait3A_501] : memref<4x128xi32, #tpu.memory_space<vmem>> -> memref<1x128xi32, #tpu.memory_space<vmem>>
    %dma_wait3A_503 = tpu.memref_squeeze %dma_wait3A_502 : memref<1x128xi32, #tpu.memory_space<vmem>> -> memref<128xi32, #tpu.memory_space<vmem>>
    %dma_wait3A_504 = arith.constant 0 : i32
    %dma_wait3A_505 = arith.constant 0 : i32
    %dma_wait3A_506 = tpu.memref_slice %arg7[%dma_wait3A_504, %dma_wait3A_505] : memref<1000x64xf32, #tpu.memory_space<hbm>> -> memref<1000x64xf32, #tpu.memory_space<hbm>>
    tpu.wait_indirect_dma semaphore(%arg25 : memref<!tpu.dma_semaphore, #tpu.memory_space<semaphore_mem>>) src(%dma_wait3A_506 : memref<1000x64xf32, #tpu.memory_space<hbm>>) dst(%arg22 : memref<128x64xf32, #tpu.memory_space<vmem>>)
    %scan3A_507 = arith.constant 0 : i32
    %scan3A_508 = arith.constant 0 : i32
    %scan3A_509 = arith.constant 128 : i32
    %scan3A_510 = arith.addi %scan3A_508, %scan3A_509 : i32
    %scan3A_511 = arith.constant 1 : i32
    scf.for %scan3A_618 = %scan3A_508 to %scan3A_510 step %scan3A_511  : i32 {
      %get3A_619 = arith.index_cast %scan3A_618 : i32 to index
      %get3A_620 = arith.constant 0 : index
      %get3A_621 = tpu.vector_load %arg20[%get3A_619, %get3A_620] {strides = array<i32>} : memref<128x64xf32, #tpu.memory_space<vmem>>, vector<1x16xf32>,
      %get3A_622 = vector.shape_cast %get3A_621 : vector<1x16xf32> to vector<16xf32>
      %mul3A_623 = arith.mulf %gather3A_138, %get3A_622 : vector<16xf32>
      %get3A_624 = arith.index_cast %scan3A_618 : i32 to index
      %get3A_625 = arith.constant 0 : index
      %get3A_626 = tpu.vector_load %arg21[%get3A_624, %get3A_625] {strides = array<i32>} : memref<128x64xf32, #tpu.memory_space<vmem>>, vector<1x16xf32>,
      %get3A_627 = vector.shape_cast %get3A_626 : vector<1x16xf32> to vector<16xf32>
      %mul3A_628 = arith.mulf %gather3A_143, %get3A_627 : vector<16xf32>
      %add3A_629 = arith.addf %mul3A_623, %mul3A_628 : vector<16xf32>
      %get3A_630 = arith.index_cast %scan3A_618 : i32 to index
      %get3A_631 = arith.constant 0 : index
      %get3A_632 = tpu.vector_load %arg22[%get3A_630, %get3A_631] {strides = array<i32>} : memref<128x64xf32, #tpu.memory_space<vmem>>, vector<1x16xf32>,
      %get3A_633 = vector.shape_cast %get3A_632 : vector<1x16xf32> to vector<16xf32>
      %mul3A_634 = arith.mulf %gather3A_148, %get3A_633 : vector<16xf32>
      %add3A_635 = arith.addf %add3A_629, %mul3A_634 : vector<16xf32>
      %swap3A = arith.index_cast %scan3A_618 : i32 to index
      %swap3A_636 = arith.constant 0 : index
      %swap3A_637 = tpu.vector_load %arg20[%swap3A, %swap3A_636] {strides = array<i32>} : memref<128x64xf32, #tpu.memory_space<vmem>>, vector<1x16xf32>,
      %swap3A_638 = vector.shape_cast %swap3A_637 : vector<1x16xf32> to vector<16xf32>
      %swap3A_639 = vector.shape_cast %add3A_635 : vector<16xf32> to vector<1x16xf32>
      tpu.vector_store %arg20[%swap3A, %swap3A_636], %swap3A_639 {strides = array<i32>} : memref<128x64xf32, #tpu.memory_space<vmem>>, vector<1x16xf32>,
      %get3A_640 = arith.index_cast %scan3A_618 : i32 to index
      %get3A_641 = arith.constant 16 : index
      %get3A_642 = tpu.vector_load %arg20[%get3A_640, %get3A_641] {strides = array<i32>} : memref<128x64xf32, #tpu.memory_space<vmem>>, vector<1x16xf32>,
      %get3A_643 = vector.shape_cast %get3A_642 : vector<1x16xf32> to vector<16xf32>
      %mul3A_644 = arith.mulf %gather3A_138, %get3A_643 : vector<16xf32>
      %get3A_645 = arith.index_cast %scan3A_618 : i32 to index
      %get3A_646 = arith.constant 16 : index
      %get3A_647 = tpu.vector_load %arg21[%get3A_645, %get3A_646] {strides = array<i32>} : memref<128x64xf32, #tpu.memory_space<vmem>>, vector<1x16xf32>,
      %get3A_648 = vector.shape_cast %get3A_647 : vector<1x16xf32> to vector<16xf32>
      %mul3A_649 = arith.mulf %gather3A_143, %get3A_648 : vector<16xf32>
      %add3A_650 = arith.addf %mul3A_644, %mul3A_649 : vector<16xf32>
      %get3A_651 = arith.index_cast %scan3A_618 : i32 to index
      %get3A_652 = arith.constant 16 : index
      %get3A_653 = tpu.vector_load %arg22[%get3A_651, %get3A_652] {strides = array<i32>} : memref<128x64xf32, #tpu.memory_space<vmem>>, vector<1x16xf32>,
      %get3A_654 = vector.shape_cast %get3A_653 : vector<1x16xf32> to vector<16xf32>
      %mul3A_655 = arith.mulf %gather3A_148, %get3A_654 : vector<16xf32>
      %add3A_656 = arith.addf %add3A_650, %mul3A_655 : vector<16xf32>
      %swap3A_657 = arith.index_cast %scan3A_618 : i32 to index
      %swap3A_658 = arith.constant 16 : index
      %swap3A_659 = tpu.vector_load %arg20[%swap3A_657, %swap3A_658] {strides = array<i32>} : memref<128x64xf32, #tpu.memory_space<vmem>>, vector<1x16xf32>,
      %swap3A_660 = vector.shape_cast %swap3A_659 : vector<1x16xf32> to vector<16xf32>
      %swap3A_661 = vector.shape_cast %add3A_656 : vector<16xf32> to vector<1x16xf32>
      tpu.vector_store %arg20[%swap3A_657, %swap3A_658], %swap3A_661 {strides = array<i32>} : memref<128x64xf32, #tpu.memory_space<vmem>>, vector<1x16xf32>,
      %get3A_662 = arith.index_cast %scan3A_618 : i32 to index
      %get3A_663 = arith.constant 32 : index
      %get3A_664 = tpu.vector_load %arg20[%get3A_662, %get3A_663] {strides = array<i32>} : memref<128x64xf32, #tpu.memory_space<vmem>>, vector<1x16xf32>,
      %get3A_665 = vector.shape_cast %get3A_664 : vector<1x16xf32> to vector<16xf32>
      %mul3A_666 = arith.mulf %gather3A_138, %get3A_665 : vector<16xf32>
      %get3A_667 = arith.index_cast %scan3A_618 : i32 to index
      %get3A_668 = arith.constant 32 : index
      %get3A_669 = tpu.vector_load %arg21[%get3A_667, %get3A_668] {strides = array<i32>} : memref<128x64xf32, #tpu.memory_space<vmem>>, vector<1x16xf32>,
      %get3A_670 = vector.shape_cast %get3A_669 : vector<1x16xf32> to vector<16xf32>
      %mul3A_671 = arith.mulf %gather3A_143, %get3A_670 : vector<16xf32>
      %add3A_672 = arith.addf %mul3A_666, %mul3A_671 : vector<16xf32>
      %get3A_673 = arith.index_cast %scan3A_618 : i32 to index
      %get3A_674 = arith.constant 32 : index
      %get3A_675 = tpu.vector_load %arg22[%get3A_673, %get3A_674] {strides = array<i32>} : memref<128x64xf32, #tpu.memory_space<vmem>>, vector<1x16xf32>,
      %get3A_676 = vector.shape_cast %get3A_675 : vector<1x16xf32> to vector<16xf32>
      %mul3A_677 = arith.mulf %gather3A_148, %get3A_676 : vector<16xf32>
      %add3A_678 = arith.addf %add3A_672, %mul3A_677 : vector<16xf32>
      %swap3A_679 = arith.index_cast %scan3A_618 : i32 to index
      %swap3A_680 = arith.constant 32 : index
      %swap3A_681 = tpu.vector_load %arg20[%swap3A_679, %swap3A_680] {strides = array<i32>} : memref<128x64xf32, #tpu.memory_space<vmem>>, vector<1x16xf32>,
      %swap3A_682 = vector.shape_cast %swap3A_681 : vector<1x16xf32> to vector<16xf32>
      %swap3A_683 = vector.shape_cast %add3A_678 : vector<16xf32> to vector<1x16xf32>
      tpu.vector_store %arg20[%swap3A_679, %swap3A_680], %swap3A_683 {strides = array<i32>} : memref<128x64xf32, #tpu.memory_space<vmem>>, vector<1x16xf32>,
      %get3A_684 = arith.index_cast %scan3A_618 : i32 to index
      %get3A_685 = arith.constant 48 : index
      %get3A_686 = tpu.vector_load %arg20[%get3A_684, %get3A_685] {strides = array<i32>} : memref<128x64xf32, #tpu.memory_space<vmem>>, vector<1x16xf32>,
      %get3A_687 = vector.shape_cast %get3A_686 : vector<1x16xf32> to vector<16xf32>
      %mul3A_688 = arith.mulf %gather3A_138, %get3A_687 : vector<16xf32>
      %get3A_689 = arith.index_cast %scan3A_618 : i32 to index
      %get3A_690 = arith.constant 48 : index
      %get3A_691 = tpu.vector_load %arg21[%get3A_689, %get3A_690] {strides = array<i32>} : memref<128x64xf32, #tpu.memory_space<vmem>>, vector<1x16xf32>,
      %get3A_692 = vector.shape_cast %get3A_691 : vector<1x16xf32> to vector<16xf32>
      %mul3A_693 = arith.mulf %gather3A_143, %get3A_692 : vector<16xf32>
      %add3A_694 = arith.addf %mul3A_688, %mul3A_693 : vector<16xf32>
      %get3A_695 = arith.index_cast %scan3A_618 : i32 to index
      %get3A_696 = arith.constant 48 : index
      %get3A_697 = tpu.vector_load %arg22[%get3A_695, %get3A_696] {strides = array<i32>} : memref<128x64xf32, #tpu.memory_space<vmem>>, vector<1x16xf32>,
      %get3A_698 = vector.shape_cast %get3A_697 : vector<1x16xf32> to vector<16xf32>
      %mul3A_699 = arith.mulf %gather3A_148, %get3A_698 : vector<16xf32>
      %add3A_700 = arith.addf %add3A_694, %mul3A_699 : vector<16xf32>
      %swap3A_701 = arith.index_cast %scan3A_618 : i32 to index
      %swap3A_702 = arith.constant 48 : index
      %swap3A_703 = tpu.vector_load %arg20[%swap3A_701, %swap3A_702] {strides = array<i32>} : memref<128x64xf32, #tpu.memory_space<vmem>>, vector<1x16xf32>,
      %swap3A_704 = vector.shape_cast %swap3A_703 : vector<1x16xf32> to vector<16xf32>
      %swap3A_705 = vector.shape_cast %add3A_700 : vector<16xf32> to vector<1x16xf32>
      tpu.vector_store %arg20[%swap3A_701, %swap3A_702], %swap3A_705 {strides = array<i32>} : memref<128x64xf32, #tpu.memory_space<vmem>>, vector<1x16xf32>,
    }
    %scan3A_512 = arith.constant 128 : i32
    %add3A_513 = arith.constant 128 : i32
    %add3A_514 = arith.addi %mul3A_2, %add3A_513 : i32
    %dma_start3A_515 = arith.constant 0 : i32
    %dma_start3A_516 = tpu.memref_slice %arg12[%add3A_514, %dma_start3A_515] : memref<16384x64xf32, #tpu.memory_space<hbm>> -> memref<128x64xf32, #tpu.memory_space<hbm>>
    %dma_start3A_517 = arith.constant 0 : i32
    %dma_start3A_518 = tpu.memref_slice %arg12[%add3A_514, %dma_start3A_517] : memref<16384x64xf32, #tpu.memory_space<hbm>> -> memref<128x64xf32, #tpu.memory_space<hbm>>
    tpu.enqueue_dma source(%arg20 : memref<128x64xf32, #tpu.memory_space<vmem>>) target(%dma_start3A_518 : memref<128x64xf32, #tpu.memory_space<hbm>>) target_semaphore(%arg27 : memref<!tpu.dma_semaphore, #tpu.memory_space<semaphore_mem>>)
    %dma_wait3A_519 = arith.constant 0 : i32
    %dma_wait3A_520 = tpu.memref_slice %arg12[%add3A_514, %dma_wait3A_519] : memref<16384x64xf32, #tpu.memory_space<hbm>> -> memref<128x64xf32, #tpu.memory_space<hbm>>
    %dma_wait3A_521 = arith.constant 0 : i32
    %dma_wait3A_522 = tpu.memref_slice %arg12[%add3A_514, %dma_wait3A_521] : memref<16384x64xf32, #tpu.memory_space<hbm>> -> memref<128x64xf32, #tpu.memory_space<hbm>>
    tpu.wait_dma2 semaphore(%arg27 : memref<!tpu.dma_semaphore, #tpu.memory_space<semaphore_mem>>) src(%arg20 : memref<128x64xf32, #tpu.memory_space<vmem>>) dst(%dma_wait3A_522 : memref<128x64xf32, #tpu.memory_space<hbm>>)
    %dma_start3A_523 = arith.constant 3 : i32
    %dma_start3A_524 = arith.constant 0 : i32
    %dma_start3A_525 = tpu.memref_slice %arg14[%dma_start3A_523, %dma_start3A_524] : memref<4x128xi32, #tpu.memory_space<vmem>> -> memref<1x128xi32, #tpu.memory_space<vmem>>
    %dma_start3A_526 = tpu.memref_squeeze %dma_start3A_525 : memref<1x128xi32, #tpu.memory_space<vmem>> -> memref<128xi32, #tpu.memory_space<vmem>>
    %dma_start3A_527 = arith.constant 0 : i32
    %dma_start3A_528 = arith.constant 0 : i32
    %dma_start3A_529 = tpu.memref_slice %arg5[%dma_start3A_527, %dma_start3A_528] : memref<50000x64xf32, #tpu.memory_space<hbm>> -> memref<50000x64xf32, #tpu.memory_space<hbm>>
    tpu.enqueue_indirect_dma source(%dma_start3A_529 : memref<50000x64xf32, #tpu.memory_space<hbm>>) target(%arg20 : memref<128x64xf32, #tpu.memory_space<vmem>>) offsets(%dma_start3A_526 : memref<128xi32, #tpu.memory_space<vmem>>) semaphore(%arg25 : memref<!tpu.dma_semaphore, #tpu.memory_space<semaphore_mem>>)
    %dma_start3A_530 = arith.constant 3 : i32
    %dma_start3A_531 = arith.constant 0 : i32
    %dma_start3A_532 = tpu.memref_slice %arg15[%dma_start3A_530, %dma_start3A_531] : memref<4x128xi32, #tpu.memory_space<vmem>> -> memref<1x128xi32, #tpu.memory_space<vmem>>
    %dma_start3A_533 = tpu.memref_squeeze %dma_start3A_532 : memref<1x128xi32, #tpu.memory_space<vmem>> -> memref<128xi32, #tpu.memory_space<vmem>>
    %dma_start3A_534 = arith.constant 0 : i32
    %dma_start3A_535 = arith.constant 0 : i32
    %dma_start3A_536 = tpu.memref_slice %arg6[%dma_start3A_534, %dma_start3A_535] : memref<10000x64xf32, #tpu.memory_space<hbm>> -> memref<10000x64xf32, #tpu.memory_space<hbm>>
    tpu.enqueue_indirect_dma source(%dma_start3A_536 : memref<10000x64xf32, #tpu.memory_space<hbm>>) target(%arg21 : memref<128x64xf32, #tpu.memory_space<vmem>>) offsets(%dma_start3A_533 : memref<128xi32, #tpu.memory_space<vmem>>) semaphore(%arg25 : memref<!tpu.dma_semaphore, #tpu.memory_space<semaphore_mem>>)
    %dma_start3A_537 = arith.constant 3 : i32
    %dma_start3A_538 = arith.constant 0 : i32
    %dma_start3A_539 = tpu.memref_slice %arg16[%dma_start3A_537, %dma_start3A_538] : memref<4x128xi32, #tpu.memory_space<vmem>> -> memref<1x128xi32, #tpu.memory_space<vmem>>
    %dma_start3A_540 = tpu.memref_squeeze %dma_start3A_539 : memref<1x128xi32, #tpu.memory_space<vmem>> -> memref<128xi32, #tpu.memory_space<vmem>>
    %dma_start3A_541 = arith.constant 0 : i32
    %dma_start3A_542 = arith.constant 0 : i32
    %dma_start3A_543 = tpu.memref_slice %arg7[%dma_start3A_541, %dma_start3A_542] : memref<1000x64xf32, #tpu.memory_space<hbm>> -> memref<1000x64xf32, #tpu.memory_space<hbm>>
    tpu.enqueue_indirect_dma source(%dma_start3A_543 : memref<1000x64xf32, #tpu.memory_space<hbm>>) target(%arg22 : memref<128x64xf32, #tpu.memory_space<vmem>>) offsets(%dma_start3A_540 : memref<128xi32, #tpu.memory_space<vmem>>) semaphore(%arg25 : memref<!tpu.dma_semaphore, #tpu.memory_space<semaphore_mem>>)
    %dma_wait3A_544 = arith.constant 2 : i32
    %dma_wait3A_545 = arith.constant 0 : i32
    %dma_wait3A_546 = tpu.memref_slice %arg14[%dma_wait3A_544, %dma_wait3A_545] : memref<4x128xi32, #tpu.memory_space<vmem>> -> memref<1x128xi32, #tpu.memory_space<vmem>>
    %dma_wait3A_547 = tpu.memref_squeeze %dma_wait3A_546 : memref<1x128xi32, #tpu.memory_space<vmem>> -> memref<128xi32, #tpu.memory_space<vmem>>
    %dma_wait3A_548 = arith.constant 0 : i32
    %dma_wait3A_549 = arith.constant 0 : i32
    %dma_wait3A_550 = tpu.memref_slice %arg5[%dma_wait3A_548, %dma_wait3A_549] : memref<50000x64xf32, #tpu.memory_space<hbm>> -> memref<50000x64xf32, #tpu.memory_space<hbm>>
    tpu.wait_indirect_dma semaphore(%arg24 : memref<!tpu.dma_semaphore, #tpu.memory_space<semaphore_mem>>) src(%dma_wait3A_550 : memref<50000x64xf32, #tpu.memory_space<hbm>>) dst(%arg17 : memref<128x64xf32, #tpu.memory_space<vmem>>)
    %dma_wait3A_551 = arith.constant 2 : i32
    %dma_wait3A_552 = arith.constant 0 : i32
    %dma_wait3A_553 = tpu.memref_slice %arg15[%dma_wait3A_551, %dma_wait3A_552] : memref<4x128xi32, #tpu.memory_space<vmem>> -> memref<1x128xi32, #tpu.memory_space<vmem>>
    %dma_wait3A_554 = tpu.memref_squeeze %dma_wait3A_553 : memref<1x128xi32, #tpu.memory_space<vmem>> -> memref<128xi32, #tpu.memory_space<vmem>>
    %dma_wait3A_555 = arith.constant 0 : i32
    %dma_wait3A_556 = arith.constant 0 : i32
    %dma_wait3A_557 = tpu.memref_slice %arg6[%dma_wait3A_555, %dma_wait3A_556] : memref<10000x64xf32, #tpu.memory_space<hbm>> -> memref<10000x64xf32, #tpu.memory_space<hbm>>
    tpu.wait_indirect_dma semaphore(%arg24 : memref<!tpu.dma_semaphore, #tpu.memory_space<semaphore_mem>>) src(%dma_wait3A_557 : memref<10000x64xf32, #tpu.memory_space<hbm>>) dst(%arg18 : memref<128x64xf32, #tpu.memory_space<vmem>>)
    %dma_wait3A_558 = arith.constant 2 : i32
    %dma_wait3A_559 = arith.constant 0 : i32
    %dma_wait3A_560 = tpu.memref_slice %arg16[%dma_wait3A_558, %dma_wait3A_559] : memref<4x128xi32, #tpu.memory_space<vmem>> -> memref<1x128xi32, #tpu.memory_space<vmem>>
    %dma_wait3A_561 = tpu.memref_squeeze %dma_wait3A_560 : memref<1x128xi32, #tpu.memory_space<vmem>> -> memref<128xi32, #tpu.memory_space<vmem>>
    %dma_wait3A_562 = arith.constant 0 : i32
    %dma_wait3A_563 = arith.constant 0 : i32
    %dma_wait3A_564 = tpu.memref_slice %arg7[%dma_wait3A_562, %dma_wait3A_563] : memref<1000x64xf32, #tpu.memory_space<hbm>> -> memref<1000x64xf32, #tpu.memory_space<hbm>>
    tpu.wait_indirect_dma semaphore(%arg24 : memref<!tpu.dma_semaphore, #tpu.memory_space<semaphore_mem>>) src(%dma_wait3A_564 : memref<1000x64xf32, #tpu.memory_space<hbm>>) dst(%arg19 : memref<128x64xf32, #tpu.memory_space<vmem>>)
    %scan3A_565 = arith.constant 0 : i32
    %scan3A_566 = arith.constant 0 : i32
    %scan3A_567 = arith.constant 128 : i32
    %scan3A_568 = arith.addi %scan3A_566, %scan3A_567 : i32
    %scan3A_569 = arith.constant 1 : i32
    scf.for %scan3A_618 = %scan3A_566 to %scan3A_568 step %scan3A_569  : i32 {
      %get3A_619 = arith.index_cast %scan3A_618 : i32 to index
      %get3A_620 = arith.constant 0 : index
      %get3A_621 = tpu.vector_load %arg17[%get3A_619, %get3A_620] {strides = array<i32>} : memref<128x64xf32, #tpu.memory_space<vmem>>, vector<1x16xf32>,
      %get3A_622 = vector.shape_cast %get3A_621 : vector<1x16xf32> to vector<16xf32>
      %mul3A_623 = arith.mulf %gather3A_138, %get3A_622 : vector<16xf32>
      %get3A_624 = arith.index_cast %scan3A_618 : i32 to index
      %get3A_625 = arith.constant 0 : index
      %get3A_626 = tpu.vector_load %arg18[%get3A_624, %get3A_625] {strides = array<i32>} : memref<128x64xf32, #tpu.memory_space<vmem>>, vector<1x16xf32>,
      %get3A_627 = vector.shape_cast %get3A_626 : vector<1x16xf32> to vector<16xf32>
      %mul3A_628 = arith.mulf %gather3A_143, %get3A_627 : vector<16xf32>
      %add3A_629 = arith.addf %mul3A_623, %mul3A_628 : vector<16xf32>
      %get3A_630 = arith.index_cast %scan3A_618 : i32 to index
      %get3A_631 = arith.constant 0 : index
      %get3A_632 = tpu.vector_load %arg19[%get3A_630, %get3A_631] {strides = array<i32>} : memref<128x64xf32, #tpu.memory_space<vmem>>, vector<1x16xf32>,
      %get3A_633 = vector.shape_cast %get3A_632 : vector<1x16xf32> to vector<16xf32>
      %mul3A_634 = arith.mulf %gather3A_148, %get3A_633 : vector<16xf32>
      %add3A_635 = arith.addf %add3A_629, %mul3A_634 : vector<16xf32>
      %swap3A = arith.index_cast %scan3A_618 : i32 to index
      %swap3A_636 = arith.constant 0 : index
      %swap3A_637 = tpu.vector_load %arg17[%swap3A, %swap3A_636] {strides = array<i32>} : memref<128x64xf32, #tpu.memory_space<vmem>>, vector<1x16xf32>,
      %swap3A_638 = vector.shape_cast %swap3A_637 : vector<1x16xf32> to vector<16xf32>
      %swap3A_639 = vector.shape_cast %add3A_635 : vector<16xf32> to vector<1x16xf32>
      tpu.vector_store %arg17[%swap3A, %swap3A_636], %swap3A_639 {strides = array<i32>} : memref<128x64xf32, #tpu.memory_space<vmem>>, vector<1x16xf32>,
      %get3A_640 = arith.index_cast %scan3A_618 : i32 to index
      %get3A_641 = arith.constant 16 : index
      %get3A_642 = tpu.vector_load %arg17[%get3A_640, %get3A_641] {strides = array<i32>} : memref<128x64xf32, #tpu.memory_space<vmem>>, vector<1x16xf32>,
      %get3A_643 = vector.shape_cast %get3A_642 : vector<1x16xf32> to vector<16xf32>
      %mul3A_644 = arith.mulf %gather3A_138, %get3A_643 : vector<16xf32>
      %get3A_645 = arith.index_cast %scan3A_618 : i32 to index
      %get3A_646 = arith.constant 16 : index
      %get3A_647 = tpu.vector_load %arg18[%get3A_645, %get3A_646] {strides = array<i32>} : memref<128x64xf32, #tpu.memory_space<vmem>>, vector<1x16xf32>,
      %get3A_648 = vector.shape_cast %get3A_647 : vector<1x16xf32> to vector<16xf32>
      %mul3A_649 = arith.mulf %gather3A_143, %get3A_648 : vector<16xf32>
      %add3A_650 = arith.addf %mul3A_644, %mul3A_649 : vector<16xf32>
      %get3A_651 = arith.index_cast %scan3A_618 : i32 to index
      %get3A_652 = arith.constant 16 : index
      %get3A_653 = tpu.vector_load %arg19[%get3A_651, %get3A_652] {strides = array<i32>} : memref<128x64xf32, #tpu.memory_space<vmem>>, vector<1x16xf32>,
      %get3A_654 = vector.shape_cast %get3A_653 : vector<1x16xf32> to vector<16xf32>
      %mul3A_655 = arith.mulf %gather3A_148, %get3A_654 : vector<16xf32>
      %add3A_656 = arith.addf %add3A_650, %mul3A_655 : vector<16xf32>
      %swap3A_657 = arith.index_cast %scan3A_618 : i32 to index
      %swap3A_658 = arith.constant 16 : index
      %swap3A_659 = tpu.vector_load %arg17[%swap3A_657, %swap3A_658] {strides = array<i32>} : memref<128x64xf32, #tpu.memory_space<vmem>>, vector<1x16xf32>,
      %swap3A_660 = vector.shape_cast %swap3A_659 : vector<1x16xf32> to vector<16xf32>
      %swap3A_661 = vector.shape_cast %add3A_656 : vector<16xf32> to vector<1x16xf32>
      tpu.vector_store %arg17[%swap3A_657, %swap3A_658], %swap3A_661 {strides = array<i32>} : memref<128x64xf32, #tpu.memory_space<vmem>>, vector<1x16xf32>,
      %get3A_662 = arith.index_cast %scan3A_618 : i32 to index
      %get3A_663 = arith.constant 32 : index
      %get3A_664 = tpu.vector_load %arg17[%get3A_662, %get3A_663] {strides = array<i32>} : memref<128x64xf32, #tpu.memory_space<vmem>>, vector<1x16xf32>,
      %get3A_665 = vector.shape_cast %get3A_664 : vector<1x16xf32> to vector<16xf32>
      %mul3A_666 = arith.mulf %gather3A_138, %get3A_665 : vector<16xf32>
      %get3A_667 = arith.index_cast %scan3A_618 : i32 to index
      %get3A_668 = arith.constant 32 : index
      %get3A_669 = tpu.vector_load %arg18[%get3A_667, %get3A_668] {strides = array<i32>} : memref<128x64xf32, #tpu.memory_space<vmem>>, vector<1x16xf32>,
      %get3A_670 = vector.shape_cast %get3A_669 : vector<1x16xf32> to vector<16xf32>
      %mul3A_671 = arith.mulf %gather3A_143, %get3A_670 : vector<16xf32>
      %add3A_672 = arith.addf %mul3A_666, %mul3A_671 : vector<16xf32>
      %get3A_673 = arith.index_cast %scan3A_618 : i32 to index
      %get3A_674 = arith.constant 32 : index
      %get3A_675 = tpu.vector_load %arg19[%get3A_673, %get3A_674] {strides = array<i32>} : memref<128x64xf32, #tpu.memory_space<vmem>>, vector<1x16xf32>,
      %get3A_676 = vector.shape_cast %get3A_675 : vector<1x16xf32> to vector<16xf32>
      %mul3A_677 = arith.mulf %gather3A_148, %get3A_676 : vector<16xf32>
      %add3A_678 = arith.addf %add3A_672, %mul3A_677 : vector<16xf32>
      %swap3A_679 = arith.index_cast %scan3A_618 : i32 to index
      %swap3A_680 = arith.constant 32 : index
      %swap3A_681 = tpu.vector_load %arg17[%swap3A_679, %swap3A_680] {strides = array<i32>} : memref<128x64xf32, #tpu.memory_space<vmem>>, vector<1x16xf32>,
      %swap3A_682 = vector.shape_cast %swap3A_681 : vector<1x16xf32> to vector<16xf32>
      %swap3A_683 = vector.shape_cast %add3A_678 : vector<16xf32> to vector<1x16xf32>
      tpu.vector_store %arg17[%swap3A_679, %swap3A_680], %swap3A_683 {strides = array<i32>} : memref<128x64xf32, #tpu.memory_space<vmem>>, vector<1x16xf32>,
      %get3A_684 = arith.index_cast %scan3A_618 : i32 to index
      %get3A_685 = arith.constant 48 : index
      %get3A_686 = tpu.vector_load %arg17[%get3A_684, %get3A_685] {strides = array<i32>} : memref<128x64xf32, #tpu.memory_space<vmem>>, vector<1x16xf32>,
      %get3A_687 = vector.shape_cast %get3A_686 : vector<1x16xf32> to vector<16xf32>
      %mul3A_688 = arith.mulf %gather3A_138, %get3A_687 : vector<16xf32>
      %get3A_689 = arith.index_cast %scan3A_618 : i32 to index
      %get3A_690 = arith.constant 48 : index
      %get3A_691 = tpu.vector_load %arg18[%get3A_689, %get3A_690] {strides = array<i32>} : memref<128x64xf32, #tpu.memory_space<vmem>>, vector<1x16xf32>,
      %get3A_692 = vector.shape_cast %get3A_691 : vector<1x16xf32> to vector<16xf32>
      %mul3A_693 = arith.mulf %gather3A_143, %get3A_692 : vector<16xf32>
      %add3A_694 = arith.addf %mul3A_688, %mul3A_693 : vector<16xf32>
      %get3A_695 = arith.index_cast %scan3A_618 : i32 to index
      %get3A_696 = arith.constant 48 : index
      %get3A_697 = tpu.vector_load %arg19[%get3A_695, %get3A_696] {strides = array<i32>} : memref<128x64xf32, #tpu.memory_space<vmem>>, vector<1x16xf32>,
      %get3A_698 = vector.shape_cast %get3A_697 : vector<1x16xf32> to vector<16xf32>
      %mul3A_699 = arith.mulf %gather3A_148, %get3A_698 : vector<16xf32>
      %add3A_700 = arith.addf %add3A_694, %mul3A_699 : vector<16xf32>
      %swap3A_701 = arith.index_cast %scan3A_618 : i32 to index
      %swap3A_702 = arith.constant 48 : index
      %swap3A_703 = tpu.vector_load %arg17[%swap3A_701, %swap3A_702] {strides = array<i32>} : memref<128x64xf32, #tpu.memory_space<vmem>>, vector<1x16xf32>,
      %swap3A_704 = vector.shape_cast %swap3A_703 : vector<1x16xf32> to vector<16xf32>
      %swap3A_705 = vector.shape_cast %add3A_700 : vector<16xf32> to vector<1x16xf32>
      tpu.vector_store %arg17[%swap3A_701, %swap3A_702], %swap3A_705 {strides = array<i32>} : memref<128x64xf32, #tpu.memory_space<vmem>>, vector<1x16xf32>,
    }
    %scan3A_570 = arith.constant 128 : i32
    %add3A_571 = arith.constant 256 : i32
    %add3A_572 = arith.addi %mul3A_2, %add3A_571 : i32
    %dma_start3A_573 = arith.constant 0 : i32
    %dma_start3A_574 = tpu.memref_slice %arg12[%add3A_572, %dma_start3A_573] : memref<16384x64xf32, #tpu.memory_space<hbm>> -> memref<128x64xf32, #tpu.memory_space<hbm>>
    %dma_start3A_575 = arith.constant 0 : i32
    %dma_start3A_576 = tpu.memref_slice %arg12[%add3A_572, %dma_start3A_575] : memref<16384x64xf32, #tpu.memory_space<hbm>> -> memref<128x64xf32, #tpu.memory_space<hbm>>
    tpu.enqueue_dma source(%arg17 : memref<128x64xf32, #tpu.memory_space<vmem>>) target(%dma_start3A_576 : memref<128x64xf32, #tpu.memory_space<hbm>>) target_semaphore(%arg26 : memref<!tpu.dma_semaphore, #tpu.memory_space<semaphore_mem>>)
    %dma_wait3A_577 = arith.constant 3 : i32
    %dma_wait3A_578 = arith.constant 0 : i32
    %dma_wait3A_579 = tpu.memref_slice %arg14[%dma_wait3A_577, %dma_wait3A_578] : memref<4x128xi32, #tpu.memory_space<vmem>> -> memref<1x128xi32, #tpu.memory_space<vmem>>
    %dma_wait3A_580 = tpu.memref_squeeze %dma_wait3A_579 : memref<1x128xi32, #tpu.memory_space<vmem>> -> memref<128xi32, #tpu.memory_space<vmem>>
    %dma_wait3A_581 = arith.constant 0 : i32
    %dma_wait3A_582 = arith.constant 0 : i32
    %dma_wait3A_583 = tpu.memref_slice %arg5[%dma_wait3A_581, %dma_wait3A_582] : memref<50000x64xf32, #tpu.memory_space<hbm>> -> memref<50000x64xf32, #tpu.memory_space<hbm>>
    tpu.wait_indirect_dma semaphore(%arg25 : memref<!tpu.dma_semaphore, #tpu.memory_space<semaphore_mem>>) src(%dma_wait3A_583 : memref<50000x64xf32, #tpu.memory_space<hbm>>) dst(%arg20 : memref<128x64xf32, #tpu.memory_space<vmem>>)
    %dma_wait3A_584 = arith.constant 3 : i32
    %dma_wait3A_585 = arith.constant 0 : i32
    %dma_wait3A_586 = tpu.memref_slice %arg15[%dma_wait3A_584, %dma_wait3A_585] : memref<4x128xi32, #tpu.memory_space<vmem>> -> memref<1x128xi32, #tpu.memory_space<vmem>>
    %dma_wait3A_587 = tpu.memref_squeeze %dma_wait3A_586 : memref<1x128xi32, #tpu.memory_space<vmem>> -> memref<128xi32, #tpu.memory_space<vmem>>
    %dma_wait3A_588 = arith.constant 0 : i32
    %dma_wait3A_589 = arith.constant 0 : i32
    %dma_wait3A_590 = tpu.memref_slice %arg6[%dma_wait3A_588, %dma_wait3A_589] : memref<10000x64xf32, #tpu.memory_space<hbm>> -> memref<10000x64xf32, #tpu.memory_space<hbm>>
    tpu.wait_indirect_dma semaphore(%arg25 : memref<!tpu.dma_semaphore, #tpu.memory_space<semaphore_mem>>) src(%dma_wait3A_590 : memref<10000x64xf32, #tpu.memory_space<hbm>>) dst(%arg21 : memref<128x64xf32, #tpu.memory_space<vmem>>)
    %dma_wait3A_591 = arith.constant 3 : i32
    %dma_wait3A_592 = arith.constant 0 : i32
    %dma_wait3A_593 = tpu.memref_slice %arg16[%dma_wait3A_591, %dma_wait3A_592] : memref<4x128xi32, #tpu.memory_space<vmem>> -> memref<1x128xi32, #tpu.memory_space<vmem>>
    %dma_wait3A_594 = tpu.memref_squeeze %dma_wait3A_593 : memref<1x128xi32, #tpu.memory_space<vmem>> -> memref<128xi32, #tpu.memory_space<vmem>>
    %dma_wait3A_595 = arith.constant 0 : i32
    %dma_wait3A_596 = arith.constant 0 : i32
    %dma_wait3A_597 = tpu.memref_slice %arg7[%dma_wait3A_595, %dma_wait3A_596] : memref<1000x64xf32, #tpu.memory_space<hbm>> -> memref<1000x64xf32, #tpu.memory_space<hbm>>
    tpu.wait_indirect_dma semaphore(%arg25 : memref<!tpu.dma_semaphore, #tpu.memory_space<semaphore_mem>>) src(%dma_wait3A_597 : memref<1000x64xf32, #tpu.memory_space<hbm>>) dst(%arg22 : memref<128x64xf32, #tpu.memory_space<vmem>>)
    %scan3A_598 = arith.constant 0 : i32
    %scan3A_599 = arith.constant 0 : i32
    %scan3A_600 = arith.constant 128 : i32
    %scan3A_601 = arith.addi %scan3A_599, %scan3A_600 : i32
    %scan3A_602 = arith.constant 1 : i32
    scf.for %scan3A_618 = %scan3A_599 to %scan3A_601 step %scan3A_602  : i32 {
      %get3A_619 = arith.index_cast %scan3A_618 : i32 to index
      %get3A_620 = arith.constant 0 : index
      %get3A_621 = tpu.vector_load %arg20[%get3A_619, %get3A_620] {strides = array<i32>} : memref<128x64xf32, #tpu.memory_space<vmem>>, vector<1x16xf32>,
      %get3A_622 = vector.shape_cast %get3A_621 : vector<1x16xf32> to vector<16xf32>
      %mul3A_623 = arith.mulf %gather3A_138, %get3A_622 : vector<16xf32>
      %get3A_624 = arith.index_cast %scan3A_618 : i32 to index
      %get3A_625 = arith.constant 0 : index
      %get3A_626 = tpu.vector_load %arg21[%get3A_624, %get3A_625] {strides = array<i32>} : memref<128x64xf32, #tpu.memory_space<vmem>>, vector<1x16xf32>,
      %get3A_627 = vector.shape_cast %get3A_626 : vector<1x16xf32> to vector<16xf32>
      %mul3A_628 = arith.mulf %gather3A_143, %get3A_627 : vector<16xf32>
      %add3A_629 = arith.addf %mul3A_623, %mul3A_628 : vector<16xf32>
      %get3A_630 = arith.index_cast %scan3A_618 : i32 to index
      %get3A_631 = arith.constant 0 : index
      %get3A_632 = tpu.vector_load %arg22[%get3A_630, %get3A_631] {strides = array<i32>} : memref<128x64xf32, #tpu.memory_space<vmem>>, vector<1x16xf32>,
      %get3A_633 = vector.shape_cast %get3A_632 : vector<1x16xf32> to vector<16xf32>
      %mul3A_634 = arith.mulf %gather3A_148, %get3A_633 : vector<16xf32>
      %add3A_635 = arith.addf %add3A_629, %mul3A_634 : vector<16xf32>
      %swap3A = arith.index_cast %scan3A_618 : i32 to index
      %swap3A_636 = arith.constant 0 : index
      %swap3A_637 = tpu.vector_load %arg20[%swap3A, %swap3A_636] {strides = array<i32>} : memref<128x64xf32, #tpu.memory_space<vmem>>, vector<1x16xf32>,
      %swap3A_638 = vector.shape_cast %swap3A_637 : vector<1x16xf32> to vector<16xf32>
      %swap3A_639 = vector.shape_cast %add3A_635 : vector<16xf32> to vector<1x16xf32>
      tpu.vector_store %arg20[%swap3A, %swap3A_636], %swap3A_639 {strides = array<i32>} : memref<128x64xf32, #tpu.memory_space<vmem>>, vector<1x16xf32>,
      %get3A_640 = arith.index_cast %scan3A_618 : i32 to index
      %get3A_641 = arith.constant 16 : index
      %get3A_642 = tpu.vector_load %arg20[%get3A_640, %get3A_641] {strides = array<i32>} : memref<128x64xf32, #tpu.memory_space<vmem>>, vector<1x16xf32>,
      %get3A_643 = vector.shape_cast %get3A_642 : vector<1x16xf32> to vector<16xf32>
      %mul3A_644 = arith.mulf %gather3A_138, %get3A_643 : vector<16xf32>
      %get3A_645 = arith.index_cast %scan3A_618 : i32 to index
      %get3A_646 = arith.constant 16 : index
      %get3A_647 = tpu.vector_load %arg21[%get3A_645, %get3A_646] {strides = array<i32>} : memref<128x64xf32, #tpu.memory_space<vmem>>, vector<1x16xf32>,
      %get3A_648 = vector.shape_cast %get3A_647 : vector<1x16xf32> to vector<16xf32>
      %mul3A_649 = arith.mulf %gather3A_143, %get3A_648 : vector<16xf32>
      %add3A_650 = arith.addf %mul3A_644, %mul3A_649 : vector<16xf32>
      %get3A_651 = arith.index_cast %scan3A_618 : i32 to index
      %get3A_652 = arith.constant 16 : index
      %get3A_653 = tpu.vector_load %arg22[%get3A_651, %get3A_652] {strides = array<i32>} : memref<128x64xf32, #tpu.memory_space<vmem>>, vector<1x16xf32>,
      %get3A_654 = vector.shape_cast %get3A_653 : vector<1x16xf32> to vector<16xf32>
      %mul3A_655 = arith.mulf %gather3A_148, %get3A_654 : vector<16xf32>
      %add3A_656 = arith.addf %add3A_650, %mul3A_655 : vector<16xf32>
      %swap3A_657 = arith.index_cast %scan3A_618 : i32 to index
      %swap3A_658 = arith.constant 16 : index
      %swap3A_659 = tpu.vector_load %arg20[%swap3A_657, %swap3A_658] {strides = array<i32>} : memref<128x64xf32, #tpu.memory_space<vmem>>, vector<1x16xf32>,
      %swap3A_660 = vector.shape_cast %swap3A_659 : vector<1x16xf32> to vector<16xf32>
      %swap3A_661 = vector.shape_cast %add3A_656 : vector<16xf32> to vector<1x16xf32>
      tpu.vector_store %arg20[%swap3A_657, %swap3A_658], %swap3A_661 {strides = array<i32>} : memref<128x64xf32, #tpu.memory_space<vmem>>, vector<1x16xf32>,
      %get3A_662 = arith.index_cast %scan3A_618 : i32 to index
      %get3A_663 = arith.constant 32 : index
      %get3A_664 = tpu.vector_load %arg20[%get3A_662, %get3A_663] {strides = array<i32>} : memref<128x64xf32, #tpu.memory_space<vmem>>, vector<1x16xf32>,
      %get3A_665 = vector.shape_cast %get3A_664 : vector<1x16xf32> to vector<16xf32>
      %mul3A_666 = arith.mulf %gather3A_138, %get3A_665 : vector<16xf32>
      %get3A_667 = arith.index_cast %scan3A_618 : i32 to index
      %get3A_668 = arith.constant 32 : index
      %get3A_669 = tpu.vector_load %arg21[%get3A_667, %get3A_668] {strides = array<i32>} : memref<128x64xf32, #tpu.memory_space<vmem>>, vector<1x16xf32>,
      %get3A_670 = vector.shape_cast %get3A_669 : vector<1x16xf32> to vector<16xf32>
      %mul3A_671 = arith.mulf %gather3A_143, %get3A_670 : vector<16xf32>
      %add3A_672 = arith.addf %mul3A_666, %mul3A_671 : vector<16xf32>
      %get3A_673 = arith.index_cast %scan3A_618 : i32 to index
      %get3A_674 = arith.constant 32 : index
      %get3A_675 = tpu.vector_load %arg22[%get3A_673, %get3A_674] {strides = array<i32>} : memref<128x64xf32, #tpu.memory_space<vmem>>, vector<1x16xf32>,
      %get3A_676 = vector.shape_cast %get3A_675 : vector<1x16xf32> to vector<16xf32>
      %mul3A_677 = arith.mulf %gather3A_148, %get3A_676 : vector<16xf32>
      %add3A_678 = arith.addf %add3A_672, %mul3A_677 : vector<16xf32>
      %swap3A_679 = arith.index_cast %scan3A_618 : i32 to index
      %swap3A_680 = arith.constant 32 : index
      %swap3A_681 = tpu.vector_load %arg20[%swap3A_679, %swap3A_680] {strides = array<i32>} : memref<128x64xf32, #tpu.memory_space<vmem>>, vector<1x16xf32>,
      %swap3A_682 = vector.shape_cast %swap3A_681 : vector<1x16xf32> to vector<16xf32>
      %swap3A_683 = vector.shape_cast %add3A_678 : vector<16xf32> to vector<1x16xf32>
      tpu.vector_store %arg20[%swap3A_679, %swap3A_680], %swap3A_683 {strides = array<i32>} : memref<128x64xf32, #tpu.memory_space<vmem>>, vector<1x16xf32>,
      %get3A_684 = arith.index_cast %scan3A_618 : i32 to index
      %get3A_685 = arith.constant 48 : index
      %get3A_686 = tpu.vector_load %arg20[%get3A_684, %get3A_685] {strides = array<i32>} : memref<128x64xf32, #tpu.memory_space<vmem>>, vector<1x16xf32>,
      %get3A_687 = vector.shape_cast %get3A_686 : vector<1x16xf32> to vector<16xf32>
      %mul3A_688 = arith.mulf %gather3A_138, %get3A_687 : vector<16xf32>
      %get3A_689 = arith.index_cast %scan3A_618 : i32 to index
      %get3A_690 = arith.constant 48 : index
      %get3A_691 = tpu.vector_load %arg21[%get3A_689, %get3A_690] {strides = array<i32>} : memref<128x64xf32, #tpu.memory_space<vmem>>, vector<1x16xf32>,
      %get3A_692 = vector.shape_cast %get3A_691 : vector<1x16xf32> to vector<16xf32>
      %mul3A_693 = arith.mulf %gather3A_143, %get3A_692 : vector<16xf32>
      %add3A_694 = arith.addf %mul3A_688, %mul3A_693 : vector<16xf32>
      %get3A_695 = arith.index_cast %scan3A_618 : i32 to index
      %get3A_696 = arith.constant 48 : index
      %get3A_697 = tpu.vector_load %arg22[%get3A_695, %get3A_696] {strides = array<i32>} : memref<128x64xf32, #tpu.memory_space<vmem>>, vector<1x16xf32>,
      %get3A_698 = vector.shape_cast %get3A_697 : vector<1x16xf32> to vector<16xf32>
      %mul3A_699 = arith.mulf %gather3A_148, %get3A_698 : vector<16xf32>
      %add3A_700 = arith.addf %add3A_694, %mul3A_699 : vector<16xf32>
      %swap3A_701 = arith.index_cast %scan3A_618 : i32 to index
      %swap3A_702 = arith.constant 48 : index
      %swap3A_703 = tpu.vector_load %arg20[%swap3A_701, %swap3A_702] {strides = array<i32>} : memref<128x64xf32, #tpu.memory_space<vmem>>, vector<1x16xf32>,
      %swap3A_704 = vector.shape_cast %swap3A_703 : vector<1x16xf32> to vector<16xf32>
      %swap3A_705 = vector.shape_cast %add3A_700 : vector<16xf32> to vector<1x16xf32>
      tpu.vector_store %arg20[%swap3A_701, %swap3A_702], %swap3A_705 {strides = array<i32>} : memref<128x64xf32, #tpu.memory_space<vmem>>, vector<1x16xf32>,
    }
    %scan3A_603 = arith.constant 128 : i32
    %add3A_604 = arith.constant 384 : i32
    %add3A_605 = arith.addi %mul3A_2, %add3A_604 : i32
    %dma_start3A_606 = arith.constant 0 : i32
    %dma_start3A_607 = tpu.memref_slice %arg12[%add3A_605, %dma_start3A_606] : memref<16384x64xf32, #tpu.memory_space<hbm>> -> memref<128x64xf32, #tpu.memory_space<hbm>>
    %dma_start3A_608 = arith.constant 0 : i32
    %dma_start3A_609 = tpu.memref_slice %arg12[%add3A_605, %dma_start3A_608] : memref<16384x64xf32, #tpu.memory_space<hbm>> -> memref<128x64xf32, #tpu.memory_space<hbm>>
    tpu.enqueue_dma source(%arg20 : memref<128x64xf32, #tpu.memory_space<vmem>>) target(%dma_start3A_609 : memref<128x64xf32, #tpu.memory_space<hbm>>) target_semaphore(%arg27 : memref<!tpu.dma_semaphore, #tpu.memory_space<semaphore_mem>>)
    %dma_wait3A_610 = arith.constant 0 : i32
    %dma_wait3A_611 = tpu.memref_slice %arg12[%add3A_572, %dma_wait3A_610] : memref<16384x64xf32, #tpu.memory_space<hbm>> -> memref<128x64xf32, #tpu.memory_space<hbm>>
    %dma_wait3A_612 = arith.constant 0 : i32
    %dma_wait3A_613 = tpu.memref_slice %arg12[%add3A_572, %dma_wait3A_612] : memref<16384x64xf32, #tpu.memory_space<hbm>> -> memref<128x64xf32, #tpu.memory_space<hbm>>
    tpu.wait_dma2 semaphore(%arg26 : memref<!tpu.dma_semaphore, #tpu.memory_space<semaphore_mem>>) src(%arg17 : memref<128x64xf32, #tpu.memory_space<vmem>>) dst(%dma_wait3A_613 : memref<128x64xf32, #tpu.memory_space<hbm>>)
    %dma_wait3A_614 = arith.constant 0 : i32
    %dma_wait3A_615 = tpu.memref_slice %arg12[%add3A_605, %dma_wait3A_614] : memref<16384x64xf32, #tpu.memory_space<hbm>> -> memref<128x64xf32, #tpu.memory_space<hbm>>
    %dma_wait3A_616 = arith.constant 0 : i32
    %dma_wait3A_617 = tpu.memref_slice %arg12[%add3A_605, %dma_wait3A_616] : memref<16384x64xf32, #tpu.memory_space<hbm>> -> memref<128x64xf32, #tpu.memory_space<hbm>>
    tpu.wait_dma2 semaphore(%arg27 : memref<!tpu.dma_semaphore, #tpu.memory_space<semaphore_mem>>) src(%arg20 : memref<128x64xf32, #tpu.memory_space<vmem>>) dst(%dma_wait3A_617 : memref<128x64xf32, #tpu.memory_space<hbm>>)
    return
  }
}

</mosaic_0001>

<sc_bundles>
// kernel: kernel.4.cloned.1.call-start
scs
__scs_entry_jumppad:
0x0: {  	(pc) =	sbr.rel $0x88, $3  }
0x1: {  	(tag) =	ssettag $0x0;
	lr =	simm.s32 $0x1  }
0x2: {  	[smem:$0x3F94] =	sst lr;
	_ =	strace $0xD0000000  }
0x3: {  	_ = 	snop  }
0x4: {  	_ = 	snop  }
0x5: {  	_ = 	snop  }
0x6: {  	_ = 	snop  }
0x7: {  	_ = 	snop  }
__scs_overlays_trampoline_lowered:
0x8: {  	[smem:$0x3FA3] =	sst s0  }
0x9: {  	[smem:$0x3FA4] =	sst s1  }
0xa: {  	[smem:$0x3FA5] =	sst s2  }
0xb: {  	[smem:$0x3FA6] =	sst s3  }
0xc: {  	[smem:$0x3FA7] =	sst s4  }
0xd: {  	[smem:$0x3FA8] =	sst s5  }
0xe: {  	[smem:$0x3FA9] =	sst s6  }
0xf: {  	[smem:$0x3FAA] =	sst s7  }
0x10: {  	[smem:$0x3FAB] =	sst s8  }
0x11: {  	[smem:$0x3FAC] =	sst s9;
	s0 =	simm.s32 @!p0 $0x0  }
0x12: {  	s1 =	sld [smem:$0x3F92];
	s0 =	simm.s32 @p0 $0x1  }
0x13: {  	[smem:$0x3FAD] =	sst s0;
	s0 =	simm.s32 @!p1 $0x0  }
0x14: {  	s2 =	sld [smem:$0x3F91];
	s0 =	simm.s32 @p1 $0x1  }
0x15: {  	[smem:$0x3FAE] =	sst s0;
	s0 =	simm.s32 @!p2 $0x0  }
0x16: {  	s3 =	sld [smem:$0x3FDB];
	s0 =	simm.s32 @p2 $0x1  }
0x17: {  	s4 =	simm.s32 $0x1BF5;
	[smem:$0x3FB0] =	sst s0  }
0x18: {  	s0 =	sld [smem:$0x3F93];
	_ =	swait.ge [sflag:s4], $0x0  }
0x19: {  	s7 =	sld [smem:$0x3F94]  }
0x1a: {  	s8 =	sadd.s32 $0xFFFFE003, lr  }
0x1b: {  	s9 =	sadd.s32 $0xFFFFFEF7, lr;
	s5 =	simm.s32 $0xFFFFFFFF;
	p2 =	slt.u32 s8, $0xFFFFF086  }
0x1c: {  	p1 =	slt.u32 s9, $0xF7A;
	s5 =	simm.s32 @!p2 $0x0  }
0x1d: {  	s5 =	simm.s32 @p1 $0x1;
	p0 =	seq.s32 s7, s2  }
0x1e: {  	s7 =	smul.u32 @!p0 $0xF7A, s2;
	p2 =	seq.s32 @!p0 s5, $0x0  }
0x1f: {  	s9 =	smul.u32 $0xF7A, s1;
	s8 =	simm.s32 @!p0 $0x1BF5;
	p2 =	por !p2, p0  }
0x20: {  	[sflag:s8] =	ssyncset.s32 @!p0 $0xFFFFF086;
	s6 =	sadd.s32 @!p0 s3, s7;
	s7 =	simm.s32 @!p0 $0x108  }
0x21: {  	s3 =	sadd.s32 s3, s9;
	s6 =	sadd.s32 @!p0 $0x88, s6;
	s7 =	simm.s32 @p2 $0x1082  }
0x22: {  	[simem:s7], [sflag:s8] =	dma.local @!p0 [hbm:s6], $0xF7A  }
0x23: {  	s9 =	sor.u32 $0xD0000000, s2;
	s6 =	simm.s32 $0x108;
	_ =	swait.ge @!p0 [sflag:s8], $0x0  }
0x24: {  	s3 =	sadd.s32 $0x88, s3;
	s6 =	simm.s32 @!p1 $0x1082;
	[sflag:s4] =	ssyncset.s32 $0xFFFFF086  }
0x25: {  	[simem:s6], [sflag:s4] =	dma.local [hbm:s3], $0xF7A  }
0x26: {  	[smem:$0x3F94] =	sst s1;
	(tag) =	ssettag s2;
	_ =	strace s9  }
0x27: {  	s1 =	sld [smem:$0x3FA4]  }
0x28: {  	s2 =	sld [smem:$0x3FA5]  }
0x29: {  	s4 =	sld [smem:$0x3FA7]  }
0x2a: {  	p0 =	seq.s32 s5, $0x0;
	s5 =	sld [smem:$0x3FA8]  }
0x2b: {  	s6 =	sld [smem:$0x3FA9]  }
0x2c: {  	s7 =	sld [smem:$0x3FAA]  }
0x2d: {  	s3 =	simm.s32 $0x108;
	s8 =	sld [smem:$0x3FAB]  }
0x2e: {  	s3 =	simm.s32 @!p0 $0x1082;
	s9 =	sld [smem:$0x3FAC]  }
0x2f: {  	lr =	sadd.s32 s0, s3;
	s0 =	sld [smem:$0x3FA3]  }
0x30: {  	s3 =	sld [smem:$0x3FA6]  }
0x31: {  	[smem:$0x3FAF] =	sst s10  }
0x32: {  	s10 =	sld [smem:$0x3FAD];
	_ =	sdelay $0x3  }
0x33: {  	p0 =	seq.s32 s10, $0x1;
	s10 =	sld [smem:$0x3FAF];
	_ =	sdelay $0x3  }
0x34: {  	[smem:$0x3FAF] =	sst s10  }
0x35: {  	s10 =	sld [smem:$0x3FAE];
	_ =	sdelay $0x3  }
0x36: {  	p1 =	seq.s32 s10, $0x1;
	s10 =	sld [smem:$0x3FAF];
	_ =	sdelay $0x3  }
0x37: {  	[smem:$0x3FAF] =	sst s10  }
0x38: {  	s10 =	sld [smem:$0x3FB0]  }
0x39: {  	_ = 	snop;
	(pc) =	sbr.ind lr, $3  }
0x3a: {  	_ = 	snop  }
0x3b: {  	_ = 	snop  }
0x3c: {  	p2 =	seq.s32 s10, $0x1;
	s10 =	sld [smem:$0x3FAF]  }
0x3d: {  	_ =	shalt  }
0x3e: {  	_ =	shalt  }
0x3f: {  	_ =	shalt  }
0x40: {  	_ =	shalt  }
0x41: {  	_ =	shalt  }
0x42: {  	_ =	shalt  }
0x43: {  	_ =	shalt  }
0x44: {  	_ =	shalt  }
0x45: {  	_ =	shalt  }
0x46: {  	_ =	shalt  }
0x47: {  	_ =	shalt  }
0x48: {  	_ =	shalt  }
0x49: {  	_ =	shalt  }
0x4a: {  	_ =	shalt  }
0x4b: {  	_ =	shalt  }
0x4c: {  	_ =	shalt  }
0x4d: {  	_ =	shalt  }
0x4e: {  	_ =	shalt  }
0x4f: {  	_ =	shalt  }
0x50: {  	_ =	shalt  }
0x51: {  	_ =	shalt  }
0x52: {  	_ =	shalt  }
0x53: {  	_ =	shalt  }
0x54: {  	_ =	shalt  }
0x55: {  	_ =	shalt  }
0x56: {  	_ =	shalt  }
0x57: {  	_ =	shalt  }
0x58: {  	_ =	shalt  }
0x59: {  	_ =	shalt  }
0x5a: {  	_ =	shalt  }
0x5b: {  	_ =	shalt  }
0x5c: {  	_ =	shalt  }
0x5d: {  	_ =	shalt  }
0x5e: {  	_ =	shalt  }
0x5f: {  	_ =	shalt  }
0x60: {  	_ =	shalt  }
0x61: {  	_ =	shalt  }
0x62: {  	_ =	shalt  }
0x63: {  	_ =	shalt  }
0x64: {  	_ =	shalt  }
0x65: {  	_ =	shalt  }
0x66: {  	_ =	shalt  }
0x67: {  	_ =	shalt  }
0x68: {  	_ =	shalt  }
0x69: {  	_ =	shalt  }
0x6a: {  	_ =	shalt  }
0x6b: {  	_ =	shalt  }
0x6c: {  	_ =	shalt  }
0x6d: {  	_ =	shalt  }
0x6e: {  	_ =	shalt  }
0x6f: {  	_ =	shalt  }
0x70: {  	_ =	shalt  }
0x71: {  	_ =	shalt  }
0x72: {  	_ =	shalt  }
0x73: {  	_ =	shalt  }
0x74: {  	_ =	shalt  }
0x75: {  	_ =	shalt  }
0x76: {  	_ =	shalt  }
0x77: {  	_ =	shalt  }
0x78: {  	_ =	shalt  }
0x79: {  	_ =	shalt  }
0x7a: {  	_ =	shalt  }
0x7b: {  	_ =	shalt  }
0x7c: {  	_ =	shalt  }
0x7d: {  	_ =	shalt  }
0x7e: {  	_ =	shalt  }
0x7f: {  	_ =	shalt  }
0x80: {  	_ =	shalt  }
0x81: {  	_ =	shalt  }
0x82: {  	_ =	shalt  }
0x83: {  	_ =	shalt  }
0x84: {  	_ =	shalt  }
0x85: {  	_ =	shalt  }
0x86: {  	_ =	shalt  }
0x87: {  	_ =	shalt  }
.Lfunc_end0:
.L_simem_size_0:
called_computation_lowered:
.L_overlay_start_0:
0x88: {  	s2 =	sld [smem:$0x3FD9]  }
0x89: {  	s3 =	sld [smem:$0x3FFE];
	_ =	sdelay $0x1  }
0x8a: {  	s1 =	srdreg.scid  }
0x8b: {  	s0 =	sand.u32 $0x1, s1  }
0x8c: {  	s17 =	sshll.u32 s0, $0xA;
	s2 =	sadd.s32 s3, s2  }
0x8d: {  	s2 =	sadd.s32 s2, s17  }
0x8e: {  	[smem:$0x3FBB] =	sst s2  }
0x8f: {  	_ = 	snop  }
0x90: {  	s2 =	sld [smem:$0x3FC8]  }
0x91: {  	s18 =	sld [smem:$0x3FC7]  }
0x92: {  	s4 =	sld [smem:$0x3FC6]  }
0x93: {  	s5 =	sld [smem:$0x3FD0];
	(tm) =	ssettm $0x1  }
0x94: {  	s6 =	sld [smem:$0x3FFB];
	_ =	sdelay $0x3  }
0x95: {  	_ =	strace s6  }
0x96: {  	s6 =	sld [smem:$0x3FFC];
	_ =	sdelay $0x3  }
0x97: {  	_ =	strace s6  }
0x98: {  	s6 =	sld [smem:$0x3FFD];
	_ =	sdelay $0x3  }
0x99: {  	_ =	strace s6  }
0x9a: {  	_ =	strace $0x8FFFFFFF  }
0x9b: {  	s19 =	sld [smem:$0x3FDB];
	_ =	sdelay $0x1  }
0x9c: {  	s7 =	simm.s32 $_scs_section_size  }
0x9d: {  	s8 =	simm.s32 $_size__tile_overlayer_lowered;
	s9 =	simm.s32 $_tile_overlayer_lowered  }
0x9e: {  	s22 =	simm.s32 $0x1BFF;
	s21 =	sshll.u32 s9, $0x1;
	s6 =	sadd.s32 s7, s19  }
0x9f: {  	s10 =	simm.s32 $0x0;
	s20 =	sshll.u32 s8, $0x1;
	s8 =	sadd.s32 s21, s6  }
0xa0: {  	[timem:s10], [sflag:s22] =	dma.local [hbm:s8], s20  }
0xa1: {  	_ =	swait.ge [sflag:s22], s20  }
0xa2: {  	s7 =	ssub.s32 $0x0, s20;
	[sflag:s22] =	ssyncset.done $0x0  }
0xa3: {  	[sflag:s22] =	ssyncadd.s32 s7;
	_ =	sdelay $0x1  }
0xa4: {  	s23 =	simm.s32 $0x1B8B  }
0xa5: {  	_ =	swait.ge [sflag:s23], $0x1  }
0xa6: {  	[sflag:s23] =	ssyncset.done $0x0  }
0xa7: {  	s25 =	simm.s32 $0x1B8E;
	s24 =	sld [smem:$0x3FFE];
	[sflag:s23] =	ssyncadd.s32 $0xFFFFFFFF  }
0xa8: {  	s26 =	simm.s32 $execute0_lowered;
	[smem:$0x3FD2] =	sst s25  }
0xa9: {  	s8 =	sshll.u32 s26, $0x1;
	_ =	strace $0x80000046;
	[dreg:$0x1] =	wrdreg $0xFFFFFFFF  }
0xaa: {  	s28 =	simm.s32 $_size_execute0_lowered;
	s6 =	sadd.s32 s6, s8;
	[dreg:$0x0] =	wrdreg $0x0  }
0xab: {  	s8 =	sshll.u32 s28, $0x1;
	[dreg:$0x2] =	wrdreg s6  }
0xac: {  	[dreg:$0x3] =	wrdreg s8  }
0xad: {  	[dreg:$0x4] =	wrdreg $0xC0  }
0xae: {  	_ =	task [dreg:s10], $0x5FFFF  }
0xaf: {  	[dreg:$0x1] =	wrdreg $0xFFFFFFFF  }
0xb0: {  	[dreg:$0x0] =	wrdreg $0x60  }
0xb1: {  	[dreg:$0x2] =	wrdreg s2  }
0xb2: {  	[dreg:$0x3] =	wrdreg s18  }
0xb3: {  	[dreg:$0x4] =	wrdreg s4  }
0xb4: {  	[dreg:$0x5] =	wrdreg s24  }
0xb5: {  	[dreg:$0x6] =	wrdreg s5  }
0xb6: {  	[dreg:$0x7] =	wrdreg $0x9  }
0xb7: {  	_ =	task.clear_ibuf [dreg:s10], $0x8FFFF;
	_ =	strace $0x90000046  }
0xb8: {  	s29 =	simm.s32 $0x9;
	_ =	strace $0x80000048  }
0xb9: {  	_ =	swait.ge [sflag:s29], $0x1  }
0xba: {  	[sflag:s29] =	ssyncadd.s32 $0xFFFFFFFF  }
0xbb: {  	_ =	strace $0x90000048  }
0xbc: {  	_ =	sfence  }
0xbd: {  	s30 =	sld [smem:$0x0];
	_ =	sdelay $0x2  }
0xbe: {  	s31 =	sshll.u32 s1, $0xD;
	s1 =	sshrl.u32 s1, $0x2  }
0xbf: {  	s3 =	sand.u32 $0x4000, s31;
	s1 =	sadd.s32 s1, s30  }
0xc0: {  	s0 =	sor.u32 s3, s0;
	s1 =	sshll.u32 s1, $0x11  }
0xc1: {  	s0 =	sor.u32 s1, s0  }
0xc2: {  	s0 =	sadd.s32 $0x8F2B, s0  }
0xc3: {  	[sflag:s0] =	ssyncadd.remote.s32 $0x1  }
0xc4: {  	_ =	sfence.sel $0xFFFF  }
0xc5: {  	[dreg:$0x0] =	wrdreg $0xFFFFFFFF;
	(pc) =	sbr.abs _section_cstart, $3  }
0xc6: {  	[dreg:$0x1] =	wrdreg $0xFFFFFFFF  }
0xc7: {  	_ =	task.clear_ibuf [dreg:s10], $0x2FFFF;
	_ =	strace $0x9FFFFFFF  }
0xc8: {  	(tm) =	ssettm $0x7FFFFFFF  }
0xc9: {  	_ =	shalt  }
tec
execute0_lowered:
.L_overlay_start_1:
0x0: {  	(tag) =	ssettag $0x1  }
0x1: {  	s0 =	rddreg [dreg:$0x0]  }
0x2: {  	s3 =	rddreg [dreg:$0x1]  }
0x3: {  	s6 =	rddreg [dreg:$0x2]  }
0x4: {  	s7 =	rddreg [dreg:$0x3]  }
0x5: {  	s1 =	rddreg [dreg:$0x4];
	s2 =	simm.s32 $0x0;
	s5 =	srdreg.scid  }
0x6: {  	s9 =	stileid.u32;
	s28 =	simm.s32 $0x6;
	s29 =	simm.s32 $0x140  }
0x7: {  	s30 =	simm.s32 $0x1C0;
	s31 =	simm.s32 $0x240;
	[smem:$0x7FF] =	sst s2  }
0x8: {  	s5 =	sand.u32 $0x1, s5;
	s9 =	sshll.u32 s9, $0xA;
	s18 =	sadd.s32 $0x66C00, s7  }
0x9: {  	_ =	strace $0x80000047;
	s8 =	ssub.s32 $0x2, s5;
	s10 =	sshll.u32 s5, $0x9  }
0xa: {  	[dreg:$0x6] =	wrdreg s18;
	s11 =	sshrl.u32 s8, $0x1;
	s9 =	sor.u32 s10, s9  }
0xb: {  	s8 =	ssub.s32 s8, s11;
	s19 =	sshrl.u32 s9, $0x3;
	s11 =	sor.u32 $0x80, s9  }
0xc: {  	s12 =	sor.u32 $0x100, s9;
	s15 =	sor.u32 $0x180, s9;
	s20 =	sadd.s32 s0, s19  }
0xd: {  	s13 =	sshrl.u32 s11, $0x3;
	s23 =	sadd.s32 s3, s19;
	[dreg:$0x7] =	wrdreg s20  }
0xe: {  	s14 =	sshrl.u32 s12, $0x3;
	s16 =	sadd.s32 s0, s13;
	[dreg:$0xb] =	wrdreg s23  }
0xf: {  	s22 =	sshrl.u32 s15, $0x3;
	s21 =	sadd.s32 s0, s14;
	[dreg:$0x8] =	wrdreg s16  }
0x10: {  	s4 =	sadd.s32 $0x3000, s7;
	s0 =	sadd.s32 s0, s22;
	[dreg:$0x9] =	wrdreg s21  }
0x11: {  	s5 =	sadd.s32 $0x64C00, s7;
	s24 =	sadd.s32 s3, s13;
	[dreg:$0xa] =	wrdreg s0  }
0x12: {  	s18 =	sadd.s32 $0x67400, s7;
	s25 =	sadd.s32 s3, s14;
	[dreg:$0xc] =	wrdreg s24  }
0x13: {  	s17 =	sshll.u32 s9, $0x3;
	s26 =	sadd.s32 s3, s22;
	[dreg:$0xd] =	wrdreg s25  }
0x14: {  	s9 =	simm.s32 $0x440;
	s3 =	sadd.s32 s6, s19;
	[dreg:$0xe] =	wrdreg s26  }
0x15: {  	v0 =	vimm.s32 $0xFEDCBA98;
	v2 =	vimm.s32 $0x76543210;
	v3 =	vimm.s32 $0xBA98FEDC;
	s10 =	sadd.s32 s6, s13;
	s13 =	sadd.s32 s6, s14;
	[dreg:$0xf] =	wrdreg s3  }
0x16: {  	v1 =	vimm.f32 $3.000000000e+00;
	v4 =	vimm.s32 $0x32107654;
	v5 =	vimm.s32 $0xDCFE98BA;
	s14 =	sadd.s32 s6, s22;
	s19 =	sadd.s32 $0x66E00, s7;
	[dreg:$0x10] =	wrdreg s10  }
0x17: {  	vm0 =	vcmask $0xF00;
	v6 =	vimm.s32 $0x54761032;
	v7 =	vimm.s32 $0xEFCDAB89;
	s20 =	sadd.s32 $0x67200, s7;
	s22 =	sshll.u32 s12, $0x3;
	[dreg:$0x11] =	wrdreg s13  }
0x18: {  	v8 =	vimm.s32 $0x67452301;
	v0 =	vunpack.c.l.s4.s8 v0;
	v2 =	vunpack.c.l.s4.s8 v2;
	s23 =	sshll.u32 s15, $0x3;
	s6 =	simm.s32 $0x2C0;
	[dreg:$0x12] =	wrdreg s14  }
0x19: {  	v1 =	vsel vm0, $0x0, v1;
	vm0 =	vcmask $0x1F10;
	v3 =	vunpack.c.l.s4.s8 v3;
	s12 =	simm.s32 $0x5C0;
	s15 =	simm.s32 $0x640;
	[dreg:$0x14] =	wrdreg s19  }
0x1a: {  	v4 =	vunpack.c.l.s4.s8 v4;
	v5 =	vunpack.c.l.s4.s8 v5;
	v6 =	vunpack.c.l.s4.s8 v6;
	s16 =	sadd.s32 $0x67000, s7;
	[dreg:$0x15] =	wrdreg s20;
	s0 =	sadd.s32 s18, s17  }
0x1b: {  	v7 =	vunpack.c.l.s4.s8 v7;
	v8 =	vunpack.c.l.s4.s8 v8;
	v1 =	vsel vm0, $0x3F800000, v1;
	s21 =	sshll.u32 s11, $0x3;
	s24 =	sadd.s32 s18, s22;
	s25 =	sadd.s32 s18, s23  }
0x1c: {  	vm0 =	vcmask $0x2F20;
	v0 =	vunpack.c.0.s8.s32 v0;
	v2 =	vunpack.c.0.s8.s32 v2;
	s26 =	smax.u32 s8, $0x1;
	s7 =	simm.s32 $0x340;
	s8 =	simm.s32 $0x3C0  }
0x1d: {  	v3 =	vunpack.c.0.s8.s32 v3;
	v4 =	vunpack.c.0.s8.s32 v4;
	v5 =	vunpack.c.0.s8.s32 v5;
	s10 =	simm.s32 $0x4C0;
	s11 =	simm.s32 $0x540;
	[dreg:$0x13] =	wrdreg s16  }
0x1e: {  	v6 =	vunpack.c.0.s8.s32 v6;
	v7 =	vunpack.c.0.s8.s32 v7;
	v0 =	vand.u32 $0xF, v0;
	s13 =	simm.s32 $0x1;
	s14 =	simm.s32 $0x80;
	[dreg:$0x16] =	wrdreg s0  }
0x1f: {  	v8 =	vunpack.c.0.s8.s32 v8;
	v1 =	vsel vm0, $0x40000000, v1;
	v0 =	vcombine.low v0, v2;
	s17 =	simm.s32 $0x4640;
	s19 =	simm.s32 $0x8640;
	[dreg:$0x18] =	wrdreg s24  }
0x20: {  	vm0 =	vmmov $0xf;
	v2 =	vcombine.low v4, v3;
	v4 =	vcombine.low v6, v5;
	s20 =	simm.s32 $0xA640;
	s22 =	simm.s32 $0x4;
	[dreg:$0x19] =	wrdreg s25  }
0x21: {  	v5 =	vcombine.low v8, v7;
	v3 =	vlaneseq.u32;
	v6 =	vimm.s32 $0x1;
	s23 =	simm.s32 $0x3;
	s0 =	sadd.s32 s18, s21;
	[dreg:$0x1a] =	wrdreg s26  }
0x22: {  	v7 =	vimm.s32 $0x2;
	v8 =	vimm.s32 $0x3;
	v3 =	vshrl.u32 v3, $0x2;
	s16 =	simm.s32 $0x2640;
	s18 =	simm.s32 $0x6640;
	s21 =	simm.s32 $0x2  }
0x23: {  	v2 =	vand.u32 $0xF, v2;
	v4 =	vand.u32 $0xF, v4;
	v5 =	vand.u32 $0xF, v5;
	s24 =	simm.s32 $0x5;
	s25 =	simm.s32 $0x0;
	[dreg:$0x17] =	wrdreg s0  }
.LBB2_1:
0x24: {  	s0 =	rddreg [dreg:$0x6]  }
0x25: {  	[tilespmem:s2], [sflag:$0x6] =	stream.linear.gather [hbm4b:s0+s2], $0x10, $0x38;
	[tilespmem:$0xC640] =	vst v63  }
0x26: {  	_ =	swait.ge [sflag:s28], $0x10  }
0x27: {  	[sflag:s28] =	ssyncset.done $0x0  }
0x28: {  	s3 =	simm.s32 $0x10;
	s26 =	rddreg [dreg:$0x13];
	[sflag:s28] =	ssyncadd.s32 $0xFFFFFFF0  }
0x29: {  	[tilespmem:s3], [sflag:$0x6] =	stream.linear.gather [hbm4b:s26+s2], $0x10, $0x38;
	[tilespmem:$0xC640] =	vst v63  }
0x2a: {  	_ =	swait.ge [sflag:s28], $0x10  }
0x2b: {  	[sflag:s28] =	ssyncset.done $0x0  }
0x2c: {  	s26 =	simm.s32 $0x20;
	s3 =	rddreg [dreg:$0x14];
	[sflag:s28] =	ssyncadd.s32 $0xFFFFFFF0  }
0x2d: {  	[tilespmem:s26], [sflag:$0x6] =	stream.linear.gather [hbm4b:s3+s2], $0x10, $0x38;
	[tilespmem:$0xC640] =	vst v63  }
0x2e: {  	_ =	swait.ge [sflag:s28], $0x10  }
0x2f: {  	[sflag:s28] =	ssyncset.done $0x0  }
0x30: {  	s26 =	simm.s32 $0x30;
	s3 =	rddreg [dreg:$0x15];
	[sflag:s28] =	ssyncadd.s32 $0xFFFFFFF0  }
0x31: {  	[tilespmem:s26], [sflag:$0x6] =	stream.linear.gather [hbm4b:s3+s2], $0x10, $0x38;
	[tilespmem:$0xC640] =	vst v63  }
0x32: {  	_ =	swait.ge [sflag:s28], $0x10  }
0x33: {  	[sflag:s28] =	ssyncset.done $0x0  }
0x34: {  	[sflag:s28] =	ssyncadd.s32 $0xFFFFFFF0  }
0x35: {  	v9 =	vld [tilespmem:$0x0];
	_ =	sdelay $0x4  }
0x36: {  	v9 =	vmul.f32 v1, v9;
	_ =	sdelay $0x1  }
0x37: {  	v10 =	vperm.xlane v9, v0;
	_ =	sdelay $0x1  }
0x38: {  	v9 =	vadd.f32 v10, v9  }
0x39: {  	v10 =	vld [tilespmem:$0x10]  }
0x3a: {  	v11 =	vperm.xlane v9, v2;
	_ =	sdelay $0x1  }
0x3b: {  	v9 =	vadd.f32 v11, v9;
	_ =	sdelay $0x1  }
0x3c: {  	v9 =	vadd.f32 v10, v9  }
0x3d: {  	v10 =	vld [tilespmem:$0x20]  }
0x3e: {  	v9 =	vmax.f32 v9, $0.0e+00  }
0x3f: {  	v9 =	vnsel vm0, $0x0, v9  }
0x40: {  	v9 =	vperm.xlane v9, v3;
	_ =	sdelay $0x1  }
0x41: {  	v9 =	vmul.f32 v10, v9;
	_ =	sdelay $0x1  }
0x42: {  	v10 =	vperm.xlane v9, v0;
	_ =	sdelay $0x1  }
0x43: {  	v9 =	vadd.f32 v10, v9  }
0x44: {  	v10 =	vld [tilespmem:$0x30]  }
0x45: {  	v11 =	vperm.xlane v9, v2;
	_ =	sdelay $0x1  }
0x46: {  	v9 =	vadd.f32 v11, v9;
	_ =	sdelay $0x1  }
0x47: {  	v9 =	vadd.f32 v10, v9;
	_ =	sdelay $0x1  }
0x48: {  	v9 =	vnsel vm0, $0xF149F2CA, v9  }
0x49: {  	v10 =	vperm.xlane v9, v0;
	_ =	sdelay $0x1  }
0x4a: {  	v10 =	vmax.f32 v9, v10  }
0x4b: {  	v11 =	vperm.xlane v10, v2;
	_ =	sdelay $0x1  }
0x4c: {  	v10 =	vmax.f32 v10, v11  }
0x4d: {  	v11 =	vperm.xlane v10, v4;
	_ =	sdelay $0x1  }
0x4e: {  	v10 =	vmax.f32 v10, v11  }
0x4f: {  	v11 =	vperm.xlane v10, v5;
	_ =	sdelay $0x1  }
0x50: {  	v10 =	vmax.f32 v10, v11  }
0x51: {  	v9 =	vsub.f32 v9, v10;
	_ =	sdelay $0x1  }
0x52: {  	v9 =	vmul.f32 $1.442695020e+00, v9;
	_ =	sdelay $0x1  }
0x53: {  	(erf) = vpow2.f32 v9;
	_ =	sdelay $0x8  }
0x54: {  	v9 =	vpop (erf)  }
0x55: {  	v10 =	vperm.xlane v9, v0;
	_ =	sdelay $0x1  }
0x56: {  	s3 =	simm.s32 $0x40;
	s26 =	rddreg [dreg:$0x7];
	v10 =	vadd.f32 v9, v10  }
0x57: {  	[tilespmem:s3], [sflag:$0x1] =	stream.linear.gather [hbm4b:s26+s2], $0x80, $0x38;
	[tilespmem:$0xC640] =	vst v63  }
0x58: {  	s0 =	rddreg [dreg:$0x8];
	s26 =	simm.s32 $0xC0;
	v11 =	vperm.xlane v10, v2  }
0x59: {  	[tilespmem:s26], [sflag:$0x1] =	stream.linear.gather [hbm4b:s0+s2], $0x80, $0x38;
	[tilespmem:$0xC640] =	vst v63  }
0x5a: {  	s0 =	rddreg [dreg:$0x9];
	v10 =	vadd.f32 v10, v11  }
0x5b: {  	[tilespmem:s29], [sflag:$0x1] =	stream.linear.gather [hbm4b:s0+s2], $0x80, $0x38;
	[tilespmem:$0xC640] =	vst v63  }
0x5c: {  	s0 =	rddreg [dreg:$0xa];
	v11 =	vperm.xlane v10, v4  }
0x5d: {  	[tilespmem:s30], [sflag:$0x1] =	stream.linear.gather [hbm4b:s0+s2], $0x80, $0x38;
	[tilespmem:$0xC640] =	vst v63  }
0x5e: {  	s0 =	rddreg [dreg:$0xb];
	v10 =	vadd.f32 v10, v11  }
0x5f: {  	[tilespmem:s31], [sflag:$0x1] =	stream.linear.gather [hbm4b:s0+s2], $0x80, $0x38;
	[tilespmem:$0xC640] =	vst v63  }
0x60: {  	s0 =	rddreg [dreg:$0xc];
	v11 =	vperm.xlane v10, v5  }
0x61: {  	[tilespmem:s6], [sflag:$0x1] =	stream.linear.gather [hbm4b:s0+s2], $0x80, $0x38;
	[tilespmem:$0xC640] =	vst v63  }
0x62: {  	s0 =	rddreg [dreg:$0xd];
	v10 =	vadd.f32 v10, v11  }
0x63: {  	[tilespmem:s7], [sflag:$0x1] =	stream.linear.gather [hbm4b:s0+s2], $0x80, $0x38;
	[tilespmem:$0xC640] =	vst v63  }
0x64: {  	s0 =	rddreg [dreg:$0xe];
	(erf) = vrcp.f32 v10  }
0x65: {  	[tilespmem:s8], [sflag:$0x1] =	stream.linear.gather [hbm4b:s0+s2], $0x80, $0x38;
	[tilespmem:$0xC640] =	vst v63  }
0x66: {  	s0 =	rddreg [dreg:$0xf]  }
0x67: {  	[tilespmem:s9], [sflag:$0x1] =	stream.linear.gather [hbm4b:s0+s2], $0x80, $0x38;
	[tilespmem:$0xC640] =	vst v63  }
0x68: {  	s0 =	rddreg [dreg:$0x10]  }
0x69: {  	[tilespmem:s10], [sflag:$0x1] =	stream.linear.gather [hbm4b:s0+s2], $0x80, $0x38;
	[tilespmem:$0xC640] =	vst v63  }
0x6a: {  	s0 =	rddreg [dreg:$0x11]  }
0x6b: {  	[tilespmem:s11], [sflag:$0x1] =	stream.linear.gather [hbm4b:s0+s2], $0x80, $0x38;
	[tilespmem:$0xC640] =	vst v63  }
0x6c: {  	s0 =	rddreg [dreg:$0x12]  }
0x6d: {  	[tilespmem:s12], [sflag:$0x1] =	stream.linear.gather [hbm4b:s0+s2], $0x80, $0x38;
	v10 =	vpop (erf);
	[tilespmem:$0xC640] =	vst v63  }
0x6e: {  	_ =	swait.ge [sflag:s13], $0x80  }
0x6f: {  	[sflag:s13] =	ssyncset.done $0x0  }
0x70: {  	[sflag:s13] =	ssyncadd.s32 $0xFFFFFF80  }
0x71: {  	_ =	swait.ge [sflag:s13], $0x80  }
0x72: {  	[sflag:s13] =	ssyncset.done $0x0  }
0x73: {  	[sflag:s13] =	ssyncadd.s32 $0xFFFFFF80  }
0x74: {  	_ =	swait.ge [sflag:s13], $0x80  }
0x75: {  	[sflag:s13] =	ssyncset.done $0x0  }
0x76: {  	[sflag:s13] =	ssyncadd.s32 $0xFFFFFF80  }
0x77: {  	_ =	swait.ge [sflag:s13], $0x80  }
0x78: {  	[sflag:s13] =	ssyncset.done $0x0  }
0x79: {  	[sflag:s13] =	ssyncadd.s32 $0xFFFFFF80  }
0x7a: {  	_ =	swait.ge [sflag:s13], $0x80  }
0x7b: {  	[sflag:s13] =	ssyncset.done $0x0  }
0x7c: {  	[sflag:s13] =	ssyncadd.s32 $0xFFFFFF80  }
0x7d: {  	_ =	swait.ge [sflag:s13], $0x80  }
0x7e: {  	[sflag:s13] =	ssyncset.done $0x0  }
0x7f: {  	[sflag:s13] =	ssyncadd.s32 $0xFFFFFF80  }
0x80: {  	_ =	swait.ge [sflag:s13], $0x80  }
0x81: {  	[sflag:s13] =	ssyncset.done $0x0  }
0x82: {  	[sflag:s13] =	ssyncadd.s32 $0xFFFFFF80  }
0x83: {  	_ =	swait.ge [sflag:s13], $0x80  }
0x84: {  	[sflag:s13] =	ssyncset.done $0x0  }
0x85: {  	[sflag:s13] =	ssyncadd.s32 $0xFFFFFF80  }
0x86: {  	_ =	swait.ge [sflag:s13], $0x80  }
0x87: {  	[sflag:s13] =	ssyncset.done $0x0  }
0x88: {  	[sflag:s13] =	ssyncadd.s32 $0xFFFFFF80  }
0x89: {  	_ =	swait.ge [sflag:s13], $0x80  }
0x8a: {  	[sflag:s13] =	ssyncset.done $0x0  }
0x8b: {  	[sflag:s13] =	ssyncadd.s32 $0xFFFFFF80  }
0x8c: {  	_ =	swait.ge [sflag:s13], $0x80  }
0x8d: {  	[sflag:s13] =	ssyncset.done $0x0  }
0x8e: {  	[sflag:s13] =	ssyncadd.s32 $0xFFFFFF80  }
0x8f: {  	_ =	swait.ge [sflag:s13], $0x80  }
0x90: {  	[sflag:s13] =	ssyncset.done $0x0  }
0x91: {  	[sflag:s13] =	ssyncadd.s32 $0xFFFFFF80  }
0x92: {  	[tilespmem:s15], [sflag:$0x2] =	stream.indirect.gather [hbm4b:s4+s14], $0x40, s3, s14, $0xb8;
	[tilespmem:$0xC640] =	vst v63  }
0x93: {  	_ = 	snop  }
0x94: {  	[tilespmem:s16], [sflag:$0x2] =	stream.indirect.gather [hbm4b:s1+s14], $0x40, s31, s14, $0xb8;
	[tilespmem:$0xC640] =	vst v63  }
0x95: {  	_ = 	snop  }
0x96: {  	[tilespmem:s17], [sflag:$0x2] =	stream.indirect.gather [hbm4b:s5+s14], $0x40, s9, s14, $0xb8;
	[tilespmem:$0xC640] =	vst v63  }
0x97: {  	_ = 	snop  }
0x98: {  	[tilespmem:s18], [sflag:$0x3] =	stream.indirect.gather [hbm4b:s4+s14], $0x40, s26, s14, $0xb8;
	[tilespmem:$0xC640] =	vst v63  }
0x99: {  	_ = 	snop  }
0x9a: {  	[tilespmem:s19], [sflag:$0x3] =	stream.indirect.gather [hbm4b:s1+s14], $0x40, s6, s14, $0xb8;
	[tilespmem:$0xC640] =	vst v63  }
0x9b: {  	_ = 	snop  }
0x9c: {  	[tilespmem:s20], [sflag:$0x3] =	stream.indirect.gather [hbm4b:s5+s14], $0x40, s10, s14, $0xb8;
	[tilespmem:$0xC640] =	vst v63  }
0x9d: {  	_ =	swait.ge [sflag:s21], $0x2000  }
0x9e: {  	[sflag:s21] =	ssyncset.done $0x0  }
0x9f: {  	[sflag:s21] =	ssyncadd.s32 $0xFFFFE000  }
0xa0: {  	_ =	swait.ge [sflag:s21], $0x2000  }
0xa1: {  	[sflag:s21] =	ssyncset.done $0x0  }
0xa2: {  	[sflag:s21] =	ssyncadd.s32 $0xFFFFE000  }
0xa3: {  	_ =	swait.ge [sflag:s21], $0x2000  }
0xa4: {  	[sflag:s21] =	ssyncset.done $0x0  }
0xa5: {  	s26 =	simm.s32 $0x0;
	[sflag:s21] =	ssyncadd.s32 $0xFFFFE000  }
0xa6: {  	v15 =	vld [tilespmem:s26+$0x4640]  }
0xa7: {  	v17 =	vld [tilespmem:s26+$0x4650]  }
0xa8: {  	v16 =	vld [tilespmem:s26+$0x2640]  }
0xa9: {  	v14 =	vld [tilespmem:s26+$0x2650]  }
0xaa: {  	v13 =	vld [tilespmem:s26+$0x2660]  }
0xab: {  	v9 =	vmul.f32 v10, v9;
	v12 =	vld [tilespmem:s26+$0x2670]  }
0xac: {  	v20 =	vld [tilespmem:s26+$0x640]  }
0xad: {  	v10 =	vperm.xlane v9, v6;
	v19 =	vld [tilespmem:s26+$0x650]  }
0xae: {  	s0 =	simm.s32 $0x100;
	v11 =	vperm.xlane v9, v7;
	v9 =	vperm.xlane v9, v8;
	v18 =	vld [tilespmem:s26+$0x660]  }
.LBB2_2:
0xaf: {  	p0 =	sne.s32 s0, $0x7F00;
	v21 =	vld [tilespmem:s26+$0x670]  }
0xb0: {  	v22 =	vmul.f32 v15, v9;
	v23 =	vmul.f32 v17, v9;
	v24 =	vld [tilespmem:s26+$0x4660]  }
0xb1: {  	s3 =	sshra.s32 s0, $0x2;
	v16 =	vmul.f32 v16, v11;
	v20 =	vmul.f32 v20, v10;
	v25 =	vld [tilespmem:s26+$0x4670]  }
0xb2: {  	v14 =	vmul.f32 v14, v11;
	v15 =	vld [tilespmem:s3+$0x4640];
	v19 =	vmul.f32 v19, v10  }
0xb3: {  	v13 =	vmul.f32 v13, v11;
	v17 =	vld [tilespmem:s3+$0x4650];
	v20 =	vadd.f32 v16, v20;
	v18 =	vmul.f32 v18, v10  }
0xb4: {  	v12 =	vmul.f32 v12, v11;
	v16 =	vld [tilespmem:s3+$0x2640];
	v19 =	vadd.f32 v14, v19;
	v21 =	vmul.f32 v21, v10  }
0xb5: {  	v14 =	vld [tilespmem:s3+$0x2650];
	v20 =	vadd.f32 v22, v20;
	v18 =	vadd.f32 v13, v18;
	v22 =	vmul.f32 v24, v9  }
.Ltmp0:
0xb6: {  	v13 =	vld [tilespmem:s3+$0x2660];
	v19 =	vadd.f32 v23, v19;
	v21 =	vadd.f32 v12, v21;
	v23 =	vmul.f32 v25, v9;
	(pc) =	sbr.rel @p0 .LBB2_2-.Ltmp0, $4  }
0xb7: {  	v12 =	vld [tilespmem:s3+$0x2670];
	[tilespmem:s26+$0x640] =	vst v20;
	v18 =	vadd.f32 v22, v18  }
0xb8: {  	v20 =	vld [tilespmem:s3+$0x640];
	[tilespmem:s26+$0x650] =	vst v19;
	v21 =	vadd.f32 v23, v21  }
0xb9: {  	v19 =	vld [tilespmem:s3+$0x650];
	[tilespmem:s26+$0x660] =	vst v18  }
0xba: {  	s0 =	sadd.s32 $0x100, s0;
	v18 =	vld [tilespmem:s3+$0x660];
	[tilespmem:s26+$0x670] =	vst v21;
	s26 =	smov.u32 s3  }
0xbb: {  	v21 =	vld [tilespmem:s26+$0x670]  }
0xbc: {  	v15 =	vmul.f32 v15, v9;
	v17 =	vmul.f32 v17, v9;
	v22 =	vld [tilespmem:s26+$0x4660]  }
0xbd: {  	v16 =	vmul.f32 v16, v11;
	v23 =	vld [tilespmem:s26+$0x4670];
	v20 =	vmul.f32 v20, v10  }
0xbe: {  	v14 =	vmul.f32 v14, v11;
	v19 =	vmul.f32 v19, v10  }
0xbf: {  	v13 =	vmul.f32 v13, v11;
	v16 =	vadd.f32 v16, v20;
	v18 =	vmul.f32 v18, v10  }
0xc0: {  	v12 =	vmul.f32 v12, v11;
	v14 =	vadd.f32 v14, v19;
	v19 =	vmul.f32 v21, v10  }
0xc1: {  	v15 =	vadd.f32 v15, v16;
	v13 =	vadd.f32 v13, v18;
	v16 =	vmul.f32 v22, v9  }
0xc2: {  	v14 =	vadd.f32 v17, v14;
	v12 =	vadd.f32 v12, v19;
	v17 =	vmul.f32 v23, v9  }
0xc3: {  	[tilespmem:s26+$0x640] =	vst v15;
	v13 =	vadd.f32 v16, v13  }
0xc4: {  	[tilespmem:s26+$0x650] =	vst v14;
	v12 =	vadd.f32 v17, v12  }
0xc5: {  	[tilespmem:s26+$0x660] =	vst v13  }
0xc6: {  	s0 =	simm.s32 $0x0;
	s3 =	rddreg [dreg:$0x16];
	[tilespmem:s26+$0x670] =	vst v12  }
0xc7: {  	[hbm4b:s3+s0] =	stream.linear.scatter [tilespmem:s15], [sflag:$0x4], $0x2000, $0x38;
	[tilespmem:$0xC640] =	vst v63  }
0xc8: {  	_ =	swait.ge [sflag:s22], $0x2000  }
0xc9: {  	[sflag:s22] =	ssyncset.done $0x0  }
0xca: {  	[sflag:s22] =	ssyncadd.s32 $0xFFFFE000  }
0xcb: {  	[tilespmem:s15], [sflag:$0x2] =	stream.indirect.gather [hbm4b:s4+s14], $0x40, s29, s14, $0xb8;
	[tilespmem:$0xC640] =	vst v63  }
0xcc: {  	_ = 	snop  }
0xcd: {  	[tilespmem:s16], [sflag:$0x2] =	stream.indirect.gather [hbm4b:s1+s14], $0x40, s7, s14, $0xb8;
	[tilespmem:$0xC640] =	vst v63  }
0xce: {  	_ = 	snop  }
0xcf: {  	[tilespmem:s17], [sflag:$0x2] =	stream.indirect.gather [hbm4b:s5+s14], $0x40, s11, s14, $0xb8;
	[tilespmem:$0xC640] =	vst v63  }
0xd0: {  	_ =	swait.ge [sflag:s23], $0x2000  }
0xd1: {  	[sflag:s23] =	ssyncset.done $0x0  }
0xd2: {  	[sflag:s23] =	ssyncadd.s32 $0xFFFFE000  }
0xd3: {  	_ =	swait.ge [sflag:s23], $0x2000  }
0xd4: {  	[sflag:s23] =	ssyncset.done $0x0  }
0xd5: {  	[sflag:s23] =	ssyncadd.s32 $0xFFFFE000  }
0xd6: {  	_ =	swait.ge [sflag:s23], $0x2000  }
0xd7: {  	[sflag:s23] =	ssyncset.done $0x0  }
0xd8: {  	s26 =	simm.s32 $0x0;
	[sflag:s23] =	ssyncadd.s32 $0xFFFFE000  }
0xd9: {  	v15 =	vld [tilespmem:s26+$0xA640]  }
0xda: {  	v17 =	vld [tilespmem:s26+$0xA650]  }
0xdb: {  	v16 =	vld [tilespmem:s26+$0x8640]  }
0xdc: {  	v14 =	vld [tilespmem:s26+$0x8650]  }
0xdd: {  	v13 =	vld [tilespmem:s26+$0x8660]  }
0xde: {  	v12 =	vld [tilespmem:s26+$0x8670]  }
0xdf: {  	v20 =	vld [tilespmem:s26+$0x6640]  }
0xe0: {  	v19 =	vld [tilespmem:s26+$0x6650]  }
0xe1: {  	s0 =	simm.s32 $0x100;
	v18 =	vld [tilespmem:s26+$0x6660]  }
.LBB2_4:
0xe2: {  	p0 =	sne.s32 s0, $0x7F00;
	v21 =	vld [tilespmem:s26+$0x6670]  }
0xe3: {  	v22 =	vmul.f32 v15, v9;
	v23 =	vmul.f32 v17, v9;
	v24 =	vld [tilespmem:s26+$0xA660]  }
0xe4: {  	s3 =	sshra.s32 s0, $0x2;
	v16 =	vmul.f32 v16, v11;
	v20 =	vmul.f32 v20, v10;
	v25 =	vld [tilespmem:s26+$0xA670]  }
0xe5: {  	v14 =	vmul.f32 v14, v11;
	v15 =	vld [tilespmem:s3+$0xA640];
	v19 =	vmul.f32 v19, v10  }
0xe6: {  	v13 =	vmul.f32 v13, v11;
	v17 =	vld [tilespmem:s3+$0xA650];
	v20 =	vadd.f32 v16, v20;
	v18 =	vmul.f32 v18, v10  }
0xe7: {  	v12 =	vmul.f32 v12, v11;
	v16 =	vld [tilespmem:s3+$0x8640];
	v19 =	vadd.f32 v14, v19;
	v21 =	vmul.f32 v21, v10  }
0xe8: {  	v14 =	vld [tilespmem:s3+$0x8650];
	v20 =	vadd.f32 v22, v20;
	v18 =	vadd.f32 v13, v18;
	v22 =	vmul.f32 v24, v9  }
.Ltmp1:
0xe9: {  	v13 =	vld [tilespmem:s3+$0x8660];
	v19 =	vadd.f32 v23, v19;
	v21 =	vadd.f32 v12, v21;
	v23 =	vmul.f32 v25, v9;
	(pc) =	sbr.rel @p0 .LBB2_4-.Ltmp1, $4  }
0xea: {  	v12 =	vld [tilespmem:s3+$0x8670];
	[tilespmem:s26+$0x6640] =	vst v20;
	v18 =	vadd.f32 v22, v18  }
0xeb: {  	v20 =	vld [tilespmem:s3+$0x6640];
	[tilespmem:s26+$0x6650] =	vst v19;
	v21 =	vadd.f32 v23, v21  }
0xec: {  	v19 =	vld [tilespmem:s3+$0x6650];
	[tilespmem:s26+$0x6660] =	vst v18  }
0xed: {  	s0 =	sadd.s32 $0x100, s0;
	v18 =	vld [tilespmem:s3+$0x6660];
	[tilespmem:s26+$0x6670] =	vst v21;
	s26 =	smov.u32 s3  }
0xee: {  	v21 =	vld [tilespmem:s26+$0x6670]  }
0xef: {  	v15 =	vmul.f32 v15, v9;
	v17 =	vmul.f32 v17, v9;
	v22 =	vld [tilespmem:s26+$0xA660]  }
0xf0: {  	v16 =	vmul.f32 v16, v11;
	v23 =	vld [tilespmem:s26+$0xA670];
	v20 =	vmul.f32 v20, v10  }
0xf1: {  	v14 =	vmul.f32 v14, v11;
	v19 =	vmul.f32 v19, v10  }
0xf2: {  	v13 =	vmul.f32 v13, v11;
	v16 =	vadd.f32 v16, v20;
	v18 =	vmul.f32 v18, v10  }
0xf3: {  	v12 =	vmul.f32 v12, v11;
	v14 =	vadd.f32 v14, v19;
	v19 =	vmul.f32 v21, v10  }
0xf4: {  	v15 =	vadd.f32 v15, v16;
	v13 =	vadd.f32 v13, v18;
	v16 =	vmul.f32 v22, v9  }
0xf5: {  	v14 =	vadd.f32 v17, v14;
	v12 =	vadd.f32 v12, v19;
	v17 =	vmul.f32 v23, v9  }
0xf6: {  	[tilespmem:s26+$0x6640] =	vst v15;
	v13 =	vadd.f32 v16, v13  }
0xf7: {  	[tilespmem:s26+$0x6650] =	vst v14;
	v12 =	vadd.f32 v17, v12  }
0xf8: {  	[tilespmem:s26+$0x6660] =	vst v13  }
0xf9: {  	s0 =	simm.s32 $0x0;
	s3 =	rddreg [dreg:$0x17];
	[tilespmem:s26+$0x6670] =	vst v12  }
0xfa: {  	[hbm4b:s3+s0] =	stream.linear.scatter [tilespmem:s18], [sflag:$0x5], $0x2000, $0x38;
	[tilespmem:$0xC640] =	vst v63  }
0xfb: {  	_ =	swait.ge [sflag:s24], $0x2000  }
0xfc: {  	[sflag:s24] =	ssyncset.done $0x0  }
0xfd: {  	[sflag:s24] =	ssyncadd.s32 $0xFFFFE000  }
0xfe: {  	[tilespmem:s18], [sflag:$0x3] =	stream.indirect.gather [hbm4b:s4+s14], $0x40, s30, s14, $0xb8;
	[tilespmem:$0xC640] =	vst v63  }
0xff: {  	_ = 	snop  }
0x100: {  	[tilespmem:s19], [sflag:$0x3] =	stream.indirect.gather [hbm4b:s1+s14], $0x40, s8, s14, $0xb8;
	[tilespmem:$0xC640] =	vst v63  }
0x101: {  	_ = 	snop  }
0x102: {  	[tilespmem:s20], [sflag:$0x3] =	stream.indirect.gather [hbm4b:s5+s14], $0x40, s12, s14, $0xb8;
	[tilespmem:$0xC640] =	vst v63  }
0x103: {  	_ =	swait.ge [sflag:s21], $0x2000  }
0x104: {  	[sflag:s21] =	ssyncset.done $0x0  }
0x105: {  	[sflag:s21] =	ssyncadd.s32 $0xFFFFE000  }
0x106: {  	_ =	swait.ge [sflag:s21], $0x2000  }
0x107: {  	[sflag:s21] =	ssyncset.done $0x0  }
0x108: {  	[sflag:s21] =	ssyncadd.s32 $0xFFFFE000  }
0x109: {  	_ =	swait.ge [sflag:s21], $0x2000  }
0x10a: {  	[sflag:s21] =	ssyncset.done $0x0  }
0x10b: {  	s26 =	simm.s32 $0x0;
	[sflag:s21] =	ssyncadd.s32 $0xFFFFE000  }
0x10c: {  	v15 =	vld [tilespmem:s26+$0x4640]  }
0x10d: {  	v17 =	vld [tilespmem:s26+$0x4650]  }
0x10e: {  	v16 =	vld [tilespmem:s26+$0x2640]  }
0x10f: {  	v14 =	vld [tilespmem:s26+$0x2650]  }
0x110: {  	v13 =	vld [tilespmem:s26+$0x2660]  }
0x111: {  	v12 =	vld [tilespmem:s26+$0x2670]  }
0x112: {  	v20 =	vld [tilespmem:s26+$0x640]  }
0x113: {  	v19 =	vld [tilespmem:s26+$0x650]  }
0x114: {  	s0 =	simm.s32 $0x100;
	v18 =	vld [tilespmem:s26+$0x660]  }
.LBB2_6:
0x115: {  	p0 =	sne.s32 s0, $0x7F00;
	v21 =	vld [tilespmem:s26+$0x670]  }
0x116: {  	v22 =	vmul.f32 v15, v9;
	v23 =	vmul.f32 v17, v9;
	v24 =	vld [tilespmem:s26+$0x4660]  }
0x117: {  	s3 =	sshra.s32 s0, $0x2;
	v16 =	vmul.f32 v16, v11;
	v20 =	vmul.f32 v20, v10;
	v25 =	vld [tilespmem:s26+$0x4670]  }
0x118: {  	v14 =	vmul.f32 v14, v11;
	v15 =	vld [tilespmem:s3+$0x4640];
	v19 =	vmul.f32 v19, v10  }
0x119: {  	v13 =	vmul.f32 v13, v11;
	v17 =	vld [tilespmem:s3+$0x4650];
	v20 =	vadd.f32 v16, v20;
	v18 =	vmul.f32 v18, v10  }
0x11a: {  	v12 =	vmul.f32 v12, v11;
	v16 =	vld [tilespmem:s3+$0x2640];
	v19 =	vadd.f32 v14, v19;
	v21 =	vmul.f32 v21, v10  }
0x11b: {  	v14 =	vld [tilespmem:s3+$0x2650];
	v20 =	vadd.f32 v22, v20;
	v18 =	vadd.f32 v13, v18;
	v22 =	vmul.f32 v24, v9  }
.Ltmp2:
0x11c: {  	v13 =	vld [tilespmem:s3+$0x2660];
	v19 =	vadd.f32 v23, v19;
	v21 =	vadd.f32 v12, v21;
	v23 =	vmul.f32 v25, v9;
	(pc) =	sbr.rel @p0 .LBB2_6-.Ltmp2, $4  }
0x11d: {  	v12 =	vld [tilespmem:s3+$0x2670];
	[tilespmem:s26+$0x640] =	vst v20;
	v18 =	vadd.f32 v22, v18  }
0x11e: {  	v20 =	vld [tilespmem:s3+$0x640];
	[tilespmem:s26+$0x650] =	vst v19;
	v21 =	vadd.f32 v23, v21  }
0x11f: {  	v19 =	vld [tilespmem:s3+$0x650];
	[tilespmem:s26+$0x660] =	vst v18  }
0x120: {  	s0 =	sadd.s32 $0x100, s0;
	v18 =	vld [tilespmem:s3+$0x660];
	[tilespmem:s26+$0x670] =	vst v21;
	s26 =	smov.u32 s3  }
0x121: {  	v21 =	vld [tilespmem:s26+$0x670]  }
0x122: {  	v15 =	vmul.f32 v15, v9;
	v17 =	vmul.f32 v17, v9;
	v22 =	vld [tilespmem:s26+$0x4660]  }
0x123: {  	v16 =	vmul.f32 v16, v11;
	v23 =	vld [tilespmem:s26+$0x4670];
	v20 =	vmul.f32 v20, v10  }
0x124: {  	v14 =	vmul.f32 v14, v11;
	v19 =	vmul.f32 v19, v10  }
0x125: {  	v13 =	vmul.f32 v13, v11;
	v16 =	vadd.f32 v16, v20;
	v18 =	vmul.f32 v18, v10  }
0x126: {  	v12 =	vmul.f32 v12, v11;
	v14 =	vadd.f32 v14, v19;
	v19 =	vmul.f32 v21, v10  }
0x127: {  	v15 =	vadd.f32 v15, v16;
	v13 =	vadd.f32 v13, v18;
	v16 =	vmul.f32 v22, v9  }
0x128: {  	v14 =	vadd.f32 v17, v14;
	v12 =	vadd.f32 v12, v19;
	v17 =	vmul.f32 v23, v9  }
0x129: {  	[tilespmem:s26+$0x640] =	vst v15;
	v13 =	vadd.f32 v16, v13  }
0x12a: {  	[tilespmem:s26+$0x650] =	vst v14;
	v12 =	vadd.f32 v17, v12  }
0x12b: {  	[tilespmem:s26+$0x660] =	vst v13  }
0x12c: {  	s0 =	simm.s32 $0x0;
	s3 =	rddreg [dreg:$0x18];
	[tilespmem:s26+$0x670] =	vst v12  }
0x12d: {  	[hbm4b:s3+s0] =	stream.linear.scatter [tilespmem:s15], [sflag:$0x4], $0x2000, $0x38;
	[tilespmem:$0xC640] =	vst v63  }
0x12e: {  	_ =	swait.ge [sflag:s23], $0x2000  }
0x12f: {  	[sflag:s23] =	ssyncset.done $0x0  }
0x130: {  	[sflag:s23] =	ssyncadd.s32 $0xFFFFE000  }
0x131: {  	_ =	swait.ge [sflag:s23], $0x2000  }
0x132: {  	[sflag:s23] =	ssyncset.done $0x0  }
0x133: {  	[sflag:s23] =	ssyncadd.s32 $0xFFFFE000  }
0x134: {  	_ =	swait.ge [sflag:s23], $0x2000  }
0x135: {  	[sflag:s23] =	ssyncset.done $0x0  }
0x136: {  	s26 =	simm.s32 $0x0;
	[sflag:s23] =	ssyncadd.s32 $0xFFFFE000  }
0x137: {  	v15 =	vld [tilespmem:s26+$0xA640]  }
0x138: {  	v17 =	vld [tilespmem:s26+$0xA650]  }
0x139: {  	v16 =	vld [tilespmem:s26+$0x8640]  }
0x13a: {  	v14 =	vld [tilespmem:s26+$0x8650]  }
0x13b: {  	v13 =	vld [tilespmem:s26+$0x8660]  }
0x13c: {  	v12 =	vld [tilespmem:s26+$0x8670]  }
0x13d: {  	v20 =	vld [tilespmem:s26+$0x6640]  }
0x13e: {  	v19 =	vld [tilespmem:s26+$0x6650]  }
0x13f: {  	s0 =	simm.s32 $0x100;
	v18 =	vld [tilespmem:s26+$0x6660]  }
.LBB2_8:
0x140: {  	p0 =	sne.s32 s0, $0x7F00;
	v21 =	vld [tilespmem:s26+$0x6670]  }
0x141: {  	v22 =	vmul.f32 v15, v9;
	v23 =	vmul.f32 v17, v9;
	v24 =	vld [tilespmem:s26+$0xA660]  }
0x142: {  	s3 =	sshra.s32 s0, $0x2;
	v16 =	vmul.f32 v16, v11;
	v20 =	vmul.f32 v20, v10;
	v25 =	vld [tilespmem:s26+$0xA670]  }
0x143: {  	v14 =	vmul.f32 v14, v11;
	v15 =	vld [tilespmem:s3+$0xA640];
	v19 =	vmul.f32 v19, v10  }
0x144: {  	v13 =	vmul.f32 v13, v11;
	v17 =	vld [tilespmem:s3+$0xA650];
	v20 =	vadd.f32 v16, v20;
	v18 =	vmul.f32 v18, v10  }
0x145: {  	v12 =	vmul.f32 v12, v11;
	v16 =	vld [tilespmem:s3+$0x8640];
	v19 =	vadd.f32 v14, v19;
	v21 =	vmul.f32 v21, v10  }
0x146: {  	v14 =	vld [tilespmem:s3+$0x8650];
	v20 =	vadd.f32 v22, v20;
	v18 =	vadd.f32 v13, v18;
	v22 =	vmul.f32 v24, v9  }
.Ltmp3:
0x147: {  	v13 =	vld [tilespmem:s3+$0x8660];
	v19 =	vadd.f32 v23, v19;
	v21 =	vadd.f32 v12, v21;
	v23 =	vmul.f32 v25, v9;
	(pc) =	sbr.rel @p0 .LBB2_8-.Ltmp3, $4  }
0x148: {  	v12 =	vld [tilespmem:s3+$0x8670];
	[tilespmem:s26+$0x6640] =	vst v20;
	v18 =	vadd.f32 v22, v18  }
0x149: {  	v20 =	vld [tilespmem:s3+$0x6640];
	[tilespmem:s26+$0x6650] =	vst v19;
	v21 =	vadd.f32 v23, v21  }
0x14a: {  	v19 =	vld [tilespmem:s3+$0x6650];
	[tilespmem:s26+$0x6660] =	vst v18  }
0x14b: {  	s0 =	sadd.s32 $0x100, s0;
	v18 =	vld [tilespmem:s3+$0x6660];
	[tilespmem:s26+$0x6670] =	vst v21;
	s26 =	smov.u32 s3  }
0x14c: {  	v21 =	vld [tilespmem:s26+$0x6670]  }
0x14d: {  	v15 =	vmul.f32 v15, v9;
	v17 =	vmul.f32 v17, v9;
	v22 =	vld [tilespmem:s26+$0xA660]  }
0x14e: {  	v16 =	vmul.f32 v16, v11;
	v23 =	vld [tilespmem:s26+$0xA670];
	v20 =	vmul.f32 v20, v10  }
0x14f: {  	v14 =	vmul.f32 v14, v11;
	v19 =	vmul.f32 v19, v10  }
0x150: {  	v13 =	vmul.f32 v13, v11;
	v16 =	vadd.f32 v16, v20;
	v18 =	vmul.f32 v18, v10  }
0x151: {  	v11 =	vmul.f32 v12, v11;
	v14 =	vadd.f32 v14, v19;
	v10 =	vmul.f32 v21, v10  }
0x152: {  	v63 =	vmul.f32 v22, v9;
	v62 =	vadd.f32 v15, v16;
	v13 =	vadd.f32 v13, v18  }
0x153: {  	v9 =	vmul.f32 v23, v9;
	v14 =	vadd.f32 v17, v14;
	v10 =	vadd.f32 v11, v10  }
0x154: {  	[tilespmem:s26+$0x6640] =	vst v62;
	v11 =	vadd.f32 v63, v13  }
0x155: {  	[tilespmem:s26+$0x6650] =	vst v14;
	v9 =	vadd.f32 v9, v10  }
0x156: {  	[tilespmem:s26+$0x6660] =	vst v11  }
0x157: {  	s0 =	rddreg [dreg:$0x19];
	[tilespmem:s26+$0x6670] =	vst v9  }
0x158: {  	[hbm4b:s0+s2] =	stream.linear.scatter [tilespmem:s18], [sflag:$0x5], $0x2000, $0x38;
	[tilespmem:$0xC640] =	vst v63  }
0x159: {  	_ =	swait.ge [sflag:s22], $0x2000  }
0x15a: {  	[sflag:s22] =	ssyncset.done $0x0  }
0x15b: {  	[sflag:s22] =	ssyncadd.s32 $0xFFFFE000  }
0x15c: {  	_ =	swait.ge [sflag:s24], $0x2000  }
0x15d: {  	s25 =	sadd.s32 $0x1, s25;
	s26 =	rddreg [dreg:$0x1a]  }
0x15e: {  	p0 =	sne.s32 s25, s26  }
.Ltmp4:
0x15f: {  	_ = 	snop;
	(pc) =	sbr.rel @p0 .LBB2_1-.Ltmp4, $3  }
0x160: {  	_ =	sdelay $0x1  }
0x161: {  	[sflag:s24] =	ssyncset.done $0x0  }
0x162: {  	[sflag:s24] =	ssyncadd.s32 $0xFFFFE000  }
0x163: {  	_ =	sfence.sel $0x180000  }
0x164: {  	[bflag:$0x0] =	sbarrier.arrive $0xFFFF  }
0x165: {  	_ =	strace $0x90000047  }
0x166: {  	s0 =	stileid.u32;
	[bflag:$0x2] =	sbarrier.arrive $0xFFFF  }
0x167: {  	p0 =	sne.s32 s0, $0x0;
	s0 =	rddreg [dreg:$0x5]  }
0x168: {  	s0 =	sadd.s32 @!p0 $0x100000, s0  }
0x169: {  	[sflag:s0] =	ssyncadd.tile.s32 @!p0 $0x1;
	_ =	shalt  }
.Lfunc_end2:
_tile_overlayer_lowered:
.L_overlay_start_2:
0x16a: {  	(tag) =	ssettag $0x2  }
0x16b: {  	s0 =	rddreg [dreg:$0x0];
	s2 =	stileid.u32  }
0x16c: {  	s1 =	rddreg [dreg:$0x1];
	p0 =	sne.s32 s2, $0x0  }
0x16d: {  	s3 =	rddreg [dreg:$0x2];
	[bflag:$0x3] =	sbarrier.arrive $0xFFFF;
	s2 =	simm.s32 @!p0 $0x1C06  }
0x16e: {  	[timem:s3], [sflag:s2] =	dma.local @!p0 [hbm:s0], s1  }
0x16f: {  	s0 =	simm.s32 @!p0 $0x6  }
0x170: {  	_ =	swait.ge @!p0 [sflag:s0], s1  }
0x171: {  	s1 =	ssub.s32 @!p0 $0x0, s1;
	[sflag:s0] =	ssyncset.done @!p0 $0x0  }
0x172: {  	[sflag:s0] =	ssyncadd.s32 @!p0 s1  }
0x173: {  	[bflag:$0x3] =	sbarrier.arrive $0xFFFF  }
0x174: {  	_ =	shalt  }

// kernel: kernel.7.cloned.1.call-start
scs
__scs_entry_jumppad:
0x0: {  	(pc) =	sbr.rel $0x88, $3  }
0x1: {  	(tag) =	ssettag $0x0;
	lr =	simm.s32 $0x1  }
0x2: {  	[smem:$0x3F94] =	sst lr;
	_ =	strace $0xD0000000  }
0x3: {  	_ = 	snop  }
0x4: {  	_ = 	snop  }
0x5: {  	_ = 	snop  }
0x6: {  	_ = 	snop  }
0x7: {  	_ = 	snop  }
__scs_overlays_trampoline_lowered:
0x8: {  	[smem:$0x3FA3] =	sst s0  }
0x9: {  	[smem:$0x3FA4] =	sst s1  }
0xa: {  	[smem:$0x3FA5] =	sst s2  }
0xb: {  	[smem:$0x3FA6] =	sst s3  }
0xc: {  	[smem:$0x3FA7] =	sst s4  }
0xd: {  	[smem:$0x3FA8] =	sst s5  }
0xe: {  	[smem:$0x3FA9] =	sst s6  }
0xf: {  	[smem:$0x3FAA] =	sst s7  }
0x10: {  	[smem:$0x3FAB] =	sst s8  }
0x11: {  	[smem:$0x3FAC] =	sst s9;
	s0 =	simm.s32 @!p0 $0x0  }
0x12: {  	s1 =	sld [smem:$0x3F92];
	s0 =	simm.s32 @p0 $0x1  }
0x13: {  	[smem:$0x3FAD] =	sst s0;
	s0 =	simm.s32 @!p1 $0x0  }
0x14: {  	s2 =	sld [smem:$0x3F91];
	s0 =	simm.s32 @p1 $0x1  }
0x15: {  	[smem:$0x3FAE] =	sst s0;
	s0 =	simm.s32 @!p2 $0x0  }
0x16: {  	s3 =	sld [smem:$0x3FDB];
	s0 =	simm.s32 @p2 $0x1  }
0x17: {  	s4 =	simm.s32 $0x1BF5;
	[smem:$0x3FB0] =	sst s0  }
0x18: {  	s0 =	sld [smem:$0x3F93];
	_ =	swait.ge [sflag:s4], $0x0  }
0x19: {  	s7 =	sld [smem:$0x3F94]  }
0x1a: {  	s8 =	sadd.s32 $0xFFFFE003, lr  }
0x1b: {  	s9 =	sadd.s32 $0xFFFFFEF7, lr;
	s5 =	simm.s32 $0xFFFFFFFF;
	p2 =	slt.u32 s8, $0xFFFFF086  }
0x1c: {  	p1 =	slt.u32 s9, $0xF7A;
	s5 =	simm.s32 @!p2 $0x0  }
0x1d: {  	s5 =	simm.s32 @p1 $0x1;
	p0 =	seq.s32 s7, s2  }
0x1e: {  	s7 =	smul.u32 @!p0 $0xF7A, s2;
	p2 =	seq.s32 @!p0 s5, $0x0  }
0x1f: {  	s9 =	smul.u32 $0xF7A, s1;
	s8 =	simm.s32 @!p0 $0x1BF5;
	p2 =	por !p2, p0  }
0x20: {  	[sflag:s8] =	ssyncset.s32 @!p0 $0xFFFFF086;
	s6 =	sadd.s32 @!p0 s3, s7;
	s7 =	simm.s32 @!p0 $0x108  }
0x21: {  	s3 =	sadd.s32 s3, s9;
	s6 =	sadd.s32 @!p0 $0x88, s6;
	s7 =	simm.s32 @p2 $0x1082  }
0x22: {  	[simem:s7], [sflag:s8] =	dma.local @!p0 [hbm:s6], $0xF7A  }
0x23: {  	s9 =	sor.u32 $0xD0000000, s2;
	s6 =	simm.s32 $0x108;
	_ =	swait.ge @!p0 [sflag:s8], $0x0  }
0x24: {  	s3 =	sadd.s32 $0x88, s3;
	s6 =	simm.s32 @!p1 $0x1082;
	[sflag:s4] =	ssyncset.s32 $0xFFFFF086  }
0x25: {  	[simem:s6], [sflag:s4] =	dma.local [hbm:s3], $0xF7A  }
0x26: {  	[smem:$0x3F94] =	sst s1;
	(tag) =	ssettag s2;
	_ =	strace s9  }
0x27: {  	s1 =	sld [smem:$0x3FA4]  }
0x28: {  	s2 =	sld [smem:$0x3FA5]  }
0x29: {  	s4 =	sld [smem:$0x3FA7]  }
0x2a: {  	p0 =	seq.s32 s5, $0x0;
	s5 =	sld [smem:$0x3FA8]  }
0x2b: {  	s6 =	sld [smem:$0x3FA9]  }
0x2c: {  	s7 =	sld [smem:$0x3FAA]  }
0x2d: {  	s3 =	simm.s32 $0x108;
	s8 =	sld [smem:$0x3FAB]  }
0x2e: {  	s3 =	simm.s32 @!p0 $0x1082;
	s9 =	sld [smem:$0x3FAC]  }
0x2f: {  	lr =	sadd.s32 s0, s3;
	s0 =	sld [smem:$0x3FA3]  }
0x30: {  	s3 =	sld [smem:$0x3FA6]  }
0x31: {  	[smem:$0x3FAF] =	sst s10  }
0x32: {  	s10 =	sld [smem:$0x3FAD];
	_ =	sdelay $0x3  }
0x33: {  	p0 =	seq.s32 s10, $0x1;
	s10 =	sld [smem:$0x3FAF];
	_ =	sdelay $0x3  }
0x34: {  	[smem:$0x3FAF] =	sst s10  }
0x35: {  	s10 =	sld [smem:$0x3FAE];
	_ =	sdelay $0x3  }
0x36: {  	p1 =	seq.s32 s10, $0x1;
	s10 =	sld [smem:$0x3FAF];
	_ =	sdelay $0x3  }
0x37: {  	[smem:$0x3FAF] =	sst s10  }
0x38: {  	s10 =	sld [smem:$0x3FB0]  }
0x39: {  	_ = 	snop;
	(pc) =	sbr.ind lr, $3  }
0x3a: {  	_ = 	snop  }
0x3b: {  	_ = 	snop  }
0x3c: {  	p2 =	seq.s32 s10, $0x1;
	s10 =	sld [smem:$0x3FAF]  }
0x3d: {  	_ =	shalt  }
0x3e: {  	_ =	shalt  }
0x3f: {  	_ =	shalt  }
0x40: {  	_ =	shalt  }
0x41: {  	_ =	shalt  }
0x42: {  	_ =	shalt  }
0x43: {  	_ =	shalt  }
0x44: {  	_ =	shalt  }
0x45: {  	_ =	shalt  }
0x46: {  	_ =	shalt  }
0x47: {  	_ =	shalt  }
0x48: {  	_ =	shalt  }
0x49: {  	_ =	shalt  }
0x4a: {  	_ =	shalt  }
0x4b: {  	_ =	shalt  }
0x4c: {  	_ =	shalt  }
0x4d: {  	_ =	shalt  }
0x4e: {  	_ =	shalt  }
0x4f: {  	_ =	shalt  }
0x50: {  	_ =	shalt  }
0x51: {  	_ =	shalt  }
0x52: {  	_ =	shalt  }
0x53: {  	_ =	shalt  }
0x54: {  	_ =	shalt  }
0x55: {  	_ =	shalt  }
0x56: {  	_ =	shalt  }
0x57: {  	_ =	shalt  }
0x58: {  	_ =	shalt  }
0x59: {  	_ =	shalt  }
0x5a: {  	_ =	shalt  }
0x5b: {  	_ =	shalt  }
0x5c: {  	_ =	shalt  }
0x5d: {  	_ =	shalt  }
0x5e: {  	_ =	shalt  }
0x5f: {  	_ =	shalt  }
0x60: {  	_ =	shalt  }
0x61: {  	_ =	shalt  }
0x62: {  	_ =	shalt  }
0x63: {  	_ =	shalt  }
0x64: {  	_ =	shalt  }
0x65: {  	_ =	shalt  }
0x66: {  	_ =	shalt  }
0x67: {  	_ =	shalt  }
0x68: {  	_ =	shalt  }
0x69: {  	_ =	shalt  }
0x6a: {  	_ =	shalt  }
0x6b: {  	_ =	shalt  }
0x6c: {  	_ =	shalt  }
0x6d: {  	_ =	shalt  }
0x6e: {  	_ =	shalt  }
0x6f: {  	_ =	shalt  }
0x70: {  	_ =	shalt  }
0x71: {  	_ =	shalt  }
0x72: {  	_ =	shalt  }
0x73: {  	_ =	shalt  }
0x74: {  	_ =	shalt  }
0x75: {  	_ =	shalt  }
0x76: {  	_ =	shalt  }
0x77: {  	_ =	shalt  }
0x78: {  	_ =	shalt  }
0x79: {  	_ =	shalt  }
0x7a: {  	_ =	shalt  }
0x7b: {  	_ =	shalt  }
0x7c: {  	_ =	shalt  }
0x7d: {  	_ =	shalt  }
0x7e: {  	_ =	shalt  }
0x7f: {  	_ =	shalt  }
0x80: {  	_ =	shalt  }
0x81: {  	_ =	shalt  }
0x82: {  	_ =	shalt  }
0x83: {  	_ =	shalt  }
0x84: {  	_ =	shalt  }
0x85: {  	_ =	shalt  }
0x86: {  	_ =	shalt  }
0x87: {  	_ =	shalt  }
.Lfunc_end0:
.L_simem_size_0:
called_computation.1_lowered:
.L_overlay_start_0:
0x88: {  	s2 =	sld [smem:$0x3FD9]  }
0x89: {  	s3 =	sld [smem:$0x3FFE];
	_ =	sdelay $0x1  }
0x8a: {  	s1 =	srdreg.scid  }
0x8b: {  	s0 =	sand.u32 $0x1, s1  }
0x8c: {  	s17 =	sshll.u32 s0, $0xA;
	s2 =	sadd.s32 s3, s2  }
0x8d: {  	s2 =	sadd.s32 s2, s17  }
0x8e: {  	[smem:$0x3FBB] =	sst s2  }
0x8f: {  	_ = 	snop  }
0x90: {  	s2 =	sld [smem:$0x3FC9]  }
0x91: {  	s18 =	sld [smem:$0x3FD0];
	(tm) =	ssettm $0x1  }
0x92: {  	s4 =	sld [smem:$0x3FFB];
	_ =	sdelay $0x3  }
0x93: {  	_ =	strace s4  }
0x94: {  	s4 =	sld [smem:$0x3FFC];
	_ =	sdelay $0x3  }
0x95: {  	_ =	strace s4  }
0x96: {  	s4 =	sld [smem:$0x3FFD];
	_ =	sdelay $0x3  }
0x97: {  	_ =	strace s4  }
0x98: {  	_ =	strace $0x8FFFFFFF  }
0x99: {  	s19 =	sld [smem:$0x3FDB];
	_ =	sdelay $0x1  }
0x9a: {  	s5 =	simm.s32 $_scs_section_size  }
0x9b: {  	s6 =	simm.s32 $_size__tile_overlayer_lowered;
	s7 =	simm.s32 $_tile_overlayer_lowered  }
0x9c: {  	s22 =	simm.s32 $0x1BFF;
	s21 =	sshll.u32 s7, $0x1;
	s4 =	sadd.s32 s5, s19  }
0x9d: {  	s8 =	simm.s32 $0x0;
	s20 =	sshll.u32 s6, $0x1;
	s6 =	sadd.s32 s21, s4  }
0x9e: {  	[timem:s8], [sflag:s22] =	dma.local [hbm:s6], s20  }
0x9f: {  	_ =	swait.ge [sflag:s22], s20  }
0xa0: {  	s5 =	ssub.s32 $0x0, s20;
	[sflag:s22] =	ssyncset.done $0x0  }
0xa1: {  	[sflag:s22] =	ssyncadd.s32 s5;
	_ =	sdelay $0x1  }
0xa2: {  	s23 =	simm.s32 $0x1B8B  }
0xa3: {  	_ =	swait.ge [sflag:s23], $0x1  }
0xa4: {  	[sflag:s23] =	ssyncset.done $0x0  }
0xa5: {  	s25 =	simm.s32 $0x1B8E;
	s24 =	sld [smem:$0x3FFE];
	[sflag:s23] =	ssyncadd.s32 $0xFFFFFFFF  }
0xa6: {  	s26 =	simm.s32 $execute0_lowered;
	[smem:$0x3FD2] =	sst s25  }
0xa7: {  	s6 =	sshll.u32 s26, $0x1;
	_ =	strace $0x80000049;
	[dreg:$0x1] =	wrdreg $0xFFFFFFFF  }
0xa8: {  	s28 =	simm.s32 $_size_execute0_lowered;
	s4 =	sadd.s32 s4, s6;
	[dreg:$0x0] =	wrdreg $0x0  }
0xa9: {  	s6 =	sshll.u32 s28, $0x1;
	[dreg:$0x2] =	wrdreg s4  }
0xaa: {  	[dreg:$0x3] =	wrdreg s6  }
0xab: {  	[dreg:$0x4] =	wrdreg $0xC0  }
0xac: {  	_ =	task [dreg:s8], $0x5FFFF  }
0xad: {  	[dreg:$0x1] =	wrdreg $0xFFFFFFFF  }
0xae: {  	[dreg:$0x0] =	wrdreg $0x60  }
0xaf: {  	[dreg:$0x2] =	wrdreg s2  }
0xb0: {  	[dreg:$0x3] =	wrdreg s24  }
0xb1: {  	[dreg:$0x4] =	wrdreg s18  }
0xb2: {  	[dreg:$0x5] =	wrdreg $0x9  }
0xb3: {  	_ =	task.clear_ibuf [dreg:s8], $0x6FFFF;
	_ =	strace $0x90000049  }
0xb4: {  	s29 =	simm.s32 $0x9;
	_ =	strace $0x8000004B  }
0xb5: {  	_ =	swait.ge [sflag:s29], $0x1  }
0xb6: {  	[sflag:s29] =	ssyncadd.s32 $0xFFFFFFFF  }
0xb7: {  	_ =	strace $0x9000004B  }
0xb8: {  	_ =	sfence  }
0xb9: {  	s30 =	sld [smem:$0x0];
	_ =	sdelay $0x2  }
0xba: {  	s31 =	sshll.u32 s1, $0xD;
	s1 =	sshrl.u32 s1, $0x2  }
0xbb: {  	s3 =	sand.u32 $0x4000, s31;
	s1 =	sadd.s32 s1, s30  }
0xbc: {  	s0 =	sor.u32 s3, s0;
	s1 =	sshll.u32 s1, $0x11  }
0xbd: {  	s0 =	sor.u32 s1, s0  }
0xbe: {  	s0 =	sadd.s32 $0x8F2B, s0  }
0xbf: {  	[sflag:s0] =	ssyncadd.remote.s32 $0x1  }
0xc0: {  	_ =	sfence.sel $0xFFFF  }
0xc1: {  	[dreg:$0x0] =	wrdreg $0xFFFFFFFF;
	(pc) =	sbr.abs _section_cstart, $3  }
0xc2: {  	[dreg:$0x1] =	wrdreg $0xFFFFFFFF  }
0xc3: {  	_ =	task.clear_ibuf [dreg:s8], $0x2FFFF;
	_ =	strace $0x9FFFFFFF  }
0xc4: {  	(tm) =	ssettm $0x7FFFFFFF  }
0xc5: {  	_ =	shalt  }
tec
execute0_lowered:
.L_overlay_start_1:
0x0: {  	(tag) =	ssettag $0x1  }
0x1: {  	s0 =	rddreg [dreg:$0x0]  }
0x2: {  	s4 =	rddreg [dreg:$0x1]  }
0x3: {  	s5 =	rddreg [dreg:$0x2];
	s1 =	simm.s32 $0x0;
	s7 =	srdreg.scid  }
0x4: {  	s10 =	stileid.u32;
	s28 =	simm.s32 $0xC0;
	s29 =	simm.s32 $0x140  }
0x5: {  	s30 =	simm.s32 $0x1C0;
	s31 =	simm.s32 $0x1;
	s2 =	sadd.s32 $0x20DE00, s4  }
0x6: {  	[smem:$0x7FF] =	sst s1;
	s3 =	sadd.s32 $0x2D1400, s4;
	s6 =	sadd.s32 $0x67400, s4  }
0x7: {  	s8 =	sadd.s32 $0x66C00, s4;
	s11 =	sadd.s32 $0x67000, s4;
	s7 =	sand.u32 $0x1, s7  }
0x8: {  	s12 =	sadd.s32 $0x66E00, s4;
	_ =	strace $0x8000004A;
	[dreg:$0x4] =	wrdreg s8  }
0x9: {  	s10 =	sshll.u32 s10, $0xA;
	s4 =	sadd.s32 $0x67200, s4;
	[dreg:$0x5] =	wrdreg s11  }
0xa: {  	[dreg:$0x6] =	wrdreg s12;
	s13 =	ssub.s32 $0x2, s7;
	s7 =	sshll.u32 s7, $0x9  }
0xb: {  	[dreg:$0x7] =	wrdreg s4;
	s9 =	sshrl.u32 s13, $0x1;
	s7 =	sor.u32 s7, s10  }
0xc: {  	v0 =	vimm.s32 $0xFEDCBA98;
	s4 =	simm.s32 $0x240;
	s14 =	ssub.s32 s13, s9;
	s17 =	sshrl.u32 s7, $0x3  }
0xd: {  	v1 =	vimm.f32 $3.000000000e+00;
	vm0 =	vcmask $0xF00;
	v2 =	vimm.s32 $0x76543210;
	s18 =	sor.u32 $0x80, s7;
	s10 =	sor.u32 $0x100, s7;
	s21 =	sor.u32 $0x180, s7  }
0xe: {  	v3 =	vimm.s32 $0xBA98FEDC;
	v4 =	vimm.s32 $0x32107654;
	v5 =	vimm.s32 $0xDCFE98BA;
	s7 =	sshll.u32 s7, $0x3;
	s8 =	sadd.s32 s0, s17;
	s19 =	sshrl.u32 s18, $0x3  }
0xf: {  	v6 =	vimm.s32 $0x54761032;
	v7 =	vimm.s32 $0xEFCDAB89;
	v8 =	vimm.s32 $0x67452301;
	s11 =	sshrl.u32 s10, $0x3;
	s22 =	sshrl.u32 s21, $0x3;
	s9 =	sshll.u32 s18, $0x3  }
0x10: {  	v0 =	vunpack.c.l.s4.s8 v0;
	v1 =	vsel vm0, $0x0, v1;
	vm0 =	vcmask $0x1F10;
	s23 =	sadd.s32 s6, s7;
	s15 =	sadd.s32 s5, s7;
	s25 =	sshll.u32 s10, $0x3  }
0x11: {  	v2 =	vunpack.c.l.s4.s8 v2;
	v3 =	vunpack.c.l.s4.s8 v3;
	v4 =	vunpack.c.l.s4.s8 v4;
	s26 =	sshll.u32 s21, $0x3;
	s21 =	smax.u32 s14, $0x1;
	s7 =	simm.s32 $0x2  }
0x12: {  	v5 =	vunpack.c.l.s4.s8 v5;
	v6 =	vunpack.c.l.s4.s8 v6;
	v7 =	vunpack.c.l.s4.s8 v7;
	s10 =	simm.s32 $0x5;
	[dreg:$0x8] =	wrdreg s8;
	s8 =	sadd.s32 s0, s19  }
0x13: {  	v8 =	vunpack.c.l.s4.s8 v8;
	v1 =	vsel vm0, $0x3F800000, v1;
	vm0 =	vcmask $0x2F20;
	s20 =	sadd.s32 s0, s11;
	s0 =	sadd.s32 s0, s22;
	[dreg:$0xc] =	wrdreg s23  }
0x14: {  	v0 =	vunpack.c.0.s8.s32 v0;
	v2 =	vunpack.c.0.s8.s32 v2;
	v3 =	vunpack.c.0.s8.s32 v3;
	s24 =	sadd.s32 s6, s9;
	s16 =	sadd.s32 s6, s25;
	s17 =	sadd.s32 s5, s9  }
0x15: {  	v4 =	vunpack.c.0.s8.s32 v4;
	v5 =	vunpack.c.0.s8.s32 v5;
	v6 =	vunpack.c.0.s8.s32 v6;
	s18 =	sadd.s32 s6, s26;
	s19 =	sadd.s32 s5, s25;
	[dreg:$0x9] =	wrdreg s8  }
0x16: {  	v7 =	vunpack.c.0.s8.s32 v7;
	v8 =	vunpack.c.0.s8.s32 v8;
	v0 =	vand.u32 $0xF, v0;
	s22 =	simm.s32 $0x6;
	s23 =	simm.s32 $0x2240;
	[dreg:$0xa] =	wrdreg s20  }
0x17: {  	v1 =	vsel vm0, $0x40000000, v1;
	v0 =	vcombine.low v0, v2;
	v2 =	vcombine.low v4, v3;
	s25 =	simm.s32 $0x6240;
	s6 =	simm.s32 $0xA240;
	[dreg:$0xb] =	wrdreg s0  }
0x18: {  	v4 =	vcombine.low v6, v5;
	v3 =	vlaneseq.u32;
	v5 =	vcombine.low v8, v7;
	s9 =	simm.s32 $0x3;
	s11 =	simm.s32 $0x0;
	[dreg:$0xd] =	wrdreg s24  }
0x19: {  	vm0 =	vmmov $0xf;
	v6 =	vimm.s32 $0x0;
	s20 =	sadd.s32 s5, s26;
	s26 =	simm.s32 $0x40;
	s0 =	simm.s32 $0x80;
	v3 =	vshrl.u32 v3, $0x2  }
0x1a: {  	s24 =	simm.s32 $0x4240;
	s5 =	simm.s32 $0x8240;
	s8 =	simm.s32 $0x4;
	v2 =	vand.u32 $0xF, v2;
	v4 =	vand.u32 $0xF, v4;
	v5 =	vand.u32 $0xF, v5  }
.LBB2_1:
0x1b: {  	s12 =	rddreg [dreg:$0x4]  }
0x1c: {  	[tilespmem:s1], [sflag:$0x6] =	stream.linear.gather [hbm4b:s12+s1], $0x10, $0x38;
	[tilespmem:$0xC240] =	vst v63  }
0x1d: {  	_ =	swait.ge [sflag:s22], $0x10  }
0x1e: {  	[sflag:s22] =	ssyncset.done $0x0  }
0x1f: {  	s13 =	simm.s32 $0x10;
	s14 =	rddreg [dreg:$0x5];
	[sflag:s22] =	ssyncadd.s32 $0xFFFFFFF0  }
0x20: {  	[tilespmem:s13], [sflag:$0x6] =	stream.linear.gather [hbm4b:s14+s1], $0x10, $0x38;
	[tilespmem:$0xC240] =	vst v63  }
0x21: {  	_ =	swait.ge [sflag:s22], $0x10  }
0x22: {  	[sflag:s22] =	ssyncset.done $0x0  }
0x23: {  	s14 =	simm.s32 $0x20;
	s13 =	rddreg [dreg:$0x6];
	[sflag:s22] =	ssyncadd.s32 $0xFFFFFFF0  }
0x24: {  	[tilespmem:s14], [sflag:$0x6] =	stream.linear.gather [hbm4b:s13+s1], $0x10, $0x38;
	[tilespmem:$0xC240] =	vst v63  }
0x25: {  	_ =	swait.ge [sflag:s22], $0x10  }
0x26: {  	[sflag:s22] =	ssyncset.done $0x0  }
0x27: {  	s14 =	simm.s32 $0x30;
	s13 =	rddreg [dreg:$0x7];
	[sflag:s22] =	ssyncadd.s32 $0xFFFFFFF0  }
0x28: {  	[tilespmem:s14], [sflag:$0x6] =	stream.linear.gather [hbm4b:s13+s1], $0x10, $0x38;
	[tilespmem:$0xC240] =	vst v63  }
0x29: {  	_ =	swait.ge [sflag:s22], $0x10  }
0x2a: {  	[sflag:s22] =	ssyncset.done $0x0  }
0x2b: {  	[sflag:s22] =	ssyncadd.s32 $0xFFFFFFF0  }
0x2c: {  	v7 =	vld [tilespmem:$0x0];
	_ =	sdelay $0x4  }
0x2d: {  	v7 =	vmul.f32 v1, v7;
	_ =	sdelay $0x1  }
0x2e: {  	v8 =	vperm.xlane v7, v0;
	_ =	sdelay $0x1  }
0x2f: {  	v7 =	vadd.f32 v8, v7  }
0x30: {  	v8 =	vld [tilespmem:$0x10]  }
0x31: {  	v9 =	vperm.xlane v7, v2;
	_ =	sdelay $0x1  }
0x32: {  	v7 =	vadd.f32 v9, v7;
	_ =	sdelay $0x1  }
0x33: {  	v7 =	vadd.f32 v8, v7  }
0x34: {  	v8 =	vld [tilespmem:$0x20]  }
0x35: {  	v7 =	vmax.f32 v7, $0.0e+00  }
0x36: {  	v7 =	vnsel vm0, $0x0, v7  }
0x37: {  	v7 =	vperm.xlane v7, v3;
	_ =	sdelay $0x1  }
0x38: {  	v7 =	vmul.f32 v8, v7;
	_ =	sdelay $0x1  }
0x39: {  	v8 =	vperm.xlane v7, v0;
	_ =	sdelay $0x1  }
0x3a: {  	v7 =	vadd.f32 v8, v7  }
0x3b: {  	v8 =	vld [tilespmem:$0x30]  }
0x3c: {  	v9 =	vperm.xlane v7, v2;
	_ =	sdelay $0x1  }
0x3d: {  	v7 =	vadd.f32 v9, v7;
	_ =	sdelay $0x1  }
0x3e: {  	v7 =	vadd.f32 v8, v7;
	_ =	sdelay $0x1  }
0x3f: {  	v7 =	vnsel vm0, $0xF149F2CA, v7  }
0x40: {  	v8 =	vperm.xlane v7, v0;
	_ =	sdelay $0x1  }
0x41: {  	v8 =	vmax.f32 v7, v8  }
0x42: {  	v9 =	vperm.xlane v8, v2;
	_ =	sdelay $0x1  }
0x43: {  	v8 =	vmax.f32 v8, v9  }
0x44: {  	v9 =	vperm.xlane v8, v4;
	_ =	sdelay $0x1  }
0x45: {  	v8 =	vmax.f32 v8, v9  }
0x46: {  	v9 =	vperm.xlane v8, v5;
	_ =	sdelay $0x1  }
0x47: {  	v8 =	vmax.f32 v8, v9  }
0x48: {  	v7 =	vsub.f32 v7, v8;
	_ =	sdelay $0x1  }
0x49: {  	v7 =	vmul.f32 $1.442695020e+00, v7;
	_ =	sdelay $0x1  }
0x4a: {  	(erf) = vpow2.f32 v7;
	_ =	sdelay $0x8  }
0x4b: {  	v7 =	vpop (erf)  }
0x4c: {  	v8 =	vperm.xlane v7, v0;
	_ =	sdelay $0x1  }
0x4d: {  	v8 =	vadd.f32 v7, v8;
	_ =	sdelay $0x1  }
0x4e: {  	v9 =	vperm.xlane v8, v2;
	_ =	sdelay $0x1  }
0x4f: {  	v8 =	vadd.f32 v8, v9;
	_ =	sdelay $0x1  }
0x50: {  	v9 =	vperm.xlane v8, v4;
	_ =	sdelay $0x1  }
0x51: {  	v8 =	vadd.f32 v8, v9;
	_ =	sdelay $0x1  }
0x52: {  	v9 =	vperm.xlane v8, v5;
	_ =	sdelay $0x1  }
0x53: {  	v8 =	vadd.f32 v8, v9;
	_ =	sdelay $0x1  }
0x54: {  	(erf) = vrcp.f32 v8;
	_ =	sdelay $0x1  }
0x55: {  	s13 =	rddreg [dreg:$0x8]  }
0x56: {  	[tilespmem:s26], [sflag:$0x1] =	stream.linear.gather [hbm4b:s13+s1], $0x80, $0x38;
	[tilespmem:$0xC240] =	vst v63  }
0x57: {  	s14 =	rddreg [dreg:$0x9]  }
0x58: {  	[tilespmem:s28], [sflag:$0x1] =	stream.linear.gather [hbm4b:s14+s1], $0x80, $0x38;
	[tilespmem:$0xC240] =	vst v63  }
0x59: {  	s13 =	rddreg [dreg:$0xa]  }
0x5a: {  	[tilespmem:s29], [sflag:$0x1] =	stream.linear.gather [hbm4b:s13+s1], $0x80, $0x38;
	[tilespmem:$0xC240] =	vst v63  }
0x5b: {  	s14 =	rddreg [dreg:$0xb]  }
0x5c: {  	[tilespmem:s30], [sflag:$0x1] =	stream.linear.gather [hbm4b:s14+s1], $0x80, $0x38;
	v10 =	vpop (erf);
	[tilespmem:$0xC240] =	vst v63  }
0x5d: {  	_ =	swait.ge [sflag:s31], $0x80  }
0x5e: {  	[sflag:s31] =	ssyncset.done $0x0  }
0x5f: {  	[sflag:s31] =	ssyncadd.s32 $0xFFFFFF80  }
0x60: {  	_ =	swait.ge [sflag:s31], $0x80  }
0x61: {  	[sflag:s31] =	ssyncset.done $0x0  }
0x62: {  	[sflag:s31] =	ssyncadd.s32 $0xFFFFFF80  }
0x63: {  	_ =	swait.ge [sflag:s31], $0x80  }
0x64: {  	[sflag:s31] =	ssyncset.done $0x0  }
0x65: {  	[sflag:s31] =	ssyncadd.s32 $0xFFFFFF80  }
0x66: {  	_ =	swait.ge [sflag:s31], $0x80  }
0x67: {  	[sflag:s31] =	ssyncset.done $0x0  }
0x68: {  	[sflag:s31] =	ssyncadd.s32 $0xFFFFFF80  }
0x69: {  	[tilespmem:s4], [sflag:$0x2] =	stream.indirect.gather [hbm4b:s2+s0], $0x40, s26, s0, $0xb8;
	[tilespmem:$0xC240] =	vst v63  }
0x6a: {  	_ = 	snop  }
0x6b: {  	[tilespmem:s23], [sflag:$0x2] =	stream.indirect.gather [hbm4b:s3+s0], $0x40, s26, s0, $0xb8;
	[tilespmem:$0xC240] =	vst v63  }
0x6c: {  	s13 =	rddreg [dreg:$0xc]  }
0x6d: {  	[tilespmem:s24], [sflag:$0x2] =	stream.linear.gather [hbm4b:s13+s1], $0x2000, $0x38;
	[tilespmem:$0xC240] =	vst v63  }
0x6e: {  	_ = 	snop  }
0x6f: {  	[tilespmem:s25], [sflag:$0x3] =	stream.indirect.gather [hbm4b:s2+s0], $0x40, s28, s0, $0xb8;
	[tilespmem:$0xC240] =	vst v63  }
0x70: {  	_ = 	snop  }
0x71: {  	[tilespmem:s5], [sflag:$0x3] =	stream.indirect.gather [hbm4b:s3+s0], $0x40, s28, s0, $0xb8;
	[tilespmem:$0xC240] =	vst v63  }
0x72: {  	s14 =	rddreg [dreg:$0xd]  }
0x73: {  	[tilespmem:s6], [sflag:$0x3] =	stream.linear.gather [hbm4b:s14+s1], $0x2000, $0x38;
	[tilespmem:$0xC240] =	vst v63  }
0x74: {  	_ =	swait.ge [sflag:s7], $0x2000  }
0x75: {  	[sflag:s7] =	ssyncset.done $0x0  }
0x76: {  	[sflag:s7] =	ssyncadd.s32 $0xFFFFE000  }
0x77: {  	_ =	swait.ge [sflag:s7], $0x2000  }
0x78: {  	[sflag:s7] =	ssyncset.done $0x0  }
0x79: {  	[sflag:s7] =	ssyncadd.s32 $0xFFFFE000  }
0x7a: {  	_ =	swait.ge [sflag:s7], $0x2000  }
0x7b: {  	[sflag:s7] =	ssyncset.done $0x0  }
0x7c: {  	s12 =	simm.s32 $0x0;
	[sflag:s7] =	ssyncadd.s32 $0xFFFFE000  }
0x7d: {  	v8 =	vld [tilespmem:s12+$0x4240]  }
0x7e: {  	v9 =	vld [tilespmem:s12+$0x4250]  }
0x7f: {  	v12 =	vld [tilespmem:s12+$0x2240]  }
0x80: {  	v13 =	vld [tilespmem:s12+$0x2250]  }
0x81: {  	v7 =	vmul.f32 v10, v7;
	v11 =	vld [tilespmem:s12+$0x2260]  }
0x82: {  	v10 =	vld [tilespmem:s12+$0x2270]  }
0x83: {  	v7 =	vperm.xlane v7, v6;
	s13 =	simm.s32 $0x100;
	v14 =	vld [tilespmem:s12+$0x240]  }
.LBB2_2:
0x84: {  	p0 =	sne.s32 s13, $0x7F00;
	v15 =	vld [tilespmem:s12+$0x250]  }
0x85: {  	v16 =	vld [tilespmem:s12+$0x260]  }
0x86: {  	v12 =	vmul.f32 v12, v7;
	v17 =	vld [tilespmem:s12+$0x270]  }
0x87: {  	v13 =	vmul.f32 v13, v7;
	v18 =	vld [tilespmem:s12+$0x4260]  }
0x88: {  	s14 =	sshra.s32 s13, $0x2;
	v11 =	vmul.f32 v11, v7;
	v12 =	vadd.f32 v12, v14;
	v14 =	vld [tilespmem:s12+$0x4270]  }
0x89: {  	v10 =	vmul.f32 v10, v7;
	v19 =	vld [tilespmem:s14+$0x4240];
	v13 =	vadd.f32 v13, v15  }
0x8a: {  	v15 =	vld [tilespmem:s14+$0x4250];
	v8 =	vadd.f32 v12, v8;
	v11 =	vadd.f32 v11, v16  }
.Ltmp0:
0x8b: {  	v12 =	vld [tilespmem:s14+$0x2240];
	v9 =	vadd.f32 v13, v9;
	v10 =	vadd.f32 v10, v17;
	(pc) =	sbr.rel @p0 .LBB2_2-.Ltmp0, $4  }
0x8c: {  	v13 =	vld [tilespmem:s14+$0x2250];
	[tilespmem:s12+$0x240] =	vst v8;
	v16 =	vadd.f32 v11, v18  }
0x8d: {  	v11 =	vld [tilespmem:s14+$0x2260];
	[tilespmem:s12+$0x250] =	vst v9;
	v17 =	vadd.f32 v10, v14  }
0x8e: {  	v10 =	vld [tilespmem:s14+$0x2270];
	[tilespmem:s12+$0x260] =	vst v16;
	v8 =	vmov v19  }
0x8f: {  	s13 =	sadd.s32 $0x100, s13;
	v14 =	vld [tilespmem:s14+$0x240];
	[tilespmem:s12+$0x270] =	vst v17;
	v9 =	vmov v15;
	s12 =	smov.u32 s14  }
0x90: {  	v15 =	vld [tilespmem:s12+$0x250]  }
0x91: {  	v16 =	vld [tilespmem:s12+$0x260]  }
0x92: {  	v12 =	vmul.f32 v12, v7;
	v17 =	vld [tilespmem:s12+$0x270]  }
0x93: {  	v18 =	vld [tilespmem:s12+$0x4260];
	v13 =	vmul.f32 v13, v7  }
0x94: {  	v11 =	vmul.f32 v11, v7;
	v12 =	vadd.f32 v12, v14;
	v14 =	vld [tilespmem:s12+$0x4270]  }
0x95: {  	v10 =	vmul.f32 v10, v7;
	v13 =	vadd.f32 v13, v15  }
0x96: {  	v11 =	vadd.f32 v11, v16;
	v8 =	vadd.f32 v12, v8  }
0x97: {  	v10 =	vadd.f32 v10, v17;
	v9 =	vadd.f32 v13, v9  }
0x98: {  	[tilespmem:s12+$0x240] =	vst v8;
	v8 =	vadd.f32 v11, v18  }
0x99: {  	[tilespmem:s12+$0x250] =	vst v9;
	v9 =	vadd.f32 v10, v14  }
0x9a: {  	[tilespmem:s12+$0x260] =	vst v8  }
0x9b: {  	s14 =	simm.s32 $0x0;
	[tilespmem:s12+$0x270] =	vst v9  }
0x9c: {  	[hbm4b:s15+s14] =	stream.linear.scatter [tilespmem:s4], [sflag:$0x4], $0x2000, $0x38;
	[tilespmem:$0xC240] =	vst v63  }
0x9d: {  	_ =	swait.ge [sflag:s8], $0x2000  }
0x9e: {  	[sflag:s8] =	ssyncset.done $0x0  }
0x9f: {  	[sflag:s8] =	ssyncadd.s32 $0xFFFFE000  }
0xa0: {  	[tilespmem:s4], [sflag:$0x2] =	stream.indirect.gather [hbm4b:s2+s0], $0x40, s29, s0, $0xb8;
	[tilespmem:$0xC240] =	vst v63  }
0xa1: {  	_ = 	snop  }
0xa2: {  	[tilespmem:s23], [sflag:$0x2] =	stream.indirect.gather [hbm4b:s3+s0], $0x40, s29, s0, $0xb8;
	[tilespmem:$0xC240] =	vst v63  }
0xa3: {  	_ = 	snop  }
0xa4: {  	[tilespmem:s24], [sflag:$0x2] =	stream.linear.gather [hbm4b:s16+s14], $0x2000, $0x38;
	[tilespmem:$0xC240] =	vst v63  }
0xa5: {  	_ =	swait.ge [sflag:s9], $0x2000  }
0xa6: {  	[sflag:s9] =	ssyncset.done $0x0  }
0xa7: {  	[sflag:s9] =	ssyncadd.s32 $0xFFFFE000  }
0xa8: {  	_ =	swait.ge [sflag:s9], $0x2000  }
0xa9: {  	[sflag:s9] =	ssyncset.done $0x0  }
0xaa: {  	[sflag:s9] =	ssyncadd.s32 $0xFFFFE000  }
0xab: {  	_ =	swait.ge [sflag:s9], $0x2000  }
0xac: {  	[sflag:s9] =	ssyncset.done $0x0  }
0xad: {  	s12 =	simm.s32 $0x0;
	[sflag:s9] =	ssyncadd.s32 $0xFFFFE000  }
0xae: {  	v8 =	vld [tilespmem:s12+$0xA240]  }
0xaf: {  	v9 =	vld [tilespmem:s12+$0xA250]  }
0xb0: {  	v12 =	vld [tilespmem:s12+$0x8240]  }
0xb1: {  	v13 =	vld [tilespmem:s12+$0x8250]  }
0xb2: {  	v11 =	vld [tilespmem:s12+$0x8260]  }
0xb3: {  	v10 =	vld [tilespmem:s12+$0x8270]  }
0xb4: {  	s13 =	simm.s32 $0x100;
	v14 =	vld [tilespmem:s12+$0x6240]  }
.LBB2_4:
0xb5: {  	p0 =	sne.s32 s13, $0x7F00;
	v15 =	vld [tilespmem:s12+$0x6250]  }
0xb6: {  	v16 =	vld [tilespmem:s12+$0x6260]  }
0xb7: {  	v12 =	vmul.f32 v12, v7;
	v17 =	vld [tilespmem:s12+$0x6270]  }
0xb8: {  	v13 =	vmul.f32 v13, v7;
	v18 =	vld [tilespmem:s12+$0xA260]  }
0xb9: {  	s14 =	sshra.s32 s13, $0x2;
	v11 =	vmul.f32 v11, v7;
	v12 =	vadd.f32 v12, v14;
	v14 =	vld [tilespmem:s12+$0xA270]  }
0xba: {  	v10 =	vmul.f32 v10, v7;
	v19 =	vld [tilespmem:s14+$0xA240];
	v13 =	vadd.f32 v13, v15  }
0xbb: {  	v15 =	vld [tilespmem:s14+$0xA250];
	v8 =	vadd.f32 v12, v8;
	v11 =	vadd.f32 v11, v16  }
.Ltmp1:
0xbc: {  	v12 =	vld [tilespmem:s14+$0x8240];
	v9 =	vadd.f32 v13, v9;
	v10 =	vadd.f32 v10, v17;
	(pc) =	sbr.rel @p0 .LBB2_4-.Ltmp1, $4  }
0xbd: {  	v13 =	vld [tilespmem:s14+$0x8250];
	[tilespmem:s12+$0x6240] =	vst v8;
	v16 =	vadd.f32 v11, v18  }
0xbe: {  	v11 =	vld [tilespmem:s14+$0x8260];
	[tilespmem:s12+$0x6250] =	vst v9;
	v17 =	vadd.f32 v10, v14  }
0xbf: {  	v10 =	vld [tilespmem:s14+$0x8270];
	[tilespmem:s12+$0x6260] =	vst v16;
	v8 =	vmov v19  }
0xc0: {  	s13 =	sadd.s32 $0x100, s13;
	v14 =	vld [tilespmem:s14+$0x6240];
	[tilespmem:s12+$0x6270] =	vst v17;
	v9 =	vmov v15;
	s12 =	smov.u32 s14  }
0xc1: {  	v15 =	vld [tilespmem:s12+$0x6250]  }
0xc2: {  	v16 =	vld [tilespmem:s12+$0x6260]  }
0xc3: {  	v12 =	vmul.f32 v12, v7;
	v17 =	vld [tilespmem:s12+$0x6270]  }
0xc4: {  	v18 =	vld [tilespmem:s12+$0xA260];
	v13 =	vmul.f32 v13, v7  }
0xc5: {  	v11 =	vmul.f32 v11, v7;
	v12 =	vadd.f32 v12, v14;
	v14 =	vld [tilespmem:s12+$0xA270]  }
0xc6: {  	v10 =	vmul.f32 v10, v7;
	v13 =	vadd.f32 v13, v15  }
0xc7: {  	v11 =	vadd.f32 v11, v16;
	v8 =	vadd.f32 v12, v8  }
0xc8: {  	v10 =	vadd.f32 v10, v17;
	v9 =	vadd.f32 v13, v9  }
0xc9: {  	[tilespmem:s12+$0x6240] =	vst v8;
	v8 =	vadd.f32 v11, v18  }
0xca: {  	[tilespmem:s12+$0x6250] =	vst v9;
	v9 =	vadd.f32 v10, v14  }
0xcb: {  	[tilespmem:s12+$0x6260] =	vst v8  }
0xcc: {  	s14 =	simm.s32 $0x0;
	[tilespmem:s12+$0x6270] =	vst v9  }
0xcd: {  	[hbm4b:s17+s14] =	stream.linear.scatter [tilespmem:s25], [sflag:$0x5], $0x2000, $0x38;
	[tilespmem:$0xC240] =	vst v63  }
0xce: {  	_ =	swait.ge [sflag:s10], $0x2000  }
0xcf: {  	[sflag:s10] =	ssyncset.done $0x0  }
0xd0: {  	[sflag:s10] =	ssyncadd.s32 $0xFFFFE000  }
0xd1: {  	[tilespmem:s25], [sflag:$0x3] =	stream.indirect.gather [hbm4b:s2+s0], $0x40, s30, s0, $0xb8;
	[tilespmem:$0xC240] =	vst v63  }
0xd2: {  	_ = 	snop  }
0xd3: {  	[tilespmem:s5], [sflag:$0x3] =	stream.indirect.gather [hbm4b:s3+s0], $0x40, s30, s0, $0xb8;
	[tilespmem:$0xC240] =	vst v63  }
0xd4: {  	_ = 	snop  }
0xd5: {  	[tilespmem:s6], [sflag:$0x3] =	stream.linear.gather [hbm4b:s18+s14], $0x2000, $0x38;
	[tilespmem:$0xC240] =	vst v63  }
0xd6: {  	_ =	swait.ge [sflag:s7], $0x2000  }
0xd7: {  	[sflag:s7] =	ssyncset.done $0x0  }
0xd8: {  	[sflag:s7] =	ssyncadd.s32 $0xFFFFE000  }
0xd9: {  	_ =	swait.ge [sflag:s7], $0x2000  }
0xda: {  	[sflag:s7] =	ssyncset.done $0x0  }
0xdb: {  	[sflag:s7] =	ssyncadd.s32 $0xFFFFE000  }
0xdc: {  	_ =	swait.ge [sflag:s7], $0x2000  }
0xdd: {  	[sflag:s7] =	ssyncset.done $0x0  }
0xde: {  	s12 =	simm.s32 $0x0;
	[sflag:s7] =	ssyncadd.s32 $0xFFFFE000  }
0xdf: {  	v8 =	vld [tilespmem:s12+$0x4240]  }
0xe0: {  	v9 =	vld [tilespmem:s12+$0x4250]  }
0xe1: {  	v12 =	vld [tilespmem:s12+$0x2240]  }
0xe2: {  	v13 =	vld [tilespmem:s12+$0x2250]  }
0xe3: {  	v11 =	vld [tilespmem:s12+$0x2260]  }
0xe4: {  	v10 =	vld [tilespmem:s12+$0x2270]  }
0xe5: {  	s13 =	simm.s32 $0x100;
	v14 =	vld [tilespmem:s12+$0x240]  }
.LBB2_6:
0xe6: {  	p0 =	sne.s32 s13, $0x7F00;
	v15 =	vld [tilespmem:s12+$0x250]  }
0xe7: {  	v16 =	vld [tilespmem:s12+$0x260]  }
0xe8: {  	v12 =	vmul.f32 v12, v7;
	v17 =	vld [tilespmem:s12+$0x270]  }
0xe9: {  	v13 =	vmul.f32 v13, v7;
	v18 =	vld [tilespmem:s12+$0x4260]  }
0xea: {  	s14 =	sshra.s32 s13, $0x2;
	v11 =	vmul.f32 v11, v7;
	v12 =	vadd.f32 v12, v14;
	v14 =	vld [tilespmem:s12+$0x4270]  }
0xeb: {  	v10 =	vmul.f32 v10, v7;
	v19 =	vld [tilespmem:s14+$0x4240];
	v13 =	vadd.f32 v13, v15  }
0xec: {  	v15 =	vld [tilespmem:s14+$0x4250];
	v8 =	vadd.f32 v12, v8;
	v11 =	vadd.f32 v11, v16  }
.Ltmp2:
0xed: {  	v12 =	vld [tilespmem:s14+$0x2240];
	v9 =	vadd.f32 v13, v9;
	v10 =	vadd.f32 v10, v17;
	(pc) =	sbr.rel @p0 .LBB2_6-.Ltmp2, $4  }
0xee: {  	v13 =	vld [tilespmem:s14+$0x2250];
	[tilespmem:s12+$0x240] =	vst v8;
	v16 =	vadd.f32 v11, v18  }
0xef: {  	v11 =	vld [tilespmem:s14+$0x2260];
	[tilespmem:s12+$0x250] =	vst v9;
	v17 =	vadd.f32 v10, v14  }
0xf0: {  	v10 =	vld [tilespmem:s14+$0x2270];
	[tilespmem:s12+$0x260] =	vst v16;
	v8 =	vmov v19  }
0xf1: {  	s13 =	sadd.s32 $0x100, s13;
	v14 =	vld [tilespmem:s14+$0x240];
	[tilespmem:s12+$0x270] =	vst v17;
	v9 =	vmov v15;
	s12 =	smov.u32 s14  }
0xf2: {  	v15 =	vld [tilespmem:s12+$0x250]  }
0xf3: {  	v16 =	vld [tilespmem:s12+$0x260]  }
0xf4: {  	v12 =	vmul.f32 v12, v7;
	v17 =	vld [tilespmem:s12+$0x270]  }
0xf5: {  	v18 =	vld [tilespmem:s12+$0x4260];
	v13 =	vmul.f32 v13, v7  }
0xf6: {  	v11 =	vmul.f32 v11, v7;
	v12 =	vadd.f32 v12, v14;
	v14 =	vld [tilespmem:s12+$0x4270]  }
0xf7: {  	v10 =	vmul.f32 v10, v7;
	v13 =	vadd.f32 v13, v15  }
0xf8: {  	v11 =	vadd.f32 v11, v16;
	v8 =	vadd.f32 v12, v8  }
0xf9: {  	v10 =	vadd.f32 v10, v17;
	v9 =	vadd.f32 v13, v9  }
0xfa: {  	[tilespmem:s12+$0x240] =	vst v8;
	v8 =	vadd.f32 v11, v18  }
0xfb: {  	[tilespmem:s12+$0x250] =	vst v9;
	v9 =	vadd.f32 v10, v14  }
0xfc: {  	[tilespmem:s12+$0x260] =	vst v8  }
0xfd: {  	s14 =	simm.s32 $0x0;
	[tilespmem:s12+$0x270] =	vst v9  }
0xfe: {  	[hbm4b:s19+s14] =	stream.linear.scatter [tilespmem:s4], [sflag:$0x4], $0x2000, $0x38;
	[tilespmem:$0xC240] =	vst v63  }
0xff: {  	_ =	swait.ge [sflag:s9], $0x2000  }
0x100: {  	[sflag:s9] =	ssyncset.done $0x0  }
0x101: {  	[sflag:s9] =	ssyncadd.s32 $0xFFFFE000  }
0x102: {  	_ =	swait.ge [sflag:s9], $0x2000  }
0x103: {  	[sflag:s9] =	ssyncset.done $0x0  }
0x104: {  	[sflag:s9] =	ssyncadd.s32 $0xFFFFE000  }
0x105: {  	_ =	swait.ge [sflag:s9], $0x2000  }
0x106: {  	[sflag:s9] =	ssyncset.done $0x0  }
0x107: {  	s12 =	simm.s32 $0x0;
	[sflag:s9] =	ssyncadd.s32 $0xFFFFE000  }
0x108: {  	v8 =	vld [tilespmem:s12+$0xA240]  }
0x109: {  	v9 =	vld [tilespmem:s12+$0xA250]  }
0x10a: {  	v12 =	vld [tilespmem:s12+$0x8240]  }
0x10b: {  	v13 =	vld [tilespmem:s12+$0x8250]  }
0x10c: {  	v11 =	vld [tilespmem:s12+$0x8260]  }
0x10d: {  	v10 =	vld [tilespmem:s12+$0x8270]  }
0x10e: {  	s13 =	simm.s32 $0x100;
	v14 =	vld [tilespmem:s12+$0x6240]  }
.LBB2_8:
0x10f: {  	p0 =	sne.s32 s13, $0x7F00;
	v15 =	vld [tilespmem:s12+$0x6250]  }
0x110: {  	v16 =	vld [tilespmem:s12+$0x6260]  }
0x111: {  	v12 =	vmul.f32 v12, v7;
	v17 =	vld [tilespmem:s12+$0x6270]  }
0x112: {  	v13 =	vmul.f32 v13, v7;
	v18 =	vld [tilespmem:s12+$0xA260]  }
0x113: {  	s14 =	sshra.s32 s13, $0x2;
	v11 =	vmul.f32 v11, v7;
	v12 =	vadd.f32 v12, v14;
	v14 =	vld [tilespmem:s12+$0xA270]  }
0x114: {  	v10 =	vmul.f32 v10, v7;
	v19 =	vld [tilespmem:s14+$0xA240];
	v13 =	vadd.f32 v13, v15  }
0x115: {  	v15 =	vld [tilespmem:s14+$0xA250];
	v8 =	vadd.f32 v12, v8;
	v11 =	vadd.f32 v11, v16  }
.Ltmp3:
0x116: {  	v12 =	vld [tilespmem:s14+$0x8240];
	v9 =	vadd.f32 v13, v9;
	v10 =	vadd.f32 v10, v17;
	(pc) =	sbr.rel @p0 .LBB2_8-.Ltmp3, $4  }
0x117: {  	v13 =	vld [tilespmem:s14+$0x8250];
	[tilespmem:s12+$0x6240] =	vst v8;
	v16 =	vadd.f32 v11, v18  }
0x118: {  	v11 =	vld [tilespmem:s14+$0x8260];
	[tilespmem:s12+$0x6250] =	vst v9;
	v17 =	vadd.f32 v10, v14  }
0x119: {  	v10 =	vld [tilespmem:s14+$0x8270];
	[tilespmem:s12+$0x6260] =	vst v16;
	v8 =	vmov v19  }
0x11a: {  	s13 =	sadd.s32 $0x100, s13;
	v14 =	vld [tilespmem:s14+$0x6240];
	[tilespmem:s12+$0x6270] =	vst v17;
	v9 =	vmov v15;
	s12 =	smov.u32 s14  }
0x11b: {  	v15 =	vld [tilespmem:s12+$0x6250]  }
0x11c: {  	v17 =	vld [tilespmem:s12+$0x6270]  }
0x11d: {  	v16 =	vld [tilespmem:s12+$0x6260];
	v12 =	vmul.f32 v12, v7  }
0x11e: {  	v62 =	vld [tilespmem:s12+$0xA270];
	v13 =	vmul.f32 v13, v7  }
0x11f: {  	v18 =	vld [tilespmem:s12+$0xA260];
	v11 =	vmul.f32 v11, v7;
	v7 =	vmul.f32 v10, v7;
	v12 =	vadd.f32 v12, v14  }
0x120: {  	v13 =	vadd.f32 v13, v15  }
0x121: {  	v7 =	vadd.f32 v7, v17;
	v8 =	vadd.f32 v12, v8  }
0x122: {  	v63 =	vadd.f32 v11, v16;
	v9 =	vadd.f32 v13, v9  }
0x123: {  	v7 =	vadd.f32 v7, v62;
	[tilespmem:s12+$0x6240] =	vst v8  }
0x124: {  	v8 =	vadd.f32 v63, v18;
	[tilespmem:s12+$0x6250] =	vst v9  }
0x125: {  	[tilespmem:s12+$0x6270] =	vst v7  }
0x126: {  	s11 =	sadd.s32 $0x1, s11;
	[tilespmem:s12+$0x6260] =	vst v8  }
0x127: {  	[hbm4b:s20+s1] =	stream.linear.scatter [tilespmem:s25], [sflag:$0x5], $0x2000, $0x38;
	[tilespmem:$0xC240] =	vst v63  }
0x128: {  	p0 =	sne.s32 s11, s21;
	_ =	swait.ge [sflag:s8], $0x2000  }
.Ltmp4:
0x129: {  	[sflag:s8] =	ssyncset.done $0x0;
	(pc) =	sbr.rel @p0 .LBB2_1-.Ltmp4, $4  }
0x12a: {  	[sflag:s8] =	ssyncadd.s32 $0xFFFFE000  }
0x12b: {  	_ =	swait.ge [sflag:s10], $0x2000  }
0x12c: {  	[sflag:s10] =	ssyncset.done $0x0  }
0x12d: {  	[sflag:s10] =	ssyncadd.s32 $0xFFFFE000  }
0x12e: {  	_ =	sfence.sel $0x180000  }
0x12f: {  	[bflag:$0x0] =	sbarrier.arrive $0xFFFF  }
0x130: {  	_ =	strace $0x9000004A  }
0x131: {  	s0 =	stileid.u32;
	[bflag:$0x2] =	sbarrier.arrive $0xFFFF  }
0x132: {  	p0 =	sne.s32 s0, $0x0;
	s0 =	rddreg [dreg:$0x3]  }
0x133: {  	s0 =	sadd.s32 @!p0 $0x100000, s0  }
0x134: {  	[sflag:s0] =	ssyncadd.tile.s32 @!p0 $0x1;
	_ =	shalt  }
.Lfunc_end2:
_tile_overlayer_lowered:
.L_overlay_start_2:
0x135: {  	(tag) =	ssettag $0x2  }
0x136: {  	s0 =	rddreg [dreg:$0x0];
	s2 =	stileid.u32  }
0x137: {  	s1 =	rddreg [dreg:$0x1];
	p0 =	sne.s32 s2, $0x0  }
0x138: {  	s3 =	rddreg [dreg:$0x2];
	[bflag:$0x3] =	sbarrier.arrive $0xFFFF;
	s2 =	simm.s32 @!p0 $0x1C06  }
0x139: {  	[timem:s3], [sflag:s2] =	dma.local @!p0 [hbm:s0], s1  }
0x13a: {  	s0 =	simm.s32 @!p0 $0x6  }
0x13b: {  	_ =	swait.ge @!p0 [sflag:s0], s1  }
0x13c: {  	s1 =	ssub.s32 @!p0 $0x0, s1;
	[sflag:s0] =	ssyncset.done @!p0 $0x0  }
0x13d: {  	[sflag:s0] =	ssyncadd.s32 @!p0 s1  }
0x13e: {  	[bflag:$0x3] =	sbarrier.arrive $0xFFFF  }
0x13f: {  	_ =	shalt  }

</sc_bundles>
